<compile_context>
chip_gen: v7x
topology: tpu7x:2x2x1
jax: 0.10.2.dev20260603
libtpu: 0.0.44.dev20260713+nightly
codegen_flags: <defaults>
</compile_context>

<pallas_src>
import functools

import jax
import jax.numpy as jnp
from jax import lax
from jax.experimental import pallas as pl
from jax.experimental.pallas import tpu as pltpu
from jax.experimental.pallas import tpu_sc as plsc

N = 10000
E = 320000
D_IN = 128
H = 16
A = 10

NC = 2
NS = 16
NW = NC * NS
CHUNK = 2000
NWIN = E // (NW * CHUNK)
EPW = E // NW
ROWS_PT = N // NS
NF = (N * H) // 128

_f32 = jnp.float32



@functools.cache
def _sc_kernels():
    mesh = plsc.VectorSubcoreMesh(core_axis_name="c", subcore_axis_name="s",
                                  num_cores=NC, num_subcores=NS)

    @functools.partial(
        pl.kernel,
        out_type=jax.ShapeDtypeStruct((NC, N, H), _f32),
        mesh=mesh,
        scratch_types=[
            pltpu.VMEM((NWIN, CHUNK), jnp.int32),
            pltpu.VMEM((CHUNK, H), _f32),
            pltpu.VMEM_SHARED((N, H), _f32),
            pltpu.SemaphoreType.DMA,
            pltpu.SemaphoreType.DMA,
        ],
        compiler_params=pltpu.CompilerParams(use_tc_tiling_on_sc=False),
    )
    def sc_degree(edge_hbm, ones_hbm, zeros_hbm, out_hbm,
                  coli_v, ones_v, acc_sh, sem_i, sem_s):
        cid = lax.axis_index("c")
        sid = lax.axis_index("s")
        wid = cid * NS + sid
        base = wid * EPW
        idx_d = [pltpu.async_copy(edge_hbm.at[1, pl.ds(base + j * CHUNK, CHUNK)],
                                  coli_v.at[j], sem_i)
                 for j in range(NWIN)]
        pltpu.sync_copy(ones_hbm, ones_v)
        pltpu.sync_copy(zeros_hbm, acc_sh.at[pl.ds(sid * ROWS_PT, ROWS_PT)])
        for d in idx_d:
            d.wait()
        plsc.subcore_barrier()
        sds = [pltpu.async_copy(ones_v, acc_sh.at[coli_v.at[j]], sem_s,
                                add=True)
               for j in range(NWIN)]
        for sd in sds:
            sd.wait()
        plsc.subcore_barrier()
        pltpu.sync_copy(acc_sh.at[pl.ds(sid * ROWS_PT, ROWS_PT)],
                        out_hbm.at[cid, pl.ds(sid * ROWS_PT, ROWS_PT)])

    @functools.partial(
        pl.kernel,
        out_type=jax.ShapeDtypeStruct((NC, N, H), _f32),
        mesh=mesh,
        scratch_types=[
            pltpu.VMEM((NWIN, CHUNK), jnp.int32),
            pltpu.VMEM((NWIN, CHUNK), jnp.int32),
            pltpu.VMEM((CHUNK, H), _f32),
            pltpu.VMEM((CHUNK, H), _f32),
            pltpu.VMEM((CHUNK, H), _f32),
            pltpu.VMEM_SHARED((N, H), _f32),
            pltpu.SemaphoreType.DMA,
            pltpu.SemaphoreType.DMA,
            pltpu.SemaphoreType.DMA,
            pltpu.SemaphoreType.DMA,
            pltpu.SemaphoreType.DMA,
            pltpu.SemaphoreType.DMA,
            pltpu.SemaphoreType.DMA,
        ],
        compiler_params=pltpu.CompilerParams(use_tc_tiling_on_sc=False),
    )
    def sc_scatter(y_hbm, edge_hbm, zeros_hbm, out_hbm,
                   rowi_v, coli_v, rows0_v, rows1_v, rows2_v, acc_sh,
                   sem_i, sem_g0, sem_g1, sem_g2, sem_s0, sem_s1, sem_s2):
        cid = lax.axis_index("c")
        sid = lax.axis_index("s")
        wid = cid * NS + sid
        base = wid * EPW
        idx_d = [pltpu.async_copy(edge_hbm.at[r, pl.ds(base + j * CHUNK, CHUNK)],
                                  (rowi_v, coli_v)[r].at[j], sem_i)
                 for j in range(NWIN) for r in (0, 1)]
        pltpu.sync_copy(zeros_hbm, acc_sh.at[pl.ds(sid * ROWS_PT, ROWS_PT)])
        for d in idx_d:
            d.wait()
        plsc.subcore_barrier()
        rows = (rows0_v, rows1_v, rows2_v)
        sem_g = (sem_g0, sem_g1, sem_g2)
        sem_s = (sem_s0, sem_s1, sem_s2)
        gd = [None] * NWIN
        sd = [None] * NWIN
        for j in range(2):
            gd[j] = pltpu.async_copy(y_hbm.at[rowi_v.at[j]], rows[j],
                                     sem_g[j])
        for j in range(NWIN):
            gd[j].wait()
            sd[j] = pltpu.async_copy(rows[j % 3], acc_sh.at[coli_v.at[j]],
                                     sem_s[j % 3], add=True)
            if j + 2 < NWIN:
                if j >= 1:
                    sd[j - 1].wait()
                gd[j + 2] = pltpu.async_copy(y_hbm.at[rowi_v.at[j + 2]],
                                             rows[(j + 2) % 3],
                                             sem_g[(j + 2) % 3])
        sd[NWIN - 3].wait()
        sd[NWIN - 2].wait()
        sd[NWIN - 1].wait()
        plsc.subcore_barrier()
        pltpu.sync_copy(acc_sh.at[pl.ds(sid * ROWS_PT, ROWS_PT)],
                        out_hbm.at[cid, pl.ds(sid * ROWS_PT, ROWS_PT)])

    return sc_degree, sc_scatter



def _tc_mm_body(xg_ref, w1big_ref, xw_ref):
    xw_ref[...] = jnp.dot(xg_ref[...], w1big_ref[...],
                          preferred_element_type=_f32)


_tc_mm = pl.pallas_call(
    _tc_mm_body,
    grid=(1,),
    in_specs=[
        pl.BlockSpec((NF, 8 * D_IN), lambda i: (0, 0)),
        pl.BlockSpec((8 * D_IN, 128), lambda i: (0, 0)),
    ],
    out_specs=pl.BlockSpec((NF, 128), lambda i: (0, 0)),
    out_shape=jax.ShapeDtypeStruct((NF, 128), _f32),
)


def _tc_scale_body(xw_ref, degp_ref, y1_ref, dis_ref):
    deg = degp_ref[0] + degp_ref[1] + 1.0
    dis = lax.rsqrt(deg)
    y1_ref[...] = xw_ref[...] * dis
    dis_ref[...] = dis


_tc_scale = pl.pallas_call(
    _tc_scale_body,
    grid=(1,),
    in_specs=[
        pl.BlockSpec((NF, 128), lambda i: (0, 0)),
        pl.BlockSpec((NC, NF, 128), lambda i: (0, 0, 0)),
    ],
    out_specs=[
        pl.BlockSpec((NF, 128), lambda i: (0, 0)),
        pl.BlockSpec((NF, 128), lambda i: (0, 0)),
    ],
    out_shape=[
        jax.ShapeDtypeStruct((NF, 128), _f32),
        jax.ShapeDtypeStruct((NF, 128), _f32),
    ],
)


def _tc_mid_body(sp_ref, y1_ref, dis_ref, b1_ref, w2big_ref, y2_ref):
    s = sp_ref[0] + sp_ref[1] + y1_ref[...]
    h1 = jnp.maximum(dis_ref[...] * s + b1_ref[...], 0.0)
    y2_ref[...] = jnp.dot(h1, w2big_ref[...],
                          preferred_element_type=_f32) * dis_ref[...]


_tc_mid = pl.pallas_call(
    _tc_mid_body,
    grid=(1,),
    in_specs=[
        pl.BlockSpec((NC, NF, 128), lambda i: (0, 0, 0)),
        pl.BlockSpec((NF, 128), lambda i: (0, 0)),
        pl.BlockSpec((NF, 128), lambda i: (0, 0)),
        pl.BlockSpec((1, 128), lambda i: (0, 0)),
        pl.BlockSpec((128, 128), lambda i: (0, 0)),
    ],
    out_specs=pl.BlockSpec((NF, 128), lambda i: (0, 0)),
    out_shape=jax.ShapeDtypeStruct((NF, 128), _f32),
)


def _tc_out_body(sp_ref, y2_ref, dis_ref, b2_ref, wc_ref, bc_ref, out_ref):
    s = sp_ref[0] + sp_ref[1] + y2_ref[...]
    h2 = jnp.maximum(dis_ref[...] * s + b2_ref[...], 0.0)
    m = jnp.max(h2, axis=0, keepdims=True)
    pooled = m[:, 0:H]
    for a in range(1, 8):
        pooled = jnp.maximum(pooled, m[:, a * H:(a + 1) * H])
    out_ref[...] = (jnp.dot(pooled, wc_ref[...],
                            preferred_element_type=_f32) + bc_ref[...])


_tc_out = pl.pallas_call(
    _tc_out_body,
    grid=(1,),
    in_specs=[
        pl.BlockSpec((NC, NF, 128), lambda i: (0, 0, 0)),
        pl.BlockSpec((NF, 128), lambda i: (0, 0)),
        pl.BlockSpec((NF, 128), lambda i: (0, 0)),
        pl.BlockSpec((1, 128), lambda i: (0, 0)),
        pl.BlockSpec((H, A), lambda i: (0, 0)),
        pl.BlockSpec((1, A), lambda i: (0, 0)),
    ],
    out_specs=pl.BlockSpec((1, A), lambda i: (0, 0)),
    out_shape=jax.ShapeDtypeStruct((1, A), _f32),
)



def kernel(x, edge_index, W1, b1, W2, b2, Wc, bc):
    edge = edge_index.astype(jnp.int32)
    xg = x.reshape(NF, 8 * D_IN)
    eye8 = jnp.eye(8, dtype=_f32)
    w1big = jnp.kron(eye8, W1)
    w2big = jnp.kron(eye8, W2)
    b1f = jnp.tile(b1, 8).reshape(1, 128)
    b2f = jnp.tile(b2, 8).reshape(1, 128)
    ones_c = jnp.ones((CHUNK, H), _f32)
    zeros_c = jnp.zeros((ROWS_PT, H), _f32)

    sc_degree, sc_scatter = _sc_kernels()
    degp = sc_degree(edge, ones_c, zeros_c)
    xwf = _tc_mm(xg, w1big)
    y1f, disf = _tc_scale(xwf, degp.reshape(NC, NF, 128))
    s1 = sc_scatter(y1f.reshape(N, H), edge, zeros_c)
    y2f = _tc_mid(s1.reshape(NC, NF, 128), y1f, disf, b1f, w2big)
    s2 = sc_scatter(y2f.reshape(N, H), edge, zeros_c)
    out = _tc_out(s2.reshape(NC, NF, 128), y2f, disf, b2f,
                  Wc, bc.reshape(1, A))
    return out.reshape((A,))

# --- scband reference (transcript-rebuilt; emitter-appended) ---
"""Pipeline reference for scband-gcnpolicy-72224170049793 (READ-ONLY COPY).

The authoritative reference and input builder live on the scoring server;
editing this copy changes nothing except your own understanding.
"""

import jax, jax.numpy as jnp
import numpy as np

NUM_NODES = 10000
NUM_EDGES = 320000
D_IN = 128
D_HID = 16
NUM_ACTIONS = 10


def setup_inputs(seed: int = 0) -> dict:
    key = jax.random.key(seed)
    ks = jax.random.split(key, 8)
    x = jax.random.normal(ks[0], (NUM_NODES, D_IN), dtype=jnp.float32)
    edge_index = jax.random.randint(ks[1], (2, NUM_EDGES), 0, NUM_NODES, dtype=jnp.int64)
    # GCNConv parameters (glorot-ish scaling)
    W1 = jax.random.normal(ks[2], (D_IN, D_HID), dtype=jnp.float32) * (1.0 / np.sqrt(D_IN))
    b1 = jnp.zeros((D_HID,), dtype=jnp.float32)
    W2 = jax.random.normal(ks[3], (D_HID, D_HID), dtype=jnp.float32) * (1.0 / np.sqrt(D_HID))
    b2 = jnp.zeros((D_HID,), dtype=jnp.float32)
    Wc = jax.random.normal(ks[4], (D_HID, NUM_ACTIONS), dtype=jnp.float32) * (1.0 / np.sqrt(D_HID))
    bc = jnp.zeros((NUM_ACTIONS,), dtype=jnp.float32)
    return {"x": x, "edge_index": edge_index, "W1": W1, "b1": b1,
            "W2": W2, "b2": b2, "Wc": Wc, "bc": bc}


def _gcn_conv(x, edge_index, W, b, num_nodes):
    # PyG GCNConv: add self-loops, symmetric normalization D^-1/2 (A+I) D^-1/2 X W + b
    row = edge_index[0]
    col = edge_index[1]
    loop = jnp.arange(num_nodes, dtype=row.dtype)
    row = jnp.concatenate([row, loop])
    col = jnp.concatenate([col, loop])
    ones = jnp.ones(row.shape[0], dtype=x.dtype)
    deg = jax.ops.segment_sum(ones, col, num_segments=num_nodes)
    deg_inv_sqrt = jnp.where(deg > 0, deg ** -0.5, 0.0)
    norm = deg_inv_sqrt[row] * deg_inv_sqrt[col]
    xw = x @ W
    msg = xw[row] * norm[:, None]
    out = jax.ops.segment_sum(msg, col, num_segments=num_nodes)
    return out + b


def reference(x, edge_index, W1, b1, W2, b2, Wc, bc):
    num_nodes = x.shape[0]
    h = _gcn_conv(x, edge_index, W1, b1, num_nodes)
    h = jax.nn.relu(h)
    # F.dropout(training=False) -> identity in eval mode
    h = _gcn_conv(h, edge_index, W2, b2, num_nodes)
    h = jax.nn.relu(h)
    # global MaxAggregation over all nodes -> [1, hidden]
    pooled = jnp.max(h, axis=0, keepdims=True)
    out = pooled @ Wc + bc  # [1, num_actions]
    return jnp.squeeze(out)  # [num_actions]

if __name__ == "__main__":
    import jax
    _d = setup_inputs()
    print(jax.jit(kernel)(*tuple(_d.values())))

</pallas_src>

<mosaic_0001>
#map = affine_map<(d0, d1) -> (0, 0)>
#map1 = affine_map<(d0, d1) -> (0, 0, 0)>
module attributes {stable_mosaic.version = 14 : i64} {
  func.func @sc_scatter(%arg0: i32, %arg1: i32, %arg2: memref<10000x16xf32, #tpu.memory_space<hbm>>, %arg3: memref<2x320000xi32, #tpu.memory_space<hbm>>, %arg4: memref<625x16xf32, #tpu.memory_space<hbm>>, %arg5: memref<2x10000x16xf32, #tpu.memory_space<hbm>>, %arg6: memref<5x2000xi32, #tpu.memory_space<vmem>>, %arg7: memref<5x2000xi32, #tpu.memory_space<vmem>>, %arg8: memref<2000x16xf32, #tpu.memory_space<vmem>>, %arg9: memref<2000x16xf32, #tpu.memory_space<vmem>>, %arg10: memref<2000x16xf32, #tpu.memory_space<vmem>>, %arg11: memref<10000x16xf32, #tpu.memory_space<vmem_shared>>, %arg12: memref<!tpu.dma_semaphore, #tpu.memory_space<semaphore_mem>>, %arg13: memref<!tpu.dma_semaphore, #tpu.memory_space<semaphore_mem>>, %arg14: memref<!tpu.dma_semaphore, #tpu.memory_space<semaphore_mem>>, %arg15: memref<!tpu.dma_semaphore, #tpu.memory_space<semaphore_mem>>, %arg16: memref<!tpu.dma_semaphore, #tpu.memory_space<semaphore_mem>>, %arg17: memref<!tpu.dma_semaphore, #tpu.memory_space<semaphore_mem>>, %arg18: memref<!tpu.dma_semaphore, #tpu.memory_space<semaphore_mem>>) attributes {dimension_semantics = [#tpu.dimension_semantics<core_parallel>, #tpu.dimension_semantics<subcore_parallel>], iteration_bounds = array<i64: 2, 16>, scalar_prefetch = 0 : i64, scratch_operands = 13 : i64, tpu.core_type = #tpu.core_type<sc_vector_subcore>, window_params = [{transform_indices = #map}, {transform_indices = #map}, {transform_indices = #map}, {transform_indices = #map1}]} {
    %mul3A = arith.constant 16 : i32
    %mul3A_0 = arith.muli %arg0, %mul3A : i32
    %add3A = arith.addi %mul3A_0, %arg1 : i32
    %mul3A_1 = arith.constant 10000 : i32
    %mul3A_2 = arith.muli %add3A, %mul3A_1 : i32
    %add3A_3 = arith.constant 0 : i32
    %add3A_4 = arith.addi %mul3A_2, %add3A_3 : i32
    %dma_start3A = arith.constant 0 : i32
    %dma_start3A_5 = arith.constant 0 : i32
    %dma_start3A_6 = arith.constant 0 : i32
    %dma_start3A_7 = tpu.memref_slice %arg6[%dma_start3A_5, %dma_start3A_6] : memref<5x2000xi32, #tpu.memory_space<vmem>> -> memref<1x2000xi32, #tpu.memory_space<vmem>>
    %dma_start3A_8 = tpu.memref_squeeze %dma_start3A_7 : memref<1x2000xi32, #tpu.memory_space<vmem>> -> memref<2000xi32, #tpu.memory_space<vmem>>
    %dma_start3A_9 = tpu.memref_slice %arg3[%dma_start3A, %add3A_4] : memref<2x320000xi32, #tpu.memory_space<hbm>> -> memref<1x2000xi32, #tpu.memory_space<hbm>>
    %dma_start3A_10 = tpu.memref_squeeze %dma_start3A_9 : memref<1x2000xi32, #tpu.memory_space<hbm>> -> memref<2000xi32, #tpu.memory_space<hbm>>
    %dma_start3A_11 = arith.constant 0 : i32
    %dma_start3A_12 = tpu.memref_slice %arg6[%dma_start3A_5, %dma_start3A_11] : memref<5x2000xi32, #tpu.memory_space<vmem>> -> memref<1x2000xi32, #tpu.memory_space<vmem>>
    %dma_start3A_13 = tpu.memref_squeeze %dma_start3A_12 : memref<1x2000xi32, #tpu.memory_space<vmem>> -> memref<2000xi32, #tpu.memory_space<vmem>>
    %dma_start3A_14 = tpu.memref_slice %arg3[%dma_start3A, %add3A_4] : memref<2x320000xi32, #tpu.memory_space<hbm>> -> memref<1x2000xi32, #tpu.memory_space<hbm>>
    %dma_start3A_15 = tpu.memref_squeeze %dma_start3A_14 : memref<1x2000xi32, #tpu.memory_space<hbm>> -> memref<2000xi32, #tpu.memory_space<hbm>>
    tpu.enqueue_dma source(%dma_start3A_15 : memref<2000xi32, #tpu.memory_space<hbm>>) target(%dma_start3A_13 : memref<2000xi32, #tpu.memory_space<vmem>>) target_semaphore(%arg12 : memref<!tpu.dma_semaphore, #tpu.memory_space<semaphore_mem>>)
    %add3A_16 = arith.constant 0 : i32
    %add3A_17 = arith.addi %mul3A_2, %add3A_16 : i32
    %dma_start3A_18 = arith.constant 1 : i32
    %dma_start3A_19 = arith.constant 0 : i32
    %dma_start3A_20 = arith.constant 0 : i32
    %dma_start3A_21 = tpu.memref_slice %arg7[%dma_start3A_19, %dma_start3A_20] : memref<5x2000xi32, #tpu.memory_space<vmem>> -> memref<1x2000xi32, #tpu.memory_space<vmem>>
    %dma_start3A_22 = tpu.memref_squeeze %dma_start3A_21 : memref<1x2000xi32, #tpu.memory_space<vmem>> -> memref<2000xi32, #tpu.memory_space<vmem>>
    %dma_start3A_23 = tpu.memref_slice %arg3[%dma_start3A_18, %add3A_17] : memref<2x320000xi32, #tpu.memory_space<hbm>> -> memref<1x2000xi32, #tpu.memory_space<hbm>>
    %dma_start3A_24 = tpu.memref_squeeze %dma_start3A_23 : memref<1x2000xi32, #tpu.memory_space<hbm>> -> memref<2000xi32, #tpu.memory_space<hbm>>
    %dma_start3A_25 = arith.constant 0 : i32
    %dma_start3A_26 = tpu.memref_slice %arg7[%dma_start3A_19, %dma_start3A_25] : memref<5x2000xi32, #tpu.memory_space<vmem>> -> memref<1x2000xi32, #tpu.memory_space<vmem>>
    %dma_start3A_27 = tpu.memref_squeeze %dma_start3A_26 : memref<1x2000xi32, #tpu.memory_space<vmem>> -> memref<2000xi32, #tpu.memory_space<vmem>>
    %dma_start3A_28 = tpu.memref_slice %arg3[%dma_start3A_18, %add3A_17] : memref<2x320000xi32, #tpu.memory_space<hbm>> -> memref<1x2000xi32, #tpu.memory_space<hbm>>
    %dma_start3A_29 = tpu.memref_squeeze %dma_start3A_28 : memref<1x2000xi32, #tpu.memory_space<hbm>> -> memref<2000xi32, #tpu.memory_space<hbm>>
    tpu.enqueue_dma source(%dma_start3A_29 : memref<2000xi32, #tpu.memory_space<hbm>>) target(%dma_start3A_27 : memref<2000xi32, #tpu.memory_space<vmem>>) target_semaphore(%arg12 : memref<!tpu.dma_semaphore, #tpu.memory_space<semaphore_mem>>)
    %add3A_30 = arith.constant 2000 : i32
    %add3A_31 = arith.addi %mul3A_2, %add3A_30 : i32
    %dma_start3A_32 = arith.constant 0 : i32
    %dma_start3A_33 = arith.constant 1 : i32
    %dma_start3A_34 = arith.constant 0 : i32
    %dma_start3A_35 = tpu.memref_slice %arg6[%dma_start3A_33, %dma_start3A_34] : memref<5x2000xi32, #tpu.memory_space<vmem>> -> memref<1x2000xi32, #tpu.memory_space<vmem>>
    %dma_start3A_36 = tpu.memref_squeeze %dma_start3A_35 : memref<1x2000xi32, #tpu.memory_space<vmem>> -> memref<2000xi32, #tpu.memory_space<vmem>>
    %dma_start3A_37 = tpu.memref_slice %arg3[%dma_start3A_32, %add3A_31] : memref<2x320000xi32, #tpu.memory_space<hbm>> -> memref<1x2000xi32, #tpu.memory_space<hbm>>
    %dma_start3A_38 = tpu.memref_squeeze %dma_start3A_37 : memref<1x2000xi32, #tpu.memory_space<hbm>> -> memref<2000xi32, #tpu.memory_space<hbm>>
    %dma_start3A_39 = arith.constant 0 : i32
    %dma_start3A_40 = tpu.memref_slice %arg6[%dma_start3A_33, %dma_start3A_39] : memref<5x2000xi32, #tpu.memory_space<vmem>> -> memref<1x2000xi32, #tpu.memory_space<vmem>>
    %dma_start3A_41 = tpu.memref_squeeze %dma_start3A_40 : memref<1x2000xi32, #tpu.memory_space<vmem>> -> memref<2000xi32, #tpu.memory_space<vmem>>
    %dma_start3A_42 = tpu.memref_slice %arg3[%dma_start3A_32, %add3A_31] : memref<2x320000xi32, #tpu.memory_space<hbm>> -> memref<1x2000xi32, #tpu.memory_space<hbm>>
    %dma_start3A_43 = tpu.memref_squeeze %dma_start3A_42 : memref<1x2000xi32, #tpu.memory_space<hbm>> -> memref<2000xi32, #tpu.memory_space<hbm>>
    tpu.enqueue_dma source(%dma_start3A_43 : memref<2000xi32, #tpu.memory_space<hbm>>) target(%dma_start3A_41 : memref<2000xi32, #tpu.memory_space<vmem>>) target_semaphore(%arg12 : memref<!tpu.dma_semaphore, #tpu.memory_space<semaphore_mem>>)
    %add3A_44 = arith.constant 2000 : i32
    %add3A_45 = arith.addi %mul3A_2, %add3A_44 : i32
    %dma_start3A_46 = arith.constant 1 : i32
    %dma_start3A_47 = arith.constant 1 : i32
    %dma_start3A_48 = arith.constant 0 : i32
    %dma_start3A_49 = tpu.memref_slice %arg7[%dma_start3A_47, %dma_start3A_48] : memref<5x2000xi32, #tpu.memory_space<vmem>> -> memref<1x2000xi32, #tpu.memory_space<vmem>>
    %dma_start3A_50 = tpu.memref_squeeze %dma_start3A_49 : memref<1x2000xi32, #tpu.memory_space<vmem>> -> memref<2000xi32, #tpu.memory_space<vmem>>
    %dma_start3A_51 = tpu.memref_slice %arg3[%dma_start3A_46, %add3A_45] : memref<2x320000xi32, #tpu.memory_space<hbm>> -> memref<1x2000xi32, #tpu.memory_space<hbm>>
    %dma_start3A_52 = tpu.memref_squeeze %dma_start3A_51 : memref<1x2000xi32, #tpu.memory_space<hbm>> -> memref<2000xi32, #tpu.memory_space<hbm>>
    %dma_start3A_53 = arith.constant 0 : i32
    %dma_start3A_54 = tpu.memref_slice %arg7[%dma_start3A_47, %dma_start3A_53] : memref<5x2000xi32, #tpu.memory_space<vmem>> -> memref<1x2000xi32, #tpu.memory_space<vmem>>
    %dma_start3A_55 = tpu.memref_squeeze %dma_start3A_54 : memref<1x2000xi32, #tpu.memory_space<vmem>> -> memref<2000xi32, #tpu.memory_space<vmem>>
    %dma_start3A_56 = tpu.memref_slice %arg3[%dma_start3A_46, %add3A_45] : memref<2x320000xi32, #tpu.memory_space<hbm>> -> memref<1x2000xi32, #tpu.memory_space<hbm>>
    %dma_start3A_57 = tpu.memref_squeeze %dma_start3A_56 : memref<1x2000xi32, #tpu.memory_space<hbm>> -> memref<2000xi32, #tpu.memory_space<hbm>>
    tpu.enqueue_dma source(%dma_start3A_57 : memref<2000xi32, #tpu.memory_space<hbm>>) target(%dma_start3A_55 : memref<2000xi32, #tpu.memory_space<vmem>>) target_semaphore(%arg12 : memref<!tpu.dma_semaphore, #tpu.memory_space<semaphore_mem>>)
    %add3A_58 = arith.constant 4000 : i32
    %add3A_59 = arith.addi %mul3A_2, %add3A_58 : i32
    %dma_start3A_60 = arith.constant 0 : i32
    %dma_start3A_61 = arith.constant 2 : i32
    %dma_start3A_62 = arith.constant 0 : i32
    %dma_start3A_63 = tpu.memref_slice %arg6[%dma_start3A_61, %dma_start3A_62] : memref<5x2000xi32, #tpu.memory_space<vmem>> -> memref<1x2000xi32, #tpu.memory_space<vmem>>
    %dma_start3A_64 = tpu.memref_squeeze %dma_start3A_63 : memref<1x2000xi32, #tpu.memory_space<vmem>> -> memref<2000xi32, #tpu.memory_space<vmem>>
    %dma_start3A_65 = tpu.memref_slice %arg3[%dma_start3A_60, %add3A_59] : memref<2x320000xi32, #tpu.memory_space<hbm>> -> memref<1x2000xi32, #tpu.memory_space<hbm>>
    %dma_start3A_66 = tpu.memref_squeeze %dma_start3A_65 : memref<1x2000xi32, #tpu.memory_space<hbm>> -> memref<2000xi32, #tpu.memory_space<hbm>>
    %dma_start3A_67 = arith.constant 0 : i32
    %dma_start3A_68 = tpu.memref_slice %arg6[%dma_start3A_61, %dma_start3A_67] : memref<5x2000xi32, #tpu.memory_space<vmem>> -> memref<1x2000xi32, #tpu.memory_space<vmem>>
    %dma_start3A_69 = tpu.memref_squeeze %dma_start3A_68 : memref<1x2000xi32, #tpu.memory_space<vmem>> -> memref<2000xi32, #tpu.memory_space<vmem>>
    %dma_start3A_70 = tpu.memref_slice %arg3[%dma_start3A_60, %add3A_59] : memref<2x320000xi32, #tpu.memory_space<hbm>> -> memref<1x2000xi32, #tpu.memory_space<hbm>>
    %dma_start3A_71 = tpu.memref_squeeze %dma_start3A_70 : memref<1x2000xi32, #tpu.memory_space<hbm>> -> memref<2000xi32, #tpu.memory_space<hbm>>
    tpu.enqueue_dma source(%dma_start3A_71 : memref<2000xi32, #tpu.memory_space<hbm>>) target(%dma_start3A_69 : memref<2000xi32, #tpu.memory_space<vmem>>) target_semaphore(%arg12 : memref<!tpu.dma_semaphore, #tpu.memory_space<semaphore_mem>>)
    %add3A_72 = arith.constant 4000 : i32
    %add3A_73 = arith.addi %mul3A_2, %add3A_72 : i32
    %dma_start3A_74 = arith.constant 1 : i32
    %dma_start3A_75 = arith.constant 2 : i32
    %dma_start3A_76 = arith.constant 0 : i32
    %dma_start3A_77 = tpu.memref_slice %arg7[%dma_start3A_75, %dma_start3A_76] : memref<5x2000xi32, #tpu.memory_space<vmem>> -> memref<1x2000xi32, #tpu.memory_space<vmem>>
    %dma_start3A_78 = tpu.memref_squeeze %dma_start3A_77 : memref<1x2000xi32, #tpu.memory_space<vmem>> -> memref<2000xi32, #tpu.memory_space<vmem>>
    %dma_start3A_79 = tpu.memref_slice %arg3[%dma_start3A_74, %add3A_73] : memref<2x320000xi32, #tpu.memory_space<hbm>> -> memref<1x2000xi32, #tpu.memory_space<hbm>>
    %dma_start3A_80 = tpu.memref_squeeze %dma_start3A_79 : memref<1x2000xi32, #tpu.memory_space<hbm>> -> memref<2000xi32, #tpu.memory_space<hbm>>
    %dma_start3A_81 = arith.constant 0 : i32
    %dma_start3A_82 = tpu.memref_slice %arg7[%dma_start3A_75, %dma_start3A_81] : memref<5x2000xi32, #tpu.memory_space<vmem>> -> memref<1x2000xi32, #tpu.memory_space<vmem>>
    %dma_start3A_83 = tpu.memref_squeeze %dma_start3A_82 : memref<1x2000xi32, #tpu.memory_space<vmem>> -> memref<2000xi32, #tpu.memory_space<vmem>>
    %dma_start3A_84 = tpu.memref_slice %arg3[%dma_start3A_74, %add3A_73] : memref<2x320000xi32, #tpu.memory_space<hbm>> -> memref<1x2000xi32, #tpu.memory_space<hbm>>
    %dma_start3A_85 = tpu.memref_squeeze %dma_start3A_84 : memref<1x2000xi32, #tpu.memory_space<hbm>> -> memref<2000xi32, #tpu.memory_space<hbm>>
    tpu.enqueue_dma source(%dma_start3A_85 : memref<2000xi32, #tpu.memory_space<hbm>>) target(%dma_start3A_83 : memref<2000xi32, #tpu.memory_space<vmem>>) target_semaphore(%arg12 : memref<!tpu.dma_semaphore, #tpu.memory_space<semaphore_mem>>)
    %add3A_86 = arith.constant 6000 : i32
    %add3A_87 = arith.addi %mul3A_2, %add3A_86 : i32
    %dma_start3A_88 = arith.constant 0 : i32
    %dma_start3A_89 = arith.constant 3 : i32
    %dma_start3A_90 = arith.constant 0 : i32
    %dma_start3A_91 = tpu.memref_slice %arg6[%dma_start3A_89, %dma_start3A_90] : memref<5x2000xi32, #tpu.memory_space<vmem>> -> memref<1x2000xi32, #tpu.memory_space<vmem>>
    %dma_start3A_92 = tpu.memref_squeeze %dma_start3A_91 : memref<1x2000xi32, #tpu.memory_space<vmem>> -> memref<2000xi32, #tpu.memory_space<vmem>>
    %dma_start3A_93 = tpu.memref_slice %arg3[%dma_start3A_88, %add3A_87] : memref<2x320000xi32, #tpu.memory_space<hbm>> -> memref<1x2000xi32, #tpu.memory_space<hbm>>
    %dma_start3A_94 = tpu.memref_squeeze %dma_start3A_93 : memref<1x2000xi32, #tpu.memory_space<hbm>> -> memref<2000xi32, #tpu.memory_space<hbm>>
    %dma_start3A_95 = arith.constant 0 : i32
    %dma_start3A_96 = tpu.memref_slice %arg6[%dma_start3A_89, %dma_start3A_95] : memref<5x2000xi32, #tpu.memory_space<vmem>> -> memref<1x2000xi32, #tpu.memory_space<vmem>>
    %dma_start3A_97 = tpu.memref_squeeze %dma_start3A_96 : memref<1x2000xi32, #tpu.memory_space<vmem>> -> memref<2000xi32, #tpu.memory_space<vmem>>
    %dma_start3A_98 = tpu.memref_slice %arg3[%dma_start3A_88, %add3A_87] : memref<2x320000xi32, #tpu.memory_space<hbm>> -> memref<1x2000xi32, #tpu.memory_space<hbm>>
    %dma_start3A_99 = tpu.memref_squeeze %dma_start3A_98 : memref<1x2000xi32, #tpu.memory_space<hbm>> -> memref<2000xi32, #tpu.memory_space<hbm>>
    tpu.enqueue_dma source(%dma_start3A_99 : memref<2000xi32, #tpu.memory_space<hbm>>) target(%dma_start3A_97 : memref<2000xi32, #tpu.memory_space<vmem>>) target_semaphore(%arg12 : memref<!tpu.dma_semaphore, #tpu.memory_space<semaphore_mem>>)
    %add3A_100 = arith.constant 6000 : i32
    %add3A_101 = arith.addi %mul3A_2, %add3A_100 : i32
    %dma_start3A_102 = arith.constant 1 : i32
    %dma_start3A_103 = arith.constant 3 : i32
    %dma_start3A_104 = arith.constant 0 : i32
    %dma_start3A_105 = tpu.memref_slice %arg7[%dma_start3A_103, %dma_start3A_104] : memref<5x2000xi32, #tpu.memory_space<vmem>> -> memref<1x2000xi32, #tpu.memory_space<vmem>>
    %dma_start3A_106 = tpu.memref_squeeze %dma_start3A_105 : memref<1x2000xi32, #tpu.memory_space<vmem>> -> memref<2000xi32, #tpu.memory_space<vmem>>
    %dma_start3A_107 = tpu.memref_slice %arg3[%dma_start3A_102, %add3A_101] : memref<2x320000xi32, #tpu.memory_space<hbm>> -> memref<1x2000xi32, #tpu.memory_space<hbm>>
    %dma_start3A_108 = tpu.memref_squeeze %dma_start3A_107 : memref<1x2000xi32, #tpu.memory_space<hbm>> -> memref<2000xi32, #tpu.memory_space<hbm>>
    %dma_start3A_109 = arith.constant 0 : i32
    %dma_start3A_110 = tpu.memref_slice %arg7[%dma_start3A_103, %dma_start3A_109] : memref<5x2000xi32, #tpu.memory_space<vmem>> -> memref<1x2000xi32, #tpu.memory_space<vmem>>
    %dma_start3A_111 = tpu.memref_squeeze %dma_start3A_110 : memref<1x2000xi32, #tpu.memory_space<vmem>> -> memref<2000xi32, #tpu.memory_space<vmem>>
    %dma_start3A_112 = tpu.memref_slice %arg3[%dma_start3A_102, %add3A_101] : memref<2x320000xi32, #tpu.memory_space<hbm>> -> memref<1x2000xi32, #tpu.memory_space<hbm>>
    %dma_start3A_113 = tpu.memref_squeeze %dma_start3A_112 : memref<1x2000xi32, #tpu.memory_space<hbm>> -> memref<2000xi32, #tpu.memory_space<hbm>>
    tpu.enqueue_dma source(%dma_start3A_113 : memref<2000xi32, #tpu.memory_space<hbm>>) target(%dma_start3A_111 : memref<2000xi32, #tpu.memory_space<vmem>>) target_semaphore(%arg12 : memref<!tpu.dma_semaphore, #tpu.memory_space<semaphore_mem>>)
    %add3A_114 = arith.constant 8000 : i32
    %add3A_115 = arith.addi %mul3A_2, %add3A_114 : i32
    %dma_start3A_116 = arith.constant 0 : i32
    %dma_start3A_117 = arith.constant 4 : i32
    %dma_start3A_118 = arith.constant 0 : i32
    %dma_start3A_119 = tpu.memref_slice %arg6[%dma_start3A_117, %dma_start3A_118] : memref<5x2000xi32, #tpu.memory_space<vmem>> -> memref<1x2000xi32, #tpu.memory_space<vmem>>
    %dma_start3A_120 = tpu.memref_squeeze %dma_start3A_119 : memref<1x2000xi32, #tpu.memory_space<vmem>> -> memref<2000xi32, #tpu.memory_space<vmem>>
    %dma_start3A_121 = tpu.memref_slice %arg3[%dma_start3A_116, %add3A_115] : memref<2x320000xi32, #tpu.memory_space<hbm>> -> memref<1x2000xi32, #tpu.memory_space<hbm>>
    %dma_start3A_122 = tpu.memref_squeeze %dma_start3A_121 : memref<1x2000xi32, #tpu.memory_space<hbm>> -> memref<2000xi32, #tpu.memory_space<hbm>>
    %dma_start3A_123 = arith.constant 0 : i32
    %dma_start3A_124 = tpu.memref_slice %arg6[%dma_start3A_117, %dma_start3A_123] : memref<5x2000xi32, #tpu.memory_space<vmem>> -> memref<1x2000xi32, #tpu.memory_space<vmem>>
    %dma_start3A_125 = tpu.memref_squeeze %dma_start3A_124 : memref<1x2000xi32, #tpu.memory_space<vmem>> -> memref<2000xi32, #tpu.memory_space<vmem>>
    %dma_start3A_126 = tpu.memref_slice %arg3[%dma_start3A_116, %add3A_115] : memref<2x320000xi32, #tpu.memory_space<hbm>> -> memref<1x2000xi32, #tpu.memory_space<hbm>>
    %dma_start3A_127 = tpu.memref_squeeze %dma_start3A_126 : memref<1x2000xi32, #tpu.memory_space<hbm>> -> memref<2000xi32, #tpu.memory_space<hbm>>
    tpu.enqueue_dma source(%dma_start3A_127 : memref<2000xi32, #tpu.memory_space<hbm>>) target(%dma_start3A_125 : memref<2000xi32, #tpu.memory_space<vmem>>) target_semaphore(%arg12 : memref<!tpu.dma_semaphore, #tpu.memory_space<semaphore_mem>>)
    %add3A_128 = arith.constant 8000 : i32
    %add3A_129 = arith.addi %mul3A_2, %add3A_128 : i32
    %dma_start3A_130 = arith.constant 1 : i32
    %dma_start3A_131 = arith.constant 4 : i32
    %dma_start3A_132 = arith.constant 0 : i32
    %dma_start3A_133 = tpu.memref_slice %arg7[%dma_start3A_131, %dma_start3A_132] : memref<5x2000xi32, #tpu.memory_space<vmem>> -> memref<1x2000xi32, #tpu.memory_space<vmem>>
    %dma_start3A_134 = tpu.memref_squeeze %dma_start3A_133 : memref<1x2000xi32, #tpu.memory_space<vmem>> -> memref<2000xi32, #tpu.memory_space<vmem>>
    %dma_start3A_135 = tpu.memref_slice %arg3[%dma_start3A_130, %add3A_129] : memref<2x320000xi32, #tpu.memory_space<hbm>> -> memref<1x2000xi32, #tpu.memory_space<hbm>>
    %dma_start3A_136 = tpu.memref_squeeze %dma_start3A_135 : memref<1x2000xi32, #tpu.memory_space<hbm>> -> memref<2000xi32, #tpu.memory_space<hbm>>
    %dma_start3A_137 = arith.constant 0 : i32
    %dma_start3A_138 = tpu.memref_slice %arg7[%dma_start3A_131, %dma_start3A_137] : memref<5x2000xi32, #tpu.memory_space<vmem>> -> memref<1x2000xi32, #tpu.memory_space<vmem>>
    %dma_start3A_139 = tpu.memref_squeeze %dma_start3A_138 : memref<1x2000xi32, #tpu.memory_space<vmem>> -> memref<2000xi32, #tpu.memory_space<vmem>>
    %dma_start3A_140 = tpu.memref_slice %arg3[%dma_start3A_130, %add3A_129] : memref<2x320000xi32, #tpu.memory_space<hbm>> -> memref<1x2000xi32, #tpu.memory_space<hbm>>
    %dma_start3A_141 = tpu.memref_squeeze %dma_start3A_140 : memref<1x2000xi32, #tpu.memory_space<hbm>> -> memref<2000xi32, #tpu.memory_space<hbm>>
    tpu.enqueue_dma source(%dma_start3A_141 : memref<2000xi32, #tpu.memory_space<hbm>>) target(%dma_start3A_139 : memref<2000xi32, #tpu.memory_space<vmem>>) target_semaphore(%arg12 : memref<!tpu.dma_semaphore, #tpu.memory_space<semaphore_mem>>)
    %mul3A_142 = arith.constant 625 : i32
    %mul3A_143 = arith.muli %arg1, %mul3A_142 : i32
    "tpu.region"() ({
      %run_scoped3A = tpu.sem_alloc : memref<!tpu.dma_semaphore, #tpu.memory_space<semaphore_mem>>
      %dma_start3A_408 = arith.constant 0 : i32
      %dma_start3A_409 = tpu.memref_slice %arg11[%mul3A_143, %dma_start3A_408] : memref<10000x16xf32, #tpu.memory_space<vmem_shared>> -> memref<625x16xf32, #tpu.memory_space<vmem_shared>>
      tpu.enqueue_dma source(%arg4 : memref<625x16xf32, #tpu.memory_space<hbm>>) target(%dma_start3A_409 : memref<625x16xf32, #tpu.memory_space<vmem_shared>>) target_semaphore(%run_scoped3A : memref<!tpu.dma_semaphore, #tpu.memory_space<semaphore_mem>>)
      %dma_wait3A_410 = arith.constant 0 : i32
      %dma_wait3A_411 = tpu.memref_slice %arg11[%mul3A_143, %dma_wait3A_410] : memref<10000x16xf32, #tpu.memory_space<vmem_shared>> -> memref<625x16xf32, #tpu.memory_space<vmem_shared>>
      tpu.wait_dma2 semaphore(%run_scoped3A : memref<!tpu.dma_semaphore, #tpu.memory_space<semaphore_mem>>) src(%arg4 : memref<625x16xf32, #tpu.memory_space<hbm>>) dst(%dma_wait3A_411 : memref<625x16xf32, #tpu.memory_space<vmem_shared>>)
      tpu.yield
    }) : () -> ()
    %dma_wait3A = arith.constant 0 : i32
    %dma_wait3A_144 = arith.constant 0 : i32
    %dma_wait3A_145 = arith.constant 0 : i32
    %dma_wait3A_146 = tpu.memref_slice %arg6[%dma_wait3A_144, %dma_wait3A_145] : memref<5x2000xi32, #tpu.memory_space<vmem>> -> memref<1x2000xi32, #tpu.memory_space<vmem>>
    %dma_wait3A_147 = tpu.memref_squeeze %dma_wait3A_146 : memref<1x2000xi32, #tpu.memory_space<vmem>> -> memref<2000xi32, #tpu.memory_space<vmem>>
    %dma_wait3A_148 = tpu.memref_slice %arg3[%dma_wait3A, %add3A_4] : memref<2x320000xi32, #tpu.memory_space<hbm>> -> memref<1x2000xi32, #tpu.memory_space<hbm>>
    %dma_wait3A_149 = tpu.memref_squeeze %dma_wait3A_148 : memref<1x2000xi32, #tpu.memory_space<hbm>> -> memref<2000xi32, #tpu.memory_space<hbm>>
    %dma_wait3A_150 = arith.constant 0 : i32
    %dma_wait3A_151 = tpu.memref_slice %arg6[%dma_wait3A_144, %dma_wait3A_150] : memref<5x2000xi32, #tpu.memory_space<vmem>> -> memref<1x2000xi32, #tpu.memory_space<vmem>>
    %dma_wait3A_152 = tpu.memref_squeeze %dma_wait3A_151 : memref<1x2000xi32, #tpu.memory_space<vmem>> -> memref<2000xi32, #tpu.memory_space<vmem>>
    %dma_wait3A_153 = tpu.memref_slice %arg3[%dma_wait3A, %add3A_4] : memref<2x320000xi32, #tpu.memory_space<hbm>> -> memref<1x2000xi32, #tpu.memory_space<hbm>>
    %dma_wait3A_154 = tpu.memref_squeeze %dma_wait3A_153 : memref<1x2000xi32, #tpu.memory_space<hbm>> -> memref<2000xi32, #tpu.memory_space<hbm>>
    tpu.wait_dma2 semaphore(%arg12 : memref<!tpu.dma_semaphore, #tpu.memory_space<semaphore_mem>>) src(%dma_wait3A_154 : memref<2000xi32, #tpu.memory_space<hbm>>) dst(%dma_wait3A_152 : memref<2000xi32, #tpu.memory_space<vmem>>)
    %dma_wait3A_155 = arith.constant 1 : i32
    %dma_wait3A_156 = arith.constant 0 : i32
    %dma_wait3A_157 = arith.constant 0 : i32
    %dma_wait3A_158 = tpu.memref_slice %arg7[%dma_wait3A_156, %dma_wait3A_157] : memref<5x2000xi32, #tpu.memory_space<vmem>> -> memref<1x2000xi32, #tpu.memory_space<vmem>>
    %dma_wait3A_159 = tpu.memref_squeeze %dma_wait3A_158 : memref<1x2000xi32, #tpu.memory_space<vmem>> -> memref<2000xi32, #tpu.memory_space<vmem>>
    %dma_wait3A_160 = tpu.memref_slice %arg3[%dma_wait3A_155, %add3A_17] : memref<2x320000xi32, #tpu.memory_space<hbm>> -> memref<1x2000xi32, #tpu.memory_space<hbm>>
    %dma_wait3A_161 = tpu.memref_squeeze %dma_wait3A_160 : memref<1x2000xi32, #tpu.memory_space<hbm>> -> memref<2000xi32, #tpu.memory_space<hbm>>
    %dma_wait3A_162 = arith.constant 0 : i32
    %dma_wait3A_163 = tpu.memref_slice %arg7[%dma_wait3A_156, %dma_wait3A_162] : memref<5x2000xi32, #tpu.memory_space<vmem>> -> memref<1x2000xi32, #tpu.memory_space<vmem>>
    %dma_wait3A_164 = tpu.memref_squeeze %dma_wait3A_163 : memref<1x2000xi32, #tpu.memory_space<vmem>> -> memref<2000xi32, #tpu.memory_space<vmem>>
    %dma_wait3A_165 = tpu.memref_slice %arg3[%dma_wait3A_155, %add3A_17] : memref<2x320000xi32, #tpu.memory_space<hbm>> -> memref<1x2000xi32, #tpu.memory_space<hbm>>
    %dma_wait3A_166 = tpu.memref_squeeze %dma_wait3A_165 : memref<1x2000xi32, #tpu.memory_space<hbm>> -> memref<2000xi32, #tpu.memory_space<hbm>>
    tpu.wait_dma2 semaphore(%arg12 : memref<!tpu.dma_semaphore, #tpu.memory_space<semaphore_mem>>) src(%dma_wait3A_166 : memref<2000xi32, #tpu.memory_space<hbm>>) dst(%dma_wait3A_164 : memref<2000xi32, #tpu.memory_space<vmem>>)
    %dma_wait3A_167 = arith.constant 0 : i32
    %dma_wait3A_168 = arith.constant 1 : i32
    %dma_wait3A_169 = arith.constant 0 : i32
    %dma_wait3A_170 = tpu.memref_slice %arg6[%dma_wait3A_168, %dma_wait3A_169] : memref<5x2000xi32, #tpu.memory_space<vmem>> -> memref<1x2000xi32, #tpu.memory_space<vmem>>
    %dma_wait3A_171 = tpu.memref_squeeze %dma_wait3A_170 : memref<1x2000xi32, #tpu.memory_space<vmem>> -> memref<2000xi32, #tpu.memory_space<vmem>>
    %dma_wait3A_172 = tpu.memref_slice %arg3[%dma_wait3A_167, %add3A_31] : memref<2x320000xi32, #tpu.memory_space<hbm>> -> memref<1x2000xi32, #tpu.memory_space<hbm>>
    %dma_wait3A_173 = tpu.memref_squeeze %dma_wait3A_172 : memref<1x2000xi32, #tpu.memory_space<hbm>> -> memref<2000xi32, #tpu.memory_space<hbm>>
    %dma_wait3A_174 = arith.constant 0 : i32
    %dma_wait3A_175 = tpu.memref_slice %arg6[%dma_wait3A_168, %dma_wait3A_174] : memref<5x2000xi32, #tpu.memory_space<vmem>> -> memref<1x2000xi32, #tpu.memory_space<vmem>>
    %dma_wait3A_176 = tpu.memref_squeeze %dma_wait3A_175 : memref<1x2000xi32, #tpu.memory_space<vmem>> -> memref<2000xi32, #tpu.memory_space<vmem>>
    %dma_wait3A_177 = tpu.memref_slice %arg3[%dma_wait3A_167, %add3A_31] : memref<2x320000xi32, #tpu.memory_space<hbm>> -> memref<1x2000xi32, #tpu.memory_space<hbm>>
    %dma_wait3A_178 = tpu.memref_squeeze %dma_wait3A_177 : memref<1x2000xi32, #tpu.memory_space<hbm>> -> memref<2000xi32, #tpu.memory_space<hbm>>
    tpu.wait_dma2 semaphore(%arg12 : memref<!tpu.dma_semaphore, #tpu.memory_space<semaphore_mem>>) src(%dma_wait3A_178 : memref<2000xi32, #tpu.memory_space<hbm>>) dst(%dma_wait3A_176 : memref<2000xi32, #tpu.memory_space<vmem>>)
    %dma_wait3A_179 = arith.constant 1 : i32
    %dma_wait3A_180 = arith.constant 1 : i32
    %dma_wait3A_181 = arith.constant 0 : i32
    %dma_wait3A_182 = tpu.memref_slice %arg7[%dma_wait3A_180, %dma_wait3A_181] : memref<5x2000xi32, #tpu.memory_space<vmem>> -> memref<1x2000xi32, #tpu.memory_space<vmem>>
    %dma_wait3A_183 = tpu.memref_squeeze %dma_wait3A_182 : memref<1x2000xi32, #tpu.memory_space<vmem>> -> memref<2000xi32, #tpu.memory_space<vmem>>
    %dma_wait3A_184 = tpu.memref_slice %arg3[%dma_wait3A_179, %add3A_45] : memref<2x320000xi32, #tpu.memory_space<hbm>> -> memref<1x2000xi32, #tpu.memory_space<hbm>>
    %dma_wait3A_185 = tpu.memref_squeeze %dma_wait3A_184 : memref<1x2000xi32, #tpu.memory_space<hbm>> -> memref<2000xi32, #tpu.memory_space<hbm>>
    %dma_wait3A_186 = arith.constant 0 : i32
    %dma_wait3A_187 = tpu.memref_slice %arg7[%dma_wait3A_180, %dma_wait3A_186] : memref<5x2000xi32, #tpu.memory_space<vmem>> -> memref<1x2000xi32, #tpu.memory_space<vmem>>
    %dma_wait3A_188 = tpu.memref_squeeze %dma_wait3A_187 : memref<1x2000xi32, #tpu.memory_space<vmem>> -> memref<2000xi32, #tpu.memory_space<vmem>>
    %dma_wait3A_189 = tpu.memref_slice %arg3[%dma_wait3A_179, %add3A_45] : memref<2x320000xi32, #tpu.memory_space<hbm>> -> memref<1x2000xi32, #tpu.memory_space<hbm>>
    %dma_wait3A_190 = tpu.memref_squeeze %dma_wait3A_189 : memref<1x2000xi32, #tpu.memory_space<hbm>> -> memref<2000xi32, #tpu.memory_space<hbm>>
    tpu.wait_dma2 semaphore(%arg12 : memref<!tpu.dma_semaphore, #tpu.memory_space<semaphore_mem>>) src(%dma_wait3A_190 : memref<2000xi32, #tpu.memory_space<hbm>>) dst(%dma_wait3A_188 : memref<2000xi32, #tpu.memory_space<vmem>>)
    %dma_wait3A_191 = arith.constant 0 : i32
    %dma_wait3A_192 = arith.constant 2 : i32
    %dma_wait3A_193 = arith.constant 0 : i32
    %dma_wait3A_194 = tpu.memref_slice %arg6[%dma_wait3A_192, %dma_wait3A_193] : memref<5x2000xi32, #tpu.memory_space<vmem>> -> memref<1x2000xi32, #tpu.memory_space<vmem>>
    %dma_wait3A_195 = tpu.memref_squeeze %dma_wait3A_194 : memref<1x2000xi32, #tpu.memory_space<vmem>> -> memref<2000xi32, #tpu.memory_space<vmem>>
    %dma_wait3A_196 = tpu.memref_slice %arg3[%dma_wait3A_191, %add3A_59] : memref<2x320000xi32, #tpu.memory_space<hbm>> -> memref<1x2000xi32, #tpu.memory_space<hbm>>
    %dma_wait3A_197 = tpu.memref_squeeze %dma_wait3A_196 : memref<1x2000xi32, #tpu.memory_space<hbm>> -> memref<2000xi32, #tpu.memory_space<hbm>>
    %dma_wait3A_198 = arith.constant 0 : i32
    %dma_wait3A_199 = tpu.memref_slice %arg6[%dma_wait3A_192, %dma_wait3A_198] : memref<5x2000xi32, #tpu.memory_space<vmem>> -> memref<1x2000xi32, #tpu.memory_space<vmem>>
    %dma_wait3A_200 = tpu.memref_squeeze %dma_wait3A_199 : memref<1x2000xi32, #tpu.memory_space<vmem>> -> memref<2000xi32, #tpu.memory_space<vmem>>
    %dma_wait3A_201 = tpu.memref_slice %arg3[%dma_wait3A_191, %add3A_59] : memref<2x320000xi32, #tpu.memory_space<hbm>> -> memref<1x2000xi32, #tpu.memory_space<hbm>>
    %dma_wait3A_202 = tpu.memref_squeeze %dma_wait3A_201 : memref<1x2000xi32, #tpu.memory_space<hbm>> -> memref<2000xi32, #tpu.memory_space<hbm>>
    tpu.wait_dma2 semaphore(%arg12 : memref<!tpu.dma_semaphore, #tpu.memory_space<semaphore_mem>>) src(%dma_wait3A_202 : memref<2000xi32, #tpu.memory_space<hbm>>) dst(%dma_wait3A_200 : memref<2000xi32, #tpu.memory_space<vmem>>)
    %dma_wait3A_203 = arith.constant 1 : i32
    %dma_wait3A_204 = arith.constant 2 : i32
    %dma_wait3A_205 = arith.constant 0 : i32
    %dma_wait3A_206 = tpu.memref_slice %arg7[%dma_wait3A_204, %dma_wait3A_205] : memref<5x2000xi32, #tpu.memory_space<vmem>> -> memref<1x2000xi32, #tpu.memory_space<vmem>>
    %dma_wait3A_207 = tpu.memref_squeeze %dma_wait3A_206 : memref<1x2000xi32, #tpu.memory_space<vmem>> -> memref<2000xi32, #tpu.memory_space<vmem>>
    %dma_wait3A_208 = tpu.memref_slice %arg3[%dma_wait3A_203, %add3A_73] : memref<2x320000xi32, #tpu.memory_space<hbm>> -> memref<1x2000xi32, #tpu.memory_space<hbm>>
    %dma_wait3A_209 = tpu.memref_squeeze %dma_wait3A_208 : memref<1x2000xi32, #tpu.memory_space<hbm>> -> memref<2000xi32, #tpu.memory_space<hbm>>
    %dma_wait3A_210 = arith.constant 0 : i32
    %dma_wait3A_211 = tpu.memref_slice %arg7[%dma_wait3A_204, %dma_wait3A_210] : memref<5x2000xi32, #tpu.memory_space<vmem>> -> memref<1x2000xi32, #tpu.memory_space<vmem>>
    %dma_wait3A_212 = tpu.memref_squeeze %dma_wait3A_211 : memref<1x2000xi32, #tpu.memory_space<vmem>> -> memref<2000xi32, #tpu.memory_space<vmem>>
    %dma_wait3A_213 = tpu.memref_slice %arg3[%dma_wait3A_203, %add3A_73] : memref<2x320000xi32, #tpu.memory_space<hbm>> -> memref<1x2000xi32, #tpu.memory_space<hbm>>
    %dma_wait3A_214 = tpu.memref_squeeze %dma_wait3A_213 : memref<1x2000xi32, #tpu.memory_space<hbm>> -> memref<2000xi32, #tpu.memory_space<hbm>>
    tpu.wait_dma2 semaphore(%arg12 : memref<!tpu.dma_semaphore, #tpu.memory_space<semaphore_mem>>) src(%dma_wait3A_214 : memref<2000xi32, #tpu.memory_space<hbm>>) dst(%dma_wait3A_212 : memref<2000xi32, #tpu.memory_space<vmem>>)
    %dma_wait3A_215 = arith.constant 0 : i32
    %dma_wait3A_216 = arith.constant 3 : i32
    %dma_wait3A_217 = arith.constant 0 : i32
    %dma_wait3A_218 = tpu.memref_slice %arg6[%dma_wait3A_216, %dma_wait3A_217] : memref<5x2000xi32, #tpu.memory_space<vmem>> -> memref<1x2000xi32, #tpu.memory_space<vmem>>
    %dma_wait3A_219 = tpu.memref_squeeze %dma_wait3A_218 : memref<1x2000xi32, #tpu.memory_space<vmem>> -> memref<2000xi32, #tpu.memory_space<vmem>>
    %dma_wait3A_220 = tpu.memref_slice %arg3[%dma_wait3A_215, %add3A_87] : memref<2x320000xi32, #tpu.memory_space<hbm>> -> memref<1x2000xi32, #tpu.memory_space<hbm>>
    %dma_wait3A_221 = tpu.memref_squeeze %dma_wait3A_220 : memref<1x2000xi32, #tpu.memory_space<hbm>> -> memref<2000xi32, #tpu.memory_space<hbm>>
    %dma_wait3A_222 = arith.constant 0 : i32
    %dma_wait3A_223 = tpu.memref_slice %arg6[%dma_wait3A_216, %dma_wait3A_222] : memref<5x2000xi32, #tpu.memory_space<vmem>> -> memref<1x2000xi32, #tpu.memory_space<vmem>>
    %dma_wait3A_224 = tpu.memref_squeeze %dma_wait3A_223 : memref<1x2000xi32, #tpu.memory_space<vmem>> -> memref<2000xi32, #tpu.memory_space<vmem>>
    %dma_wait3A_225 = tpu.memref_slice %arg3[%dma_wait3A_215, %add3A_87] : memref<2x320000xi32, #tpu.memory_space<hbm>> -> memref<1x2000xi32, #tpu.memory_space<hbm>>
    %dma_wait3A_226 = tpu.memref_squeeze %dma_wait3A_225 : memref<1x2000xi32, #tpu.memory_space<hbm>> -> memref<2000xi32, #tpu.memory_space<hbm>>
    tpu.wait_dma2 semaphore(%arg12 : memref<!tpu.dma_semaphore, #tpu.memory_space<semaphore_mem>>) src(%dma_wait3A_226 : memref<2000xi32, #tpu.memory_space<hbm>>) dst(%dma_wait3A_224 : memref<2000xi32, #tpu.memory_space<vmem>>)
    %dma_wait3A_227 = arith.constant 1 : i32
    %dma_wait3A_228 = arith.constant 3 : i32
    %dma_wait3A_229 = arith.constant 0 : i32
    %dma_wait3A_230 = tpu.memref_slice %arg7[%dma_wait3A_228, %dma_wait3A_229] : memref<5x2000xi32, #tpu.memory_space<vmem>> -> memref<1x2000xi32, #tpu.memory_space<vmem>>
    %dma_wait3A_231 = tpu.memref_squeeze %dma_wait3A_230 : memref<1x2000xi32, #tpu.memory_space<vmem>> -> memref<2000xi32, #tpu.memory_space<vmem>>
    %dma_wait3A_232 = tpu.memref_slice %arg3[%dma_wait3A_227, %add3A_101] : memref<2x320000xi32, #tpu.memory_space<hbm>> -> memref<1x2000xi32, #tpu.memory_space<hbm>>
    %dma_wait3A_233 = tpu.memref_squeeze %dma_wait3A_232 : memref<1x2000xi32, #tpu.memory_space<hbm>> -> memref<2000xi32, #tpu.memory_space<hbm>>
    %dma_wait3A_234 = arith.constant 0 : i32
    %dma_wait3A_235 = tpu.memref_slice %arg7[%dma_wait3A_228, %dma_wait3A_234] : memref<5x2000xi32, #tpu.memory_space<vmem>> -> memref<1x2000xi32, #tpu.memory_space<vmem>>
    %dma_wait3A_236 = tpu.memref_squeeze %dma_wait3A_235 : memref<1x2000xi32, #tpu.memory_space<vmem>> -> memref<2000xi32, #tpu.memory_space<vmem>>
    %dma_wait3A_237 = tpu.memref_slice %arg3[%dma_wait3A_227, %add3A_101] : memref<2x320000xi32, #tpu.memory_space<hbm>> -> memref<1x2000xi32, #tpu.memory_space<hbm>>
    %dma_wait3A_238 = tpu.memref_squeeze %dma_wait3A_237 : memref<1x2000xi32, #tpu.memory_space<hbm>> -> memref<2000xi32, #tpu.memory_space<hbm>>
    tpu.wait_dma2 semaphore(%arg12 : memref<!tpu.dma_semaphore, #tpu.memory_space<semaphore_mem>>) src(%dma_wait3A_238 : memref<2000xi32, #tpu.memory_space<hbm>>) dst(%dma_wait3A_236 : memref<2000xi32, #tpu.memory_space<vmem>>)
    %dma_wait3A_239 = arith.constant 0 : i32
    %dma_wait3A_240 = arith.constant 4 : i32
    %dma_wait3A_241 = arith.constant 0 : i32
    %dma_wait3A_242 = tpu.memref_slice %arg6[%dma_wait3A_240, %dma_wait3A_241] : memref<5x2000xi32, #tpu.memory_space<vmem>> -> memref<1x2000xi32, #tpu.memory_space<vmem>>
    %dma_wait3A_243 = tpu.memref_squeeze %dma_wait3A_242 : memref<1x2000xi32, #tpu.memory_space<vmem>> -> memref<2000xi32, #tpu.memory_space<vmem>>
    %dma_wait3A_244 = tpu.memref_slice %arg3[%dma_wait3A_239, %add3A_115] : memref<2x320000xi32, #tpu.memory_space<hbm>> -> memref<1x2000xi32, #tpu.memory_space<hbm>>
    %dma_wait3A_245 = tpu.memref_squeeze %dma_wait3A_244 : memref<1x2000xi32, #tpu.memory_space<hbm>> -> memref<2000xi32, #tpu.memory_space<hbm>>
    %dma_wait3A_246 = arith.constant 0 : i32
    %dma_wait3A_247 = tpu.memref_slice %arg6[%dma_wait3A_240, %dma_wait3A_246] : memref<5x2000xi32, #tpu.memory_space<vmem>> -> memref<1x2000xi32, #tpu.memory_space<vmem>>
    %dma_wait3A_248 = tpu.memref_squeeze %dma_wait3A_247 : memref<1x2000xi32, #tpu.memory_space<vmem>> -> memref<2000xi32, #tpu.memory_space<vmem>>
    %dma_wait3A_249 = tpu.memref_slice %arg3[%dma_wait3A_239, %add3A_115] : memref<2x320000xi32, #tpu.memory_space<hbm>> -> memref<1x2000xi32, #tpu.memory_space<hbm>>
    %dma_wait3A_250 = tpu.memref_squeeze %dma_wait3A_249 : memref<1x2000xi32, #tpu.memory_space<hbm>> -> memref<2000xi32, #tpu.memory_space<hbm>>
    tpu.wait_dma2 semaphore(%arg12 : memref<!tpu.dma_semaphore, #tpu.memory_space<semaphore_mem>>) src(%dma_wait3A_250 : memref<2000xi32, #tpu.memory_space<hbm>>) dst(%dma_wait3A_248 : memref<2000xi32, #tpu.memory_space<vmem>>)
    %dma_wait3A_251 = arith.constant 1 : i32
    %dma_wait3A_252 = arith.constant 4 : i32
    %dma_wait3A_253 = arith.constant 0 : i32
    %dma_wait3A_254 = tpu.memref_slice %arg7[%dma_wait3A_252, %dma_wait3A_253] : memref<5x2000xi32, #tpu.memory_space<vmem>> -> memref<1x2000xi32, #tpu.memory_space<vmem>>
    %dma_wait3A_255 = tpu.memref_squeeze %dma_wait3A_254 : memref<1x2000xi32, #tpu.memory_space<vmem>> -> memref<2000xi32, #tpu.memory_space<vmem>>
    %dma_wait3A_256 = tpu.memref_slice %arg3[%dma_wait3A_251, %add3A_129] : memref<2x320000xi32, #tpu.memory_space<hbm>> -> memref<1x2000xi32, #tpu.memory_space<hbm>>
    %dma_wait3A_257 = tpu.memref_squeeze %dma_wait3A_256 : memref<1x2000xi32, #tpu.memory_space<hbm>> -> memref<2000xi32, #tpu.memory_space<hbm>>
    %dma_wait3A_258 = arith.constant 0 : i32
    %dma_wait3A_259 = tpu.memref_slice %arg7[%dma_wait3A_252, %dma_wait3A_258] : memref<5x2000xi32, #tpu.memory_space<vmem>> -> memref<1x2000xi32, #tpu.memory_space<vmem>>
    %dma_wait3A_260 = tpu.memref_squeeze %dma_wait3A_259 : memref<1x2000xi32, #tpu.memory_space<vmem>> -> memref<2000xi32, #tpu.memory_space<vmem>>
    %dma_wait3A_261 = tpu.memref_slice %arg3[%dma_wait3A_251, %add3A_129] : memref<2x320000xi32, #tpu.memory_space<hbm>> -> memref<1x2000xi32, #tpu.memory_space<hbm>>
    %dma_wait3A_262 = tpu.memref_squeeze %dma_wait3A_261 : memref<1x2000xi32, #tpu.memory_space<hbm>> -> memref<2000xi32, #tpu.memory_space<hbm>>
    tpu.wait_dma2 semaphore(%arg12 : memref<!tpu.dma_semaphore, #tpu.memory_space<semaphore_mem>>) src(%dma_wait3A_262 : memref<2000xi32, #tpu.memory_space<hbm>>) dst(%dma_wait3A_260 : memref<2000xi32, #tpu.memory_space<vmem>>)
    %barrier3A = arith.constant 0 : index
    tpu.barrier barrier_id(%barrier3A)
    %dma_start3A_263 = arith.constant 0 : i32
    %dma_start3A_264 = arith.constant 0 : i32
    %dma_start3A_265 = tpu.memref_slice %arg6[%dma_start3A_263, %dma_start3A_264] : memref<5x2000xi32, #tpu.memory_space<vmem>> -> memref<1x2000xi32, #tpu.memory_space<vmem>>
    %dma_start3A_266 = tpu.memref_squeeze %dma_start3A_265 : memref<1x2000xi32, #tpu.memory_space<vmem>> -> memref<2000xi32, #tpu.memory_space<vmem>>
    %dma_start3A_267 = arith.constant 0 : i32
    %dma_start3A_268 = arith.constant 0 : i32
    %dma_start3A_269 = tpu.memref_slice %arg2[%dma_start3A_267, %dma_start3A_268] : memref<10000x16xf32, #tpu.memory_space<hbm>> -> memref<10000x16xf32, #tpu.memory_space<hbm>>
    tpu.enqueue_indirect_dma source(%dma_start3A_269 : memref<10000x16xf32, #tpu.memory_space<hbm>>) target(%arg8 : memref<2000x16xf32, #tpu.memory_space<vmem>>) offsets(%dma_start3A_266 : memref<2000xi32, #tpu.memory_space<vmem>>) semaphore(%arg13 : memref<!tpu.dma_semaphore, #tpu.memory_space<semaphore_mem>>)
    %dma_start3A_270 = arith.constant 1 : i32
    %dma_start3A_271 = arith.constant 0 : i32
    %dma_start3A_272 = tpu.memref_slice %arg6[%dma_start3A_270, %dma_start3A_271] : memref<5x2000xi32, #tpu.memory_space<vmem>> -> memref<1x2000xi32, #tpu.memory_space<vmem>>
    %dma_start3A_273 = tpu.memref_squeeze %dma_start3A_272 : memref<1x2000xi32, #tpu.memory_space<vmem>> -> memref<2000xi32, #tpu.memory_space<vmem>>
    %dma_start3A_274 = arith.constant 0 : i32
    %dma_start3A_275 = arith.constant 0 : i32
    %dma_start3A_276 = tpu.memref_slice %arg2[%dma_start3A_274, %dma_start3A_275] : memref<10000x16xf32, #tpu.memory_space<hbm>> -> memref<10000x16xf32, #tpu.memory_space<hbm>>
    tpu.enqueue_indirect_dma source(%dma_start3A_276 : memref<10000x16xf32, #tpu.memory_space<hbm>>) target(%arg9 : memref<2000x16xf32, #tpu.memory_space<vmem>>) offsets(%dma_start3A_273 : memref<2000xi32, #tpu.memory_space<vmem>>) semaphore(%arg14 : memref<!tpu.dma_semaphore, #tpu.memory_space<semaphore_mem>>)
    %dma_wait3A_277 = arith.constant 0 : i32
    %dma_wait3A_278 = arith.constant 0 : i32
    %dma_wait3A_279 = tpu.memref_slice %arg6[%dma_wait3A_277, %dma_wait3A_278] : memref<5x2000xi32, #tpu.memory_space<vmem>> -> memref<1x2000xi32, #tpu.memory_space<vmem>>
    %dma_wait3A_280 = tpu.memref_squeeze %dma_wait3A_279 : memref<1x2000xi32, #tpu.memory_space<vmem>> -> memref<2000xi32, #tpu.memory_space<vmem>>
    %dma_wait3A_281 = arith.constant 0 : i32
    %dma_wait3A_282 = arith.constant 0 : i32
    %dma_wait3A_283 = tpu.memref_slice %arg2[%dma_wait3A_281, %dma_wait3A_282] : memref<10000x16xf32, #tpu.memory_space<hbm>> -> memref<10000x16xf32, #tpu.memory_space<hbm>>
    tpu.wait_indirect_dma semaphore(%arg13 : memref<!tpu.dma_semaphore, #tpu.memory_space<semaphore_mem>>) src(%dma_wait3A_283 : memref<10000x16xf32, #tpu.memory_space<hbm>>) dst(%arg8 : memref<2000x16xf32, #tpu.memory_space<vmem>>)
    %dma_start3A_284 = arith.constant 0 : i32
    %dma_start3A_285 = arith.constant 0 : i32
    %dma_start3A_286 = tpu.memref_slice %arg7[%dma_start3A_284, %dma_start3A_285] : memref<5x2000xi32, #tpu.memory_space<vmem>> -> memref<1x2000xi32, #tpu.memory_space<vmem>>
    %dma_start3A_287 = tpu.memref_squeeze %dma_start3A_286 : memref<1x2000xi32, #tpu.memory_space<vmem>> -> memref<2000xi32, #tpu.memory_space<vmem>>
    %dma_start3A_288 = arith.constant 0 : i32
    %dma_start3A_289 = arith.constant 0 : i32
    %dma_start3A_290 = tpu.memref_slice %arg11[%dma_start3A_288, %dma_start3A_289] : memref<10000x16xf32, #tpu.memory_space<vmem_shared>> -> memref<10000x16xf32, #tpu.memory_space<vmem_shared>>
    tpu.enqueue_indirect_dma source(%arg8 : memref<2000x16xf32, #tpu.memory_space<vmem>>) target(%dma_start3A_290 : memref<10000x16xf32, #tpu.memory_space<vmem_shared>>) offsets(%dma_start3A_287 : memref<2000xi32, #tpu.memory_space<vmem>>) semaphore(%arg16 : memref<!tpu.dma_semaphore, #tpu.memory_space<semaphore_mem>>) {add = true}
    %dma_start3A_291 = arith.constant 2 : i32
    %dma_start3A_292 = arith.constant 0 : i32
    %dma_start3A_293 = tpu.memref_slice %arg6[%dma_start3A_291, %dma_start3A_292] : memref<5x2000xi32, #tpu.memory_space<vmem>> -> memref<1x2000xi32, #tpu.memory_space<vmem>>
    %dma_start3A_294 = tpu.memref_squeeze %dma_start3A_293 : memref<1x2000xi32, #tpu.memory_space<vmem>> -> memref<2000xi32, #tpu.memory_space<vmem>>
    %dma_start3A_295 = arith.constant 0 : i32
    %dma_start3A_296 = arith.constant 0 : i32
    %dma_start3A_297 = tpu.memref_slice %arg2[%dma_start3A_295, %dma_start3A_296] : memref<10000x16xf32, #tpu.memory_space<hbm>> -> memref<10000x16xf32, #tpu.memory_space<hbm>>
    tpu.enqueue_indirect_dma source(%dma_start3A_297 : memref<10000x16xf32, #tpu.memory_space<hbm>>) target(%arg10 : memref<2000x16xf32, #tpu.memory_space<vmem>>) offsets(%dma_start3A_294 : memref<2000xi32, #tpu.memory_space<vmem>>) semaphore(%arg15 : memref<!tpu.dma_semaphore, #tpu.memory_space<semaphore_mem>>)
    %dma_wait3A_298 = arith.constant 1 : i32
    %dma_wait3A_299 = arith.constant 0 : i32
    %dma_wait3A_300 = tpu.memref_slice %arg6[%dma_wait3A_298, %dma_wait3A_299] : memref<5x2000xi32, #tpu.memory_space<vmem>> -> memref<1x2000xi32, #tpu.memory_space<vmem>>
    %dma_wait3A_301 = tpu.memref_squeeze %dma_wait3A_300 : memref<1x2000xi32, #tpu.memory_space<vmem>> -> memref<2000xi32, #tpu.memory_space<vmem>>
    %dma_wait3A_302 = arith.constant 0 : i32
    %dma_wait3A_303 = arith.constant 0 : i32
    %dma_wait3A_304 = tpu.memref_slice %arg2[%dma_wait3A_302, %dma_wait3A_303] : memref<10000x16xf32, #tpu.memory_space<hbm>> -> memref<10000x16xf32, #tpu.memory_space<hbm>>
    tpu.wait_indirect_dma semaphore(%arg14 : memref<!tpu.dma_semaphore, #tpu.memory_space<semaphore_mem>>) src(%dma_wait3A_304 : memref<10000x16xf32, #tpu.memory_space<hbm>>) dst(%arg9 : memref<2000x16xf32, #tpu.memory_space<vmem>>)
    %dma_start3A_305 = arith.constant 1 : i32
    %dma_start3A_306 = arith.constant 0 : i32
    %dma_start3A_307 = tpu.memref_slice %arg7[%dma_start3A_305, %dma_start3A_306] : memref<5x2000xi32, #tpu.memory_space<vmem>> -> memref<1x2000xi32, #tpu.memory_space<vmem>>
    %dma_start3A_308 = tpu.memref_squeeze %dma_start3A_307 : memref<1x2000xi32, #tpu.memory_space<vmem>> -> memref<2000xi32, #tpu.memory_space<vmem>>
    %dma_start3A_309 = arith.constant 0 : i32
    %dma_start3A_310 = arith.constant 0 : i32
    %dma_start3A_311 = tpu.memref_slice %arg11[%dma_start3A_309, %dma_start3A_310] : memref<10000x16xf32, #tpu.memory_space<vmem_shared>> -> memref<10000x16xf32, #tpu.memory_space<vmem_shared>>
    tpu.enqueue_indirect_dma source(%arg9 : memref<2000x16xf32, #tpu.memory_space<vmem>>) target(%dma_start3A_311 : memref<10000x16xf32, #tpu.memory_space<vmem_shared>>) offsets(%dma_start3A_308 : memref<2000xi32, #tpu.memory_space<vmem>>) semaphore(%arg17 : memref<!tpu.dma_semaphore, #tpu.memory_space<semaphore_mem>>) {add = true}
    %dma_wait3A_312 = arith.constant 0 : i32
    %dma_wait3A_313 = arith.constant 0 : i32
    %dma_wait3A_314 = tpu.memref_slice %arg7[%dma_wait3A_312, %dma_wait3A_313] : memref<5x2000xi32, #tpu.memory_space<vmem>> -> memref<1x2000xi32, #tpu.memory_space<vmem>>
    %dma_wait3A_315 = tpu.memref_squeeze %dma_wait3A_314 : memref<1x2000xi32, #tpu.memory_space<vmem>> -> memref<2000xi32, #tpu.memory_space<vmem>>
    %dma_wait3A_316 = arith.constant 0 : i32
    %dma_wait3A_317 = arith.constant 0 : i32
    %dma_wait3A_318 = tpu.memref_slice %arg11[%dma_wait3A_316, %dma_wait3A_317] : memref<10000x16xf32, #tpu.memory_space<vmem_shared>> -> memref<10000x16xf32, #tpu.memory_space<vmem_shared>>
    tpu.wait_indirect_dma semaphore(%arg16 : memref<!tpu.dma_semaphore, #tpu.memory_space<semaphore_mem>>) src(%arg8 : memref<2000x16xf32, #tpu.memory_space<vmem>>) dst(%dma_wait3A_318 : memref<10000x16xf32, #tpu.memory_space<vmem_shared>>)
    %dma_start3A_319 = arith.constant 3 : i32
    %dma_start3A_320 = arith.constant 0 : i32
    %dma_start3A_321 = tpu.memref_slice %arg6[%dma_start3A_319, %dma_start3A_320] : memref<5x2000xi32, #tpu.memory_space<vmem>> -> memref<1x2000xi32, #tpu.memory_space<vmem>>
    %dma_start3A_322 = tpu.memref_squeeze %dma_start3A_321 : memref<1x2000xi32, #tpu.memory_space<vmem>> -> memref<2000xi32, #tpu.memory_space<vmem>>
    %dma_start3A_323 = arith.constant 0 : i32
    %dma_start3A_324 = arith.constant 0 : i32
    %dma_start3A_325 = tpu.memref_slice %arg2[%dma_start3A_323, %dma_start3A_324] : memref<10000x16xf32, #tpu.memory_space<hbm>> -> memref<10000x16xf32, #tpu.memory_space<hbm>>
    tpu.enqueue_indirect_dma source(%dma_start3A_325 : memref<10000x16xf32, #tpu.memory_space<hbm>>) target(%arg8 : memref<2000x16xf32, #tpu.memory_space<vmem>>) offsets(%dma_start3A_322 : memref<2000xi32, #tpu.memory_space<vmem>>) semaphore(%arg13 : memref<!tpu.dma_semaphore, #tpu.memory_space<semaphore_mem>>)
    %dma_wait3A_326 = arith.constant 2 : i32
    %dma_wait3A_327 = arith.constant 0 : i32
    %dma_wait3A_328 = tpu.memref_slice %arg6[%dma_wait3A_326, %dma_wait3A_327] : memref<5x2000xi32, #tpu.memory_space<vmem>> -> memref<1x2000xi32, #tpu.memory_space<vmem>>
    %dma_wait3A_329 = tpu.memref_squeeze %dma_wait3A_328 : memref<1x2000xi32, #tpu.memory_space<vmem>> -> memref<2000xi32, #tpu.memory_space<vmem>>
    %dma_wait3A_330 = arith.constant 0 : i32
    %dma_wait3A_331 = arith.constant 0 : i32
    %dma_wait3A_332 = tpu.memref_slice %arg2[%dma_wait3A_330, %dma_wait3A_331] : memref<10000x16xf32, #tpu.memory_space<hbm>> -> memref<10000x16xf32, #tpu.memory_space<hbm>>
    tpu.wait_indirect_dma semaphore(%arg15 : memref<!tpu.dma_semaphore, #tpu.memory_space<semaphore_mem>>) src(%dma_wait3A_332 : memref<10000x16xf32, #tpu.memory_space<hbm>>) dst(%arg10 : memref<2000x16xf32, #tpu.memory_space<vmem>>)
    %dma_start3A_333 = arith.constant 2 : i32
    %dma_start3A_334 = arith.constant 0 : i32
    %dma_start3A_335 = tpu.memref_slice %arg7[%dma_start3A_333, %dma_start3A_334] : memref<5x2000xi32, #tpu.memory_space<vmem>> -> memref<1x2000xi32, #tpu.memory_space<vmem>>
    %dma_start3A_336 = tpu.memref_squeeze %dma_start3A_335 : memref<1x2000xi32, #tpu.memory_space<vmem>> -> memref<2000xi32, #tpu.memory_space<vmem>>
    %dma_start3A_337 = arith.constant 0 : i32
    %dma_start3A_338 = arith.constant 0 : i32
    %dma_start3A_339 = tpu.memref_slice %arg11[%dma_start3A_337, %dma_start3A_338] : memref<10000x16xf32, #tpu.memory_space<vmem_shared>> -> memref<10000x16xf32, #tpu.memory_space<vmem_shared>>
    tpu.enqueue_indirect_dma source(%arg10 : memref<2000x16xf32, #tpu.memory_space<vmem>>) target(%dma_start3A_339 : memref<10000x16xf32, #tpu.memory_space<vmem_shared>>) offsets(%dma_start3A_336 : memref<2000xi32, #tpu.memory_space<vmem>>) semaphore(%arg18 : memref<!tpu.dma_semaphore, #tpu.memory_space<semaphore_mem>>) {add = true}
    %dma_wait3A_340 = arith.constant 1 : i32
    %dma_wait3A_341 = arith.constant 0 : i32
    %dma_wait3A_342 = tpu.memref_slice %arg7[%dma_wait3A_340, %dma_wait3A_341] : memref<5x2000xi32, #tpu.memory_space<vmem>> -> memref<1x2000xi32, #tpu.memory_space<vmem>>
    %dma_wait3A_343 = tpu.memref_squeeze %dma_wait3A_342 : memref<1x2000xi32, #tpu.memory_space<vmem>> -> memref<2000xi32, #tpu.memory_space<vmem>>
    %dma_wait3A_344 = arith.constant 0 : i32
    %dma_wait3A_345 = arith.constant 0 : i32
    %dma_wait3A_346 = tpu.memref_slice %arg11[%dma_wait3A_344, %dma_wait3A_345] : memref<10000x16xf32, #tpu.memory_space<vmem_shared>> -> memref<10000x16xf32, #tpu.memory_space<vmem_shared>>
    tpu.wait_indirect_dma semaphore(%arg17 : memref<!tpu.dma_semaphore, #tpu.memory_space<semaphore_mem>>) src(%arg9 : memref<2000x16xf32, #tpu.memory_space<vmem>>) dst(%dma_wait3A_346 : memref<10000x16xf32, #tpu.memory_space<vmem_shared>>)
    %dma_start3A_347 = arith.constant 4 : i32
    %dma_start3A_348 = arith.constant 0 : i32
    %dma_start3A_349 = tpu.memref_slice %arg6[%dma_start3A_347, %dma_start3A_348] : memref<5x2000xi32, #tpu.memory_space<vmem>> -> memref<1x2000xi32, #tpu.memory_space<vmem>>
    %dma_start3A_350 = tpu.memref_squeeze %dma_start3A_349 : memref<1x2000xi32, #tpu.memory_space<vmem>> -> memref<2000xi32, #tpu.memory_space<vmem>>
    %dma_start3A_351 = arith.constant 0 : i32
    %dma_start3A_352 = arith.constant 0 : i32
    %dma_start3A_353 = tpu.memref_slice %arg2[%dma_start3A_351, %dma_start3A_352] : memref<10000x16xf32, #tpu.memory_space<hbm>> -> memref<10000x16xf32, #tpu.memory_space<hbm>>
    tpu.enqueue_indirect_dma source(%dma_start3A_353 : memref<10000x16xf32, #tpu.memory_space<hbm>>) target(%arg9 : memref<2000x16xf32, #tpu.memory_space<vmem>>) offsets(%dma_start3A_350 : memref<2000xi32, #tpu.memory_space<vmem>>) semaphore(%arg14 : memref<!tpu.dma_semaphore, #tpu.memory_space<semaphore_mem>>)
    %dma_wait3A_354 = arith.constant 3 : i32
    %dma_wait3A_355 = arith.constant 0 : i32
    %dma_wait3A_356 = tpu.memref_slice %arg6[%dma_wait3A_354, %dma_wait3A_355] : memref<5x2000xi32, #tpu.memory_space<vmem>> -> memref<1x2000xi32, #tpu.memory_space<vmem>>
    %dma_wait3A_357 = tpu.memref_squeeze %dma_wait3A_356 : memref<1x2000xi32, #tpu.memory_space<vmem>> -> memref<2000xi32, #tpu.memory_space<vmem>>
    %dma_wait3A_358 = arith.constant 0 : i32
    %dma_wait3A_359 = arith.constant 0 : i32
    %dma_wait3A_360 = tpu.memref_slice %arg2[%dma_wait3A_358, %dma_wait3A_359] : memref<10000x16xf32, #tpu.memory_space<hbm>> -> memref<10000x16xf32, #tpu.memory_space<hbm>>
    tpu.wait_indirect_dma semaphore(%arg13 : memref<!tpu.dma_semaphore, #tpu.memory_space<semaphore_mem>>) src(%dma_wait3A_360 : memref<10000x16xf32, #tpu.memory_space<hbm>>) dst(%arg8 : memref<2000x16xf32, #tpu.memory_space<vmem>>)
    %dma_start3A_361 = arith.constant 3 : i32
    %dma_start3A_362 = arith.constant 0 : i32
    %dma_start3A_363 = tpu.memref_slice %arg7[%dma_start3A_361, %dma_start3A_362] : memref<5x2000xi32, #tpu.memory_space<vmem>> -> memref<1x2000xi32, #tpu.memory_space<vmem>>
    %dma_start3A_364 = tpu.memref_squeeze %dma_start3A_363 : memref<1x2000xi32, #tpu.memory_space<vmem>> -> memref<2000xi32, #tpu.memory_space<vmem>>
    %dma_start3A_365 = arith.constant 0 : i32
    %dma_start3A_366 = arith.constant 0 : i32
    %dma_start3A_367 = tpu.memref_slice %arg11[%dma_start3A_365, %dma_start3A_366] : memref<10000x16xf32, #tpu.memory_space<vmem_shared>> -> memref<10000x16xf32, #tpu.memory_space<vmem_shared>>
    tpu.enqueue_indirect_dma source(%arg8 : memref<2000x16xf32, #tpu.memory_space<vmem>>) target(%dma_start3A_367 : memref<10000x16xf32, #tpu.memory_space<vmem_shared>>) offsets(%dma_start3A_364 : memref<2000xi32, #tpu.memory_space<vmem>>) semaphore(%arg16 : memref<!tpu.dma_semaphore, #tpu.memory_space<semaphore_mem>>) {add = true}
    %dma_wait3A_368 = arith.constant 4 : i32
    %dma_wait3A_369 = arith.constant 0 : i32
    %dma_wait3A_370 = tpu.memref_slice %arg6[%dma_wait3A_368, %dma_wait3A_369] : memref<5x2000xi32, #tpu.memory_space<vmem>> -> memref<1x2000xi32, #tpu.memory_space<vmem>>
    %dma_wait3A_371 = tpu.memref_squeeze %dma_wait3A_370 : memref<1x2000xi32, #tpu.memory_space<vmem>> -> memref<2000xi32, #tpu.memory_space<vmem>>
    %dma_wait3A_372 = arith.constant 0 : i32
    %dma_wait3A_373 = arith.constant 0 : i32
    %dma_wait3A_374 = tpu.memref_slice %arg2[%dma_wait3A_372, %dma_wait3A_373] : memref<10000x16xf32, #tpu.memory_space<hbm>> -> memref<10000x16xf32, #tpu.memory_space<hbm>>
    tpu.wait_indirect_dma semaphore(%arg14 : memref<!tpu.dma_semaphore, #tpu.memory_space<semaphore_mem>>) src(%dma_wait3A_374 : memref<10000x16xf32, #tpu.memory_space<hbm>>) dst(%arg9 : memref<2000x16xf32, #tpu.memory_space<vmem>>)
    %dma_start3A_375 = arith.constant 4 : i32
    %dma_start3A_376 = arith.constant 0 : i32
    %dma_start3A_377 = tpu.memref_slice %arg7[%dma_start3A_375, %dma_start3A_376] : memref<5x2000xi32, #tpu.memory_space<vmem>> -> memref<1x2000xi32, #tpu.memory_space<vmem>>
    %dma_start3A_378 = tpu.memref_squeeze %dma_start3A_377 : memref<1x2000xi32, #tpu.memory_space<vmem>> -> memref<2000xi32, #tpu.memory_space<vmem>>
    %dma_start3A_379 = arith.constant 0 : i32
    %dma_start3A_380 = arith.constant 0 : i32
    %dma_start3A_381 = tpu.memref_slice %arg11[%dma_start3A_379, %dma_start3A_380] : memref<10000x16xf32, #tpu.memory_space<vmem_shared>> -> memref<10000x16xf32, #tpu.memory_space<vmem_shared>>
    tpu.enqueue_indirect_dma source(%arg9 : memref<2000x16xf32, #tpu.memory_space<vmem>>) target(%dma_start3A_381 : memref<10000x16xf32, #tpu.memory_space<vmem_shared>>) offsets(%dma_start3A_378 : memref<2000xi32, #tpu.memory_space<vmem>>) semaphore(%arg17 : memref<!tpu.dma_semaphore, #tpu.memory_space<semaphore_mem>>) {add = true}
    %dma_wait3A_382 = arith.constant 2 : i32
    %dma_wait3A_383 = arith.constant 0 : i32
    %dma_wait3A_384 = tpu.memref_slice %arg7[%dma_wait3A_382, %dma_wait3A_383] : memref<5x2000xi32, #tpu.memory_space<vmem>> -> memref<1x2000xi32, #tpu.memory_space<vmem>>
    %dma_wait3A_385 = tpu.memref_squeeze %dma_wait3A_384 : memref<1x2000xi32, #tpu.memory_space<vmem>> -> memref<2000xi32, #tpu.memory_space<vmem>>
    %dma_wait3A_386 = arith.constant 0 : i32
    %dma_wait3A_387 = arith.constant 0 : i32
    %dma_wait3A_388 = tpu.memref_slice %arg11[%dma_wait3A_386, %dma_wait3A_387] : memref<10000x16xf32, #tpu.memory_space<vmem_shared>> -> memref<10000x16xf32, #tpu.memory_space<vmem_shared>>
    tpu.wait_indirect_dma semaphore(%arg18 : memref<!tpu.dma_semaphore, #tpu.memory_space<semaphore_mem>>) src(%arg10 : memref<2000x16xf32, #tpu.memory_space<vmem>>) dst(%dma_wait3A_388 : memref<10000x16xf32, #tpu.memory_space<vmem_shared>>)
    %dma_wait3A_389 = arith.constant 3 : i32
    %dma_wait3A_390 = arith.constant 0 : i32
    %dma_wait3A_391 = tpu.memref_slice %arg7[%dma_wait3A_389, %dma_wait3A_390] : memref<5x2000xi32, #tpu.memory_space<vmem>> -> memref<1x2000xi32, #tpu.memory_space<vmem>>
    %dma_wait3A_392 = tpu.memref_squeeze %dma_wait3A_391 : memref<1x2000xi32, #tpu.memory_space<vmem>> -> memref<2000xi32, #tpu.memory_space<vmem>>
    %dma_wait3A_393 = arith.constant 0 : i32
    %dma_wait3A_394 = arith.constant 0 : i32
    %dma_wait3A_395 = tpu.memref_slice %arg11[%dma_wait3A_393, %dma_wait3A_394] : memref<10000x16xf32, #tpu.memory_space<vmem_shared>> -> memref<10000x16xf32, #tpu.memory_space<vmem_shared>>
    tpu.wait_indirect_dma semaphore(%arg16 : memref<!tpu.dma_semaphore, #tpu.memory_space<semaphore_mem>>) src(%arg8 : memref<2000x16xf32, #tpu.memory_space<vmem>>) dst(%dma_wait3A_395 : memref<10000x16xf32, #tpu.memory_space<vmem_shared>>)
    %dma_wait3A_396 = arith.constant 4 : i32
    %dma_wait3A_397 = arith.constant 0 : i32
    %dma_wait3A_398 = tpu.memref_slice %arg7[%dma_wait3A_396, %dma_wait3A_397] : memref<5x2000xi32, #tpu.memory_space<vmem>> -> memref<1x2000xi32, #tpu.memory_space<vmem>>
    %dma_wait3A_399 = tpu.memref_squeeze %dma_wait3A_398 : memref<1x2000xi32, #tpu.memory_space<vmem>> -> memref<2000xi32, #tpu.memory_space<vmem>>
    %dma_wait3A_400 = arith.constant 0 : i32
    %dma_wait3A_401 = arith.constant 0 : i32
    %dma_wait3A_402 = tpu.memref_slice %arg11[%dma_wait3A_400, %dma_wait3A_401] : memref<10000x16xf32, #tpu.memory_space<vmem_shared>> -> memref<10000x16xf32, #tpu.memory_space<vmem_shared>>
    tpu.wait_indirect_dma semaphore(%arg17 : memref<!tpu.dma_semaphore, #tpu.memory_space<semaphore_mem>>) src(%arg9 : memref<2000x16xf32, #tpu.memory_space<vmem>>) dst(%dma_wait3A_402 : memref<10000x16xf32, #tpu.memory_space<vmem_shared>>)
    %barrier3A_403 = arith.constant 0 : index
    tpu.barrier barrier_id(%barrier3A_403)
    %mul3A_404 = arith.constant 625 : i32
    %mul3A_405 = arith.muli %arg1, %mul3A_404 : i32
    %mul3A_406 = arith.constant 625 : i32
    %mul3A_407 = arith.muli %arg1, %mul3A_406 : i32
    "tpu.region"() ({
      %run_scoped3A = tpu.sem_alloc : memref<!tpu.dma_semaphore, #tpu.memory_space<semaphore_mem>>
      %dma_start3A_408 = arith.constant 0 : i32
      %dma_start3A_409 = tpu.memref_slice %arg5[%arg0, %mul3A_407, %dma_start3A_408] : memref<2x10000x16xf32, #tpu.memory_space<hbm>> -> memref<1x625x16xf32, #tpu.memory_space<hbm>>
      %dma_start3A_410 = tpu.memref_squeeze %dma_start3A_409 : memref<1x625x16xf32, #tpu.memory_space<hbm>> -> memref<625x16xf32, #tpu.memory_space<hbm>>
      %dma_start3A_411 = arith.constant 0 : i32
      %dma_start3A_412 = tpu.memref_slice %arg11[%mul3A_405, %dma_start3A_411] : memref<10000x16xf32, #tpu.memory_space<vmem_shared>> -> memref<625x16xf32, #tpu.memory_space<vmem_shared>>
      tpu.enqueue_dma source(%dma_start3A_412 : memref<625x16xf32, #tpu.memory_space<vmem_shared>>) target(%dma_start3A_410 : memref<625x16xf32, #tpu.memory_space<hbm>>) target_semaphore(%run_scoped3A : memref<!tpu.dma_semaphore, #tpu.memory_space<semaphore_mem>>)
      %dma_wait3A_413 = arith.constant 0 : i32
      %dma_wait3A_414 = tpu.memref_slice %arg5[%arg0, %mul3A_407, %dma_wait3A_413] : memref<2x10000x16xf32, #tpu.memory_space<hbm>> -> memref<1x625x16xf32, #tpu.memory_space<hbm>>
      %dma_wait3A_415 = tpu.memref_squeeze %dma_wait3A_414 : memref<1x625x16xf32, #tpu.memory_space<hbm>> -> memref<625x16xf32, #tpu.memory_space<hbm>>
      %dma_wait3A_416 = arith.constant 0 : i32
      %dma_wait3A_417 = tpu.memref_slice %arg11[%mul3A_405, %dma_wait3A_416] : memref<10000x16xf32, #tpu.memory_space<vmem_shared>> -> memref<625x16xf32, #tpu.memory_space<vmem_shared>>
      tpu.wait_dma2 semaphore(%run_scoped3A : memref<!tpu.dma_semaphore, #tpu.memory_space<semaphore_mem>>) src(%dma_wait3A_417 : memref<625x16xf32, #tpu.memory_space<vmem_shared>>) dst(%dma_wait3A_415 : memref<625x16xf32, #tpu.memory_space<hbm>>)
      tpu.yield
    }) : () -> ()
    return
  }
}

#map = affine_map<(d0, d1) -> (0, 0)>
#map1 = affine_map<(d0, d1) -> (0, 0, 0)>
module attributes {stable_mosaic.version = 14 : i64} {
  func.func @sc_degree(%arg0: i32, %arg1: i32, %arg2: memref<2x320000xi32, #tpu.memory_space<hbm>>, %arg3: memref<2000x16xf32, #tpu.memory_space<hbm>>, %arg4: memref<625x16xf32, #tpu.memory_space<hbm>>, %arg5: memref<2x10000x16xf32, #tpu.memory_space<hbm>>, %arg6: memref<5x2000xi32, #tpu.memory_space<vmem>>, %arg7: memref<2000x16xf32, #tpu.memory_space<vmem>>, %arg8: memref<10000x16xf32, #tpu.memory_space<vmem_shared>>, %arg9: memref<!tpu.dma_semaphore, #tpu.memory_space<semaphore_mem>>, %arg10: memref<!tpu.dma_semaphore, #tpu.memory_space<semaphore_mem>>) attributes {dimension_semantics = [#tpu.dimension_semantics<core_parallel>, #tpu.dimension_semantics<subcore_parallel>], iteration_bounds = array<i64: 2, 16>, scalar_prefetch = 0 : i64, scratch_operands = 5 : i64, tpu.core_type = #tpu.core_type<sc_vector_subcore>, window_params = [{transform_indices = #map}, {transform_indices = #map}, {transform_indices = #map}, {transform_indices = #map1}]} {
    %mul3A = arith.constant 16 : i32
    %mul3A_0 = arith.muli %arg0, %mul3A : i32
    %add3A = arith.addi %mul3A_0, %arg1 : i32
    %mul3A_1 = arith.constant 10000 : i32
    %mul3A_2 = arith.muli %add3A, %mul3A_1 : i32
    %add3A_3 = arith.constant 0 : i32
    %add3A_4 = arith.addi %mul3A_2, %add3A_3 : i32
    %dma_start3A = arith.constant 1 : i32
    %dma_start3A_5 = arith.constant 0 : i32
    %dma_start3A_6 = arith.constant 0 : i32
    %dma_start3A_7 = tpu.memref_slice %arg6[%dma_start3A_5, %dma_start3A_6] : memref<5x2000xi32, #tpu.memory_space<vmem>> -> memref<1x2000xi32, #tpu.memory_space<vmem>>
    %dma_start3A_8 = tpu.memref_squeeze %dma_start3A_7 : memref<1x2000xi32, #tpu.memory_space<vmem>> -> memref<2000xi32, #tpu.memory_space<vmem>>
    %dma_start3A_9 = tpu.memref_slice %arg2[%dma_start3A, %add3A_4] : memref<2x320000xi32, #tpu.memory_space<hbm>> -> memref<1x2000xi32, #tpu.memory_space<hbm>>
    %dma_start3A_10 = tpu.memref_squeeze %dma_start3A_9 : memref<1x2000xi32, #tpu.memory_space<hbm>> -> memref<2000xi32, #tpu.memory_space<hbm>>
    %dma_start3A_11 = arith.constant 0 : i32
    %dma_start3A_12 = tpu.memref_slice %arg6[%dma_start3A_5, %dma_start3A_11] : memref<5x2000xi32, #tpu.memory_space<vmem>> -> memref<1x2000xi32, #tpu.memory_space<vmem>>
    %dma_start3A_13 = tpu.memref_squeeze %dma_start3A_12 : memref<1x2000xi32, #tpu.memory_space<vmem>> -> memref<2000xi32, #tpu.memory_space<vmem>>
    %dma_start3A_14 = tpu.memref_slice %arg2[%dma_start3A, %add3A_4] : memref<2x320000xi32, #tpu.memory_space<hbm>> -> memref<1x2000xi32, #tpu.memory_space<hbm>>
    %dma_start3A_15 = tpu.memref_squeeze %dma_start3A_14 : memref<1x2000xi32, #tpu.memory_space<hbm>> -> memref<2000xi32, #tpu.memory_space<hbm>>
    tpu.enqueue_dma source(%dma_start3A_15 : memref<2000xi32, #tpu.memory_space<hbm>>) target(%dma_start3A_13 : memref<2000xi32, #tpu.memory_space<vmem>>) target_semaphore(%arg9 : memref<!tpu.dma_semaphore, #tpu.memory_space<semaphore_mem>>)
    %add3A_16 = arith.constant 2000 : i32
    %add3A_17 = arith.addi %mul3A_2, %add3A_16 : i32
    %dma_start3A_18 = arith.constant 1 : i32
    %dma_start3A_19 = arith.constant 1 : i32
    %dma_start3A_20 = arith.constant 0 : i32
    %dma_start3A_21 = tpu.memref_slice %arg6[%dma_start3A_19, %dma_start3A_20] : memref<5x2000xi32, #tpu.memory_space<vmem>> -> memref<1x2000xi32, #tpu.memory_space<vmem>>
    %dma_start3A_22 = tpu.memref_squeeze %dma_start3A_21 : memref<1x2000xi32, #tpu.memory_space<vmem>> -> memref<2000xi32, #tpu.memory_space<vmem>>
    %dma_start3A_23 = tpu.memref_slice %arg2[%dma_start3A_18, %add3A_17] : memref<2x320000xi32, #tpu.memory_space<hbm>> -> memref<1x2000xi32, #tpu.memory_space<hbm>>
    %dma_start3A_24 = tpu.memref_squeeze %dma_start3A_23 : memref<1x2000xi32, #tpu.memory_space<hbm>> -> memref<2000xi32, #tpu.memory_space<hbm>>
    %dma_start3A_25 = arith.constant 0 : i32
    %dma_start3A_26 = tpu.memref_slice %arg6[%dma_start3A_19, %dma_start3A_25] : memref<5x2000xi32, #tpu.memory_space<vmem>> -> memref<1x2000xi32, #tpu.memory_space<vmem>>
    %dma_start3A_27 = tpu.memref_squeeze %dma_start3A_26 : memref<1x2000xi32, #tpu.memory_space<vmem>> -> memref<2000xi32, #tpu.memory_space<vmem>>
    %dma_start3A_28 = tpu.memref_slice %arg2[%dma_start3A_18, %add3A_17] : memref<2x320000xi32, #tpu.memory_space<hbm>> -> memref<1x2000xi32, #tpu.memory_space<hbm>>
    %dma_start3A_29 = tpu.memref_squeeze %dma_start3A_28 : memref<1x2000xi32, #tpu.memory_space<hbm>> -> memref<2000xi32, #tpu.memory_space<hbm>>
    tpu.enqueue_dma source(%dma_start3A_29 : memref<2000xi32, #tpu.memory_space<hbm>>) target(%dma_start3A_27 : memref<2000xi32, #tpu.memory_space<vmem>>) target_semaphore(%arg9 : memref<!tpu.dma_semaphore, #tpu.memory_space<semaphore_mem>>)
    %add3A_30 = arith.constant 4000 : i32
    %add3A_31 = arith.addi %mul3A_2, %add3A_30 : i32
    %dma_start3A_32 = arith.constant 1 : i32
    %dma_start3A_33 = arith.constant 2 : i32
    %dma_start3A_34 = arith.constant 0 : i32
    %dma_start3A_35 = tpu.memref_slice %arg6[%dma_start3A_33, %dma_start3A_34] : memref<5x2000xi32, #tpu.memory_space<vmem>> -> memref<1x2000xi32, #tpu.memory_space<vmem>>
    %dma_start3A_36 = tpu.memref_squeeze %dma_start3A_35 : memref<1x2000xi32, #tpu.memory_space<vmem>> -> memref<2000xi32, #tpu.memory_space<vmem>>
    %dma_start3A_37 = tpu.memref_slice %arg2[%dma_start3A_32, %add3A_31] : memref<2x320000xi32, #tpu.memory_space<hbm>> -> memref<1x2000xi32, #tpu.memory_space<hbm>>
    %dma_start3A_38 = tpu.memref_squeeze %dma_start3A_37 : memref<1x2000xi32, #tpu.memory_space<hbm>> -> memref<2000xi32, #tpu.memory_space<hbm>>
    %dma_start3A_39 = arith.constant 0 : i32
    %dma_start3A_40 = tpu.memref_slice %arg6[%dma_start3A_33, %dma_start3A_39] : memref<5x2000xi32, #tpu.memory_space<vmem>> -> memref<1x2000xi32, #tpu.memory_space<vmem>>
    %dma_start3A_41 = tpu.memref_squeeze %dma_start3A_40 : memref<1x2000xi32, #tpu.memory_space<vmem>> -> memref<2000xi32, #tpu.memory_space<vmem>>
    %dma_start3A_42 = tpu.memref_slice %arg2[%dma_start3A_32, %add3A_31] : memref<2x320000xi32, #tpu.memory_space<hbm>> -> memref<1x2000xi32, #tpu.memory_space<hbm>>
    %dma_start3A_43 = tpu.memref_squeeze %dma_start3A_42 : memref<1x2000xi32, #tpu.memory_space<hbm>> -> memref<2000xi32, #tpu.memory_space<hbm>>
    tpu.enqueue_dma source(%dma_start3A_43 : memref<2000xi32, #tpu.memory_space<hbm>>) target(%dma_start3A_41 : memref<2000xi32, #tpu.memory_space<vmem>>) target_semaphore(%arg9 : memref<!tpu.dma_semaphore, #tpu.memory_space<semaphore_mem>>)
    %add3A_44 = arith.constant 6000 : i32
    %add3A_45 = arith.addi %mul3A_2, %add3A_44 : i32
    %dma_start3A_46 = arith.constant 1 : i32
    %dma_start3A_47 = arith.constant 3 : i32
    %dma_start3A_48 = arith.constant 0 : i32
    %dma_start3A_49 = tpu.memref_slice %arg6[%dma_start3A_47, %dma_start3A_48] : memref<5x2000xi32, #tpu.memory_space<vmem>> -> memref<1x2000xi32, #tpu.memory_space<vmem>>
    %dma_start3A_50 = tpu.memref_squeeze %dma_start3A_49 : memref<1x2000xi32, #tpu.memory_space<vmem>> -> memref<2000xi32, #tpu.memory_space<vmem>>
    %dma_start3A_51 = tpu.memref_slice %arg2[%dma_start3A_46, %add3A_45] : memref<2x320000xi32, #tpu.memory_space<hbm>> -> memref<1x2000xi32, #tpu.memory_space<hbm>>
    %dma_start3A_52 = tpu.memref_squeeze %dma_start3A_51 : memref<1x2000xi32, #tpu.memory_space<hbm>> -> memref<2000xi32, #tpu.memory_space<hbm>>
    %dma_start3A_53 = arith.constant 0 : i32
    %dma_start3A_54 = tpu.memref_slice %arg6[%dma_start3A_47, %dma_start3A_53] : memref<5x2000xi32, #tpu.memory_space<vmem>> -> memref<1x2000xi32, #tpu.memory_space<vmem>>
    %dma_start3A_55 = tpu.memref_squeeze %dma_start3A_54 : memref<1x2000xi32, #tpu.memory_space<vmem>> -> memref<2000xi32, #tpu.memory_space<vmem>>
    %dma_start3A_56 = tpu.memref_slice %arg2[%dma_start3A_46, %add3A_45] : memref<2x320000xi32, #tpu.memory_space<hbm>> -> memref<1x2000xi32, #tpu.memory_space<hbm>>
    %dma_start3A_57 = tpu.memref_squeeze %dma_start3A_56 : memref<1x2000xi32, #tpu.memory_space<hbm>> -> memref<2000xi32, #tpu.memory_space<hbm>>
    tpu.enqueue_dma source(%dma_start3A_57 : memref<2000xi32, #tpu.memory_space<hbm>>) target(%dma_start3A_55 : memref<2000xi32, #tpu.memory_space<vmem>>) target_semaphore(%arg9 : memref<!tpu.dma_semaphore, #tpu.memory_space<semaphore_mem>>)
    %add3A_58 = arith.constant 8000 : i32
    %add3A_59 = arith.addi %mul3A_2, %add3A_58 : i32
    %dma_start3A_60 = arith.constant 1 : i32
    %dma_start3A_61 = arith.constant 4 : i32
    %dma_start3A_62 = arith.constant 0 : i32
    %dma_start3A_63 = tpu.memref_slice %arg6[%dma_start3A_61, %dma_start3A_62] : memref<5x2000xi32, #tpu.memory_space<vmem>> -> memref<1x2000xi32, #tpu.memory_space<vmem>>
    %dma_start3A_64 = tpu.memref_squeeze %dma_start3A_63 : memref<1x2000xi32, #tpu.memory_space<vmem>> -> memref<2000xi32, #tpu.memory_space<vmem>>
    %dma_start3A_65 = tpu.memref_slice %arg2[%dma_start3A_60, %add3A_59] : memref<2x320000xi32, #tpu.memory_space<hbm>> -> memref<1x2000xi32, #tpu.memory_space<hbm>>
    %dma_start3A_66 = tpu.memref_squeeze %dma_start3A_65 : memref<1x2000xi32, #tpu.memory_space<hbm>> -> memref<2000xi32, #tpu.memory_space<hbm>>
    %dma_start3A_67 = arith.constant 0 : i32
    %dma_start3A_68 = tpu.memref_slice %arg6[%dma_start3A_61, %dma_start3A_67] : memref<5x2000xi32, #tpu.memory_space<vmem>> -> memref<1x2000xi32, #tpu.memory_space<vmem>>
    %dma_start3A_69 = tpu.memref_squeeze %dma_start3A_68 : memref<1x2000xi32, #tpu.memory_space<vmem>> -> memref<2000xi32, #tpu.memory_space<vmem>>
    %dma_start3A_70 = tpu.memref_slice %arg2[%dma_start3A_60, %add3A_59] : memref<2x320000xi32, #tpu.memory_space<hbm>> -> memref<1x2000xi32, #tpu.memory_space<hbm>>
    %dma_start3A_71 = tpu.memref_squeeze %dma_start3A_70 : memref<1x2000xi32, #tpu.memory_space<hbm>> -> memref<2000xi32, #tpu.memory_space<hbm>>
    tpu.enqueue_dma source(%dma_start3A_71 : memref<2000xi32, #tpu.memory_space<hbm>>) target(%dma_start3A_69 : memref<2000xi32, #tpu.memory_space<vmem>>) target_semaphore(%arg9 : memref<!tpu.dma_semaphore, #tpu.memory_space<semaphore_mem>>)
    "tpu.region"() ({
      %run_scoped3A = tpu.sem_alloc : memref<!tpu.dma_semaphore, #tpu.memory_space<semaphore_mem>>
      tpu.enqueue_dma source(%arg3 : memref<2000x16xf32, #tpu.memory_space<hbm>>) target(%arg7 : memref<2000x16xf32, #tpu.memory_space<vmem>>) target_semaphore(%run_scoped3A : memref<!tpu.dma_semaphore, #tpu.memory_space<semaphore_mem>>)
      tpu.wait_dma2 semaphore(%run_scoped3A : memref<!tpu.dma_semaphore, #tpu.memory_space<semaphore_mem>>) src(%arg3 : memref<2000x16xf32, #tpu.memory_space<hbm>>) dst(%arg7 : memref<2000x16xf32, #tpu.memory_space<vmem>>)
      tpu.yield
    }) : () -> ()
    %mul3A_72 = arith.constant 625 : i32
    %mul3A_73 = arith.muli %arg1, %mul3A_72 : i32
    "tpu.region"() ({
      %run_scoped3A = tpu.sem_alloc : memref<!tpu.dma_semaphore, #tpu.memory_space<semaphore_mem>>
      %dma_start3A_208 = arith.constant 0 : i32
      %dma_start3A_209 = tpu.memref_slice %arg8[%mul3A_73, %dma_start3A_208] : memref<10000x16xf32, #tpu.memory_space<vmem_shared>> -> memref<625x16xf32, #tpu.memory_space<vmem_shared>>
      tpu.enqueue_dma source(%arg4 : memref<625x16xf32, #tpu.memory_space<hbm>>) target(%dma_start3A_209 : memref<625x16xf32, #tpu.memory_space<vmem_shared>>) target_semaphore(%run_scoped3A : memref<!tpu.dma_semaphore, #tpu.memory_space<semaphore_mem>>)
      %dma_wait3A_210 = arith.constant 0 : i32
      %dma_wait3A_211 = tpu.memref_slice %arg8[%mul3A_73, %dma_wait3A_210] : memref<10000x16xf32, #tpu.memory_space<vmem_shared>> -> memref<625x16xf32, #tpu.memory_space<vmem_shared>>
      tpu.wait_dma2 semaphore(%run_scoped3A : memref<!tpu.dma_semaphore, #tpu.memory_space<semaphore_mem>>) src(%arg4 : memref<625x16xf32, #tpu.memory_space<hbm>>) dst(%dma_wait3A_211 : memref<625x16xf32, #tpu.memory_space<vmem_shared>>)
      tpu.yield
    }) : () -> ()
    %dma_wait3A = arith.constant 1 : i32
    %dma_wait3A_74 = arith.constant 0 : i32
    %dma_wait3A_75 = arith.constant 0 : i32
    %dma_wait3A_76 = tpu.memref_slice %arg6[%dma_wait3A_74, %dma_wait3A_75] : memref<5x2000xi32, #tpu.memory_space<vmem>> -> memref<1x2000xi32, #tpu.memory_space<vmem>>
    %dma_wait3A_77 = tpu.memref_squeeze %dma_wait3A_76 : memref<1x2000xi32, #tpu.memory_space<vmem>> -> memref<2000xi32, #tpu.memory_space<vmem>>
    %dma_wait3A_78 = tpu.memref_slice %arg2[%dma_wait3A, %add3A_4] : memref<2x320000xi32, #tpu.memory_space<hbm>> -> memref<1x2000xi32, #tpu.memory_space<hbm>>
    %dma_wait3A_79 = tpu.memref_squeeze %dma_wait3A_78 : memref<1x2000xi32, #tpu.memory_space<hbm>> -> memref<2000xi32, #tpu.memory_space<hbm>>
    %dma_wait3A_80 = arith.constant 0 : i32
    %dma_wait3A_81 = tpu.memref_slice %arg6[%dma_wait3A_74, %dma_wait3A_80] : memref<5x2000xi32, #tpu.memory_space<vmem>> -> memref<1x2000xi32, #tpu.memory_space<vmem>>
    %dma_wait3A_82 = tpu.memref_squeeze %dma_wait3A_81 : memref<1x2000xi32, #tpu.memory_space<vmem>> -> memref<2000xi32, #tpu.memory_space<vmem>>
    %dma_wait3A_83 = tpu.memref_slice %arg2[%dma_wait3A, %add3A_4] : memref<2x320000xi32, #tpu.memory_space<hbm>> -> memref<1x2000xi32, #tpu.memory_space<hbm>>
    %dma_wait3A_84 = tpu.memref_squeeze %dma_wait3A_83 : memref<1x2000xi32, #tpu.memory_space<hbm>> -> memref<2000xi32, #tpu.memory_space<hbm>>
    tpu.wait_dma2 semaphore(%arg9 : memref<!tpu.dma_semaphore, #tpu.memory_space<semaphore_mem>>) src(%dma_wait3A_84 : memref<2000xi32, #tpu.memory_space<hbm>>) dst(%dma_wait3A_82 : memref<2000xi32, #tpu.memory_space<vmem>>)
    %dma_wait3A_85 = arith.constant 1 : i32
    %dma_wait3A_86 = arith.constant 1 : i32
    %dma_wait3A_87 = arith.constant 0 : i32
    %dma_wait3A_88 = tpu.memref_slice %arg6[%dma_wait3A_86, %dma_wait3A_87] : memref<5x2000xi32, #tpu.memory_space<vmem>> -> memref<1x2000xi32, #tpu.memory_space<vmem>>
    %dma_wait3A_89 = tpu.memref_squeeze %dma_wait3A_88 : memref<1x2000xi32, #tpu.memory_space<vmem>> -> memref<2000xi32, #tpu.memory_space<vmem>>
    %dma_wait3A_90 = tpu.memref_slice %arg2[%dma_wait3A_85, %add3A_17] : memref<2x320000xi32, #tpu.memory_space<hbm>> -> memref<1x2000xi32, #tpu.memory_space<hbm>>
    %dma_wait3A_91 = tpu.memref_squeeze %dma_wait3A_90 : memref<1x2000xi32, #tpu.memory_space<hbm>> -> memref<2000xi32, #tpu.memory_space<hbm>>
    %dma_wait3A_92 = arith.constant 0 : i32
    %dma_wait3A_93 = tpu.memref_slice %arg6[%dma_wait3A_86, %dma_wait3A_92] : memref<5x2000xi32, #tpu.memory_space<vmem>> -> memref<1x2000xi32, #tpu.memory_space<vmem>>
    %dma_wait3A_94 = tpu.memref_squeeze %dma_wait3A_93 : memref<1x2000xi32, #tpu.memory_space<vmem>> -> memref<2000xi32, #tpu.memory_space<vmem>>
    %dma_wait3A_95 = tpu.memref_slice %arg2[%dma_wait3A_85, %add3A_17] : memref<2x320000xi32, #tpu.memory_space<hbm>> -> memref<1x2000xi32, #tpu.memory_space<hbm>>
    %dma_wait3A_96 = tpu.memref_squeeze %dma_wait3A_95 : memref<1x2000xi32, #tpu.memory_space<hbm>> -> memref<2000xi32, #tpu.memory_space<hbm>>
    tpu.wait_dma2 semaphore(%arg9 : memref<!tpu.dma_semaphore, #tpu.memory_space<semaphore_mem>>) src(%dma_wait3A_96 : memref<2000xi32, #tpu.memory_space<hbm>>) dst(%dma_wait3A_94 : memref<2000xi32, #tpu.memory_space<vmem>>)
    %dma_wait3A_97 = arith.constant 1 : i32
    %dma_wait3A_98 = arith.constant 2 : i32
    %dma_wait3A_99 = arith.constant 0 : i32
    %dma_wait3A_100 = tpu.memref_slice %arg6[%dma_wait3A_98, %dma_wait3A_99] : memref<5x2000xi32, #tpu.memory_space<vmem>> -> memref<1x2000xi32, #tpu.memory_space<vmem>>
    %dma_wait3A_101 = tpu.memref_squeeze %dma_wait3A_100 : memref<1x2000xi32, #tpu.memory_space<vmem>> -> memref<2000xi32, #tpu.memory_space<vmem>>
    %dma_wait3A_102 = tpu.memref_slice %arg2[%dma_wait3A_97, %add3A_31] : memref<2x320000xi32, #tpu.memory_space<hbm>> -> memref<1x2000xi32, #tpu.memory_space<hbm>>
    %dma_wait3A_103 = tpu.memref_squeeze %dma_wait3A_102 : memref<1x2000xi32, #tpu.memory_space<hbm>> -> memref<2000xi32, #tpu.memory_space<hbm>>
    %dma_wait3A_104 = arith.constant 0 : i32
    %dma_wait3A_105 = tpu.memref_slice %arg6[%dma_wait3A_98, %dma_wait3A_104] : memref<5x2000xi32, #tpu.memory_space<vmem>> -> memref<1x2000xi32, #tpu.memory_space<vmem>>
    %dma_wait3A_106 = tpu.memref_squeeze %dma_wait3A_105 : memref<1x2000xi32, #tpu.memory_space<vmem>> -> memref<2000xi32, #tpu.memory_space<vmem>>
    %dma_wait3A_107 = tpu.memref_slice %arg2[%dma_wait3A_97, %add3A_31] : memref<2x320000xi32, #tpu.memory_space<hbm>> -> memref<1x2000xi32, #tpu.memory_space<hbm>>
    %dma_wait3A_108 = tpu.memref_squeeze %dma_wait3A_107 : memref<1x2000xi32, #tpu.memory_space<hbm>> -> memref<2000xi32, #tpu.memory_space<hbm>>
    tpu.wait_dma2 semaphore(%arg9 : memref<!tpu.dma_semaphore, #tpu.memory_space<semaphore_mem>>) src(%dma_wait3A_108 : memref<2000xi32, #tpu.memory_space<hbm>>) dst(%dma_wait3A_106 : memref<2000xi32, #tpu.memory_space<vmem>>)
    %dma_wait3A_109 = arith.constant 1 : i32
    %dma_wait3A_110 = arith.constant 3 : i32
    %dma_wait3A_111 = arith.constant 0 : i32
    %dma_wait3A_112 = tpu.memref_slice %arg6[%dma_wait3A_110, %dma_wait3A_111] : memref<5x2000xi32, #tpu.memory_space<vmem>> -> memref<1x2000xi32, #tpu.memory_space<vmem>>
    %dma_wait3A_113 = tpu.memref_squeeze %dma_wait3A_112 : memref<1x2000xi32, #tpu.memory_space<vmem>> -> memref<2000xi32, #tpu.memory_space<vmem>>
    %dma_wait3A_114 = tpu.memref_slice %arg2[%dma_wait3A_109, %add3A_45] : memref<2x320000xi32, #tpu.memory_space<hbm>> -> memref<1x2000xi32, #tpu.memory_space<hbm>>
    %dma_wait3A_115 = tpu.memref_squeeze %dma_wait3A_114 : memref<1x2000xi32, #tpu.memory_space<hbm>> -> memref<2000xi32, #tpu.memory_space<hbm>>
    %dma_wait3A_116 = arith.constant 0 : i32
    %dma_wait3A_117 = tpu.memref_slice %arg6[%dma_wait3A_110, %dma_wait3A_116] : memref<5x2000xi32, #tpu.memory_space<vmem>> -> memref<1x2000xi32, #tpu.memory_space<vmem>>
    %dma_wait3A_118 = tpu.memref_squeeze %dma_wait3A_117 : memref<1x2000xi32, #tpu.memory_space<vmem>> -> memref<2000xi32, #tpu.memory_space<vmem>>
    %dma_wait3A_119 = tpu.memref_slice %arg2[%dma_wait3A_109, %add3A_45] : memref<2x320000xi32, #tpu.memory_space<hbm>> -> memref<1x2000xi32, #tpu.memory_space<hbm>>
    %dma_wait3A_120 = tpu.memref_squeeze %dma_wait3A_119 : memref<1x2000xi32, #tpu.memory_space<hbm>> -> memref<2000xi32, #tpu.memory_space<hbm>>
    tpu.wait_dma2 semaphore(%arg9 : memref<!tpu.dma_semaphore, #tpu.memory_space<semaphore_mem>>) src(%dma_wait3A_120 : memref<2000xi32, #tpu.memory_space<hbm>>) dst(%dma_wait3A_118 : memref<2000xi32, #tpu.memory_space<vmem>>)
    %dma_wait3A_121 = arith.constant 1 : i32
    %dma_wait3A_122 = arith.constant 4 : i32
    %dma_wait3A_123 = arith.constant 0 : i32
    %dma_wait3A_124 = tpu.memref_slice %arg6[%dma_wait3A_122, %dma_wait3A_123] : memref<5x2000xi32, #tpu.memory_space<vmem>> -> memref<1x2000xi32, #tpu.memory_space<vmem>>
    %dma_wait3A_125 = tpu.memref_squeeze %dma_wait3A_124 : memref<1x2000xi32, #tpu.memory_space<vmem>> -> memref<2000xi32, #tpu.memory_space<vmem>>
    %dma_wait3A_126 = tpu.memref_slice %arg2[%dma_wait3A_121, %add3A_59] : memref<2x320000xi32, #tpu.memory_space<hbm>> -> memref<1x2000xi32, #tpu.memory_space<hbm>>
    %dma_wait3A_127 = tpu.memref_squeeze %dma_wait3A_126 : memref<1x2000xi32, #tpu.memory_space<hbm>> -> memref<2000xi32, #tpu.memory_space<hbm>>
    %dma_wait3A_128 = arith.constant 0 : i32
    %dma_wait3A_129 = tpu.memref_slice %arg6[%dma_wait3A_122, %dma_wait3A_128] : memref<5x2000xi32, #tpu.memory_space<vmem>> -> memref<1x2000xi32, #tpu.memory_space<vmem>>
    %dma_wait3A_130 = tpu.memref_squeeze %dma_wait3A_129 : memref<1x2000xi32, #tpu.memory_space<vmem>> -> memref<2000xi32, #tpu.memory_space<vmem>>
    %dma_wait3A_131 = tpu.memref_slice %arg2[%dma_wait3A_121, %add3A_59] : memref<2x320000xi32, #tpu.memory_space<hbm>> -> memref<1x2000xi32, #tpu.memory_space<hbm>>
    %dma_wait3A_132 = tpu.memref_squeeze %dma_wait3A_131 : memref<1x2000xi32, #tpu.memory_space<hbm>> -> memref<2000xi32, #tpu.memory_space<hbm>>
    tpu.wait_dma2 semaphore(%arg9 : memref<!tpu.dma_semaphore, #tpu.memory_space<semaphore_mem>>) src(%dma_wait3A_132 : memref<2000xi32, #tpu.memory_space<hbm>>) dst(%dma_wait3A_130 : memref<2000xi32, #tpu.memory_space<vmem>>)
    %barrier3A = arith.constant 0 : index
    tpu.barrier barrier_id(%barrier3A)
    %dma_start3A_133 = arith.constant 0 : i32
    %dma_start3A_134 = arith.constant 0 : i32
    %dma_start3A_135 = tpu.memref_slice %arg6[%dma_start3A_133, %dma_start3A_134] : memref<5x2000xi32, #tpu.memory_space<vmem>> -> memref<1x2000xi32, #tpu.memory_space<vmem>>
    %dma_start3A_136 = tpu.memref_squeeze %dma_start3A_135 : memref<1x2000xi32, #tpu.memory_space<vmem>> -> memref<2000xi32, #tpu.memory_space<vmem>>
    %dma_start3A_137 = arith.constant 0 : i32
    %dma_start3A_138 = arith.constant 0 : i32
    %dma_start3A_139 = tpu.memref_slice %arg8[%dma_start3A_137, %dma_start3A_138] : memref<10000x16xf32, #tpu.memory_space<vmem_shared>> -> memref<10000x16xf32, #tpu.memory_space<vmem_shared>>
    tpu.enqueue_indirect_dma source(%arg7 : memref<2000x16xf32, #tpu.memory_space<vmem>>) target(%dma_start3A_139 : memref<10000x16xf32, #tpu.memory_space<vmem_shared>>) offsets(%dma_start3A_136 : memref<2000xi32, #tpu.memory_space<vmem>>) semaphore(%arg10 : memref<!tpu.dma_semaphore, #tpu.memory_space<semaphore_mem>>) {add = true}
    %dma_start3A_140 = arith.constant 1 : i32
    %dma_start3A_141 = arith.constant 0 : i32
    %dma_start3A_142 = tpu.memref_slice %arg6[%dma_start3A_140, %dma_start3A_141] : memref<5x2000xi32, #tpu.memory_space<vmem>> -> memref<1x2000xi32, #tpu.memory_space<vmem>>
    %dma_start3A_143 = tpu.memref_squeeze %dma_start3A_142 : memref<1x2000xi32, #tpu.memory_space<vmem>> -> memref<2000xi32, #tpu.memory_space<vmem>>
    %dma_start3A_144 = arith.constant 0 : i32
    %dma_start3A_145 = arith.constant 0 : i32
    %dma_start3A_146 = tpu.memref_slice %arg8[%dma_start3A_144, %dma_start3A_145] : memref<10000x16xf32, #tpu.memory_space<vmem_shared>> -> memref<10000x16xf32, #tpu.memory_space<vmem_shared>>
    tpu.enqueue_indirect_dma source(%arg7 : memref<2000x16xf32, #tpu.memory_space<vmem>>) target(%dma_start3A_146 : memref<10000x16xf32, #tpu.memory_space<vmem_shared>>) offsets(%dma_start3A_143 : memref<2000xi32, #tpu.memory_space<vmem>>) semaphore(%arg10 : memref<!tpu.dma_semaphore, #tpu.memory_space<semaphore_mem>>) {add = true}
    %dma_start3A_147 = arith.constant 2 : i32
    %dma_start3A_148 = arith.constant 0 : i32
    %dma_start3A_149 = tpu.memref_slice %arg6[%dma_start3A_147, %dma_start3A_148] : memref<5x2000xi32, #tpu.memory_space<vmem>> -> memref<1x2000xi32, #tpu.memory_space<vmem>>
    %dma_start3A_150 = tpu.memref_squeeze %dma_start3A_149 : memref<1x2000xi32, #tpu.memory_space<vmem>> -> memref<2000xi32, #tpu.memory_space<vmem>>
    %dma_start3A_151 = arith.constant 0 : i32
    %dma_start3A_152 = arith.constant 0 : i32
    %dma_start3A_153 = tpu.memref_slice %arg8[%dma_start3A_151, %dma_start3A_152] : memref<10000x16xf32, #tpu.memory_space<vmem_shared>> -> memref<10000x16xf32, #tpu.memory_space<vmem_shared>>
    tpu.enqueue_indirect_dma source(%arg7 : memref<2000x16xf32, #tpu.memory_space<vmem>>) target(%dma_start3A_153 : memref<10000x16xf32, #tpu.memory_space<vmem_shared>>) offsets(%dma_start3A_150 : memref<2000xi32, #tpu.memory_space<vmem>>) semaphore(%arg10 : memref<!tpu.dma_semaphore, #tpu.memory_space<semaphore_mem>>) {add = true}
    %dma_start3A_154 = arith.constant 3 : i32
    %dma_start3A_155 = arith.constant 0 : i32
    %dma_start3A_156 = tpu.memref_slice %arg6[%dma_start3A_154, %dma_start3A_155] : memref<5x2000xi32, #tpu.memory_space<vmem>> -> memref<1x2000xi32, #tpu.memory_space<vmem>>
    %dma_start3A_157 = tpu.memref_squeeze %dma_start3A_156 : memref<1x2000xi32, #tpu.memory_space<vmem>> -> memref<2000xi32, #tpu.memory_space<vmem>>
    %dma_start3A_158 = arith.constant 0 : i32
    %dma_start3A_159 = arith.constant 0 : i32
    %dma_start3A_160 = tpu.memref_slice %arg8[%dma_start3A_158, %dma_start3A_159] : memref<10000x16xf32, #tpu.memory_space<vmem_shared>> -> memref<10000x16xf32, #tpu.memory_space<vmem_shared>>
    tpu.enqueue_indirect_dma source(%arg7 : memref<2000x16xf32, #tpu.memory_space<vmem>>) target(%dma_start3A_160 : memref<10000x16xf32, #tpu.memory_space<vmem_shared>>) offsets(%dma_start3A_157 : memref<2000xi32, #tpu.memory_space<vmem>>) semaphore(%arg10 : memref<!tpu.dma_semaphore, #tpu.memory_space<semaphore_mem>>) {add = true}
    %dma_start3A_161 = arith.constant 4 : i32
    %dma_start3A_162 = arith.constant 0 : i32
    %dma_start3A_163 = tpu.memref_slice %arg6[%dma_start3A_161, %dma_start3A_162] : memref<5x2000xi32, #tpu.memory_space<vmem>> -> memref<1x2000xi32, #tpu.memory_space<vmem>>
    %dma_start3A_164 = tpu.memref_squeeze %dma_start3A_163 : memref<1x2000xi32, #tpu.memory_space<vmem>> -> memref<2000xi32, #tpu.memory_space<vmem>>
    %dma_start3A_165 = arith.constant 0 : i32
    %dma_start3A_166 = arith.constant 0 : i32
    %dma_start3A_167 = tpu.memref_slice %arg8[%dma_start3A_165, %dma_start3A_166] : memref<10000x16xf32, #tpu.memory_space<vmem_shared>> -> memref<10000x16xf32, #tpu.memory_space<vmem_shared>>
    tpu.enqueue_indirect_dma source(%arg7 : memref<2000x16xf32, #tpu.memory_space<vmem>>) target(%dma_start3A_167 : memref<10000x16xf32, #tpu.memory_space<vmem_shared>>) offsets(%dma_start3A_164 : memref<2000xi32, #tpu.memory_space<vmem>>) semaphore(%arg10 : memref<!tpu.dma_semaphore, #tpu.memory_space<semaphore_mem>>) {add = true}
    %dma_wait3A_168 = arith.constant 0 : i32
    %dma_wait3A_169 = arith.constant 0 : i32
    %dma_wait3A_170 = tpu.memref_slice %arg6[%dma_wait3A_168, %dma_wait3A_169] : memref<5x2000xi32, #tpu.memory_space<vmem>> -> memref<1x2000xi32, #tpu.memory_space<vmem>>
    %dma_wait3A_171 = tpu.memref_squeeze %dma_wait3A_170 : memref<1x2000xi32, #tpu.memory_space<vmem>> -> memref<2000xi32, #tpu.memory_space<vmem>>
    %dma_wait3A_172 = arith.constant 0 : i32
    %dma_wait3A_173 = arith.constant 0 : i32
    %dma_wait3A_174 = tpu.memref_slice %arg8[%dma_wait3A_172, %dma_wait3A_173] : memref<10000x16xf32, #tpu.memory_space<vmem_shared>> -> memref<10000x16xf32, #tpu.memory_space<vmem_shared>>
    tpu.wait_indirect_dma semaphore(%arg10 : memref<!tpu.dma_semaphore, #tpu.memory_space<semaphore_mem>>) src(%arg7 : memref<2000x16xf32, #tpu.memory_space<vmem>>) dst(%dma_wait3A_174 : memref<10000x16xf32, #tpu.memory_space<vmem_shared>>)
    %dma_wait3A_175 = arith.constant 1 : i32
    %dma_wait3A_176 = arith.constant 0 : i32
    %dma_wait3A_177 = tpu.memref_slice %arg6[%dma_wait3A_175, %dma_wait3A_176] : memref<5x2000xi32, #tpu.memory_space<vmem>> -> memref<1x2000xi32, #tpu.memory_space<vmem>>
    %dma_wait3A_178 = tpu.memref_squeeze %dma_wait3A_177 : memref<1x2000xi32, #tpu.memory_space<vmem>> -> memref<2000xi32, #tpu.memory_space<vmem>>
    %dma_wait3A_179 = arith.constant 0 : i32
    %dma_wait3A_180 = arith.constant 0 : i32
    %dma_wait3A_181 = tpu.memref_slice %arg8[%dma_wait3A_179, %dma_wait3A_180] : memref<10000x16xf32, #tpu.memory_space<vmem_shared>> -> memref<10000x16xf32, #tpu.memory_space<vmem_shared>>
    tpu.wait_indirect_dma semaphore(%arg10 : memref<!tpu.dma_semaphore, #tpu.memory_space<semaphore_mem>>) src(%arg7 : memref<2000x16xf32, #tpu.memory_space<vmem>>) dst(%dma_wait3A_181 : memref<10000x16xf32, #tpu.memory_space<vmem_shared>>)
    %dma_wait3A_182 = arith.constant 2 : i32
    %dma_wait3A_183 = arith.constant 0 : i32
    %dma_wait3A_184 = tpu.memref_slice %arg6[%dma_wait3A_182, %dma_wait3A_183] : memref<5x2000xi32, #tpu.memory_space<vmem>> -> memref<1x2000xi32, #tpu.memory_space<vmem>>
    %dma_wait3A_185 = tpu.memref_squeeze %dma_wait3A_184 : memref<1x2000xi32, #tpu.memory_space<vmem>> -> memref<2000xi32, #tpu.memory_space<vmem>>
    %dma_wait3A_186 = arith.constant 0 : i32
    %dma_wait3A_187 = arith.constant 0 : i32
    %dma_wait3A_188 = tpu.memref_slice %arg8[%dma_wait3A_186, %dma_wait3A_187] : memref<10000x16xf32, #tpu.memory_space<vmem_shared>> -> memref<10000x16xf32, #tpu.memory_space<vmem_shared>>
    tpu.wait_indirect_dma semaphore(%arg10 : memref<!tpu.dma_semaphore, #tpu.memory_space<semaphore_mem>>) src(%arg7 : memref<2000x16xf32, #tpu.memory_space<vmem>>) dst(%dma_wait3A_188 : memref<10000x16xf32, #tpu.memory_space<vmem_shared>>)
    %dma_wait3A_189 = arith.constant 3 : i32
    %dma_wait3A_190 = arith.constant 0 : i32
    %dma_wait3A_191 = tpu.memref_slice %arg6[%dma_wait3A_189, %dma_wait3A_190] : memref<5x2000xi32, #tpu.memory_space<vmem>> -> memref<1x2000xi32, #tpu.memory_space<vmem>>
    %dma_wait3A_192 = tpu.memref_squeeze %dma_wait3A_191 : memref<1x2000xi32, #tpu.memory_space<vmem>> -> memref<2000xi32, #tpu.memory_space<vmem>>
    %dma_wait3A_193 = arith.constant 0 : i32
    %dma_wait3A_194 = arith.constant 0 : i32
    %dma_wait3A_195 = tpu.memref_slice %arg8[%dma_wait3A_193, %dma_wait3A_194] : memref<10000x16xf32, #tpu.memory_space<vmem_shared>> -> memref<10000x16xf32, #tpu.memory_space<vmem_shared>>
    tpu.wait_indirect_dma semaphore(%arg10 : memref<!tpu.dma_semaphore, #tpu.memory_space<semaphore_mem>>) src(%arg7 : memref<2000x16xf32, #tpu.memory_space<vmem>>) dst(%dma_wait3A_195 : memref<10000x16xf32, #tpu.memory_space<vmem_shared>>)
    %dma_wait3A_196 = arith.constant 4 : i32
    %dma_wait3A_197 = arith.constant 0 : i32
    %dma_wait3A_198 = tpu.memref_slice %arg6[%dma_wait3A_196, %dma_wait3A_197] : memref<5x2000xi32, #tpu.memory_space<vmem>> -> memref<1x2000xi32, #tpu.memory_space<vmem>>
    %dma_wait3A_199 = tpu.memref_squeeze %dma_wait3A_198 : memref<1x2000xi32, #tpu.memory_space<vmem>> -> memref<2000xi32, #tpu.memory_space<vmem>>
    %dma_wait3A_200 = arith.constant 0 : i32
    %dma_wait3A_201 = arith.constant 0 : i32
    %dma_wait3A_202 = tpu.memref_slice %arg8[%dma_wait3A_200, %dma_wait3A_201] : memref<10000x16xf32, #tpu.memory_space<vmem_shared>> -> memref<10000x16xf32, #tpu.memory_space<vmem_shared>>
    tpu.wait_indirect_dma semaphore(%arg10 : memref<!tpu.dma_semaphore, #tpu.memory_space<semaphore_mem>>) src(%arg7 : memref<2000x16xf32, #tpu.memory_space<vmem>>) dst(%dma_wait3A_202 : memref<10000x16xf32, #tpu.memory_space<vmem_shared>>)
    %barrier3A_203 = arith.constant 0 : index
    tpu.barrier barrier_id(%barrier3A_203)
    %mul3A_204 = arith.constant 625 : i32
    %mul3A_205 = arith.muli %arg1, %mul3A_204 : i32
    %mul3A_206 = arith.constant 625 : i32
    %mul3A_207 = arith.muli %arg1, %mul3A_206 : i32
    "tpu.region"() ({
      %run_scoped3A = tpu.sem_alloc : memref<!tpu.dma_semaphore, #tpu.memory_space<semaphore_mem>>
      %dma_start3A_208 = arith.constant 0 : i32
      %dma_start3A_209 = tpu.memref_slice %arg5[%arg0, %mul3A_207, %dma_start3A_208] : memref<2x10000x16xf32, #tpu.memory_space<hbm>> -> memref<1x625x16xf32, #tpu.memory_space<hbm>>
      %dma_start3A_210 = tpu.memref_squeeze %dma_start3A_209 : memref<1x625x16xf32, #tpu.memory_space<hbm>> -> memref<625x16xf32, #tpu.memory_space<hbm>>
      %dma_start3A_211 = arith.constant 0 : i32
      %dma_start3A_212 = tpu.memref_slice %arg8[%mul3A_205, %dma_start3A_211] : memref<10000x16xf32, #tpu.memory_space<vmem_shared>> -> memref<625x16xf32, #tpu.memory_space<vmem_shared>>
      tpu.enqueue_dma source(%dma_start3A_212 : memref<625x16xf32, #tpu.memory_space<vmem_shared>>) target(%dma_start3A_210 : memref<625x16xf32, #tpu.memory_space<hbm>>) target_semaphore(%run_scoped3A : memref<!tpu.dma_semaphore, #tpu.memory_space<semaphore_mem>>)
      %dma_wait3A_213 = arith.constant 0 : i32
      %dma_wait3A_214 = tpu.memref_slice %arg5[%arg0, %mul3A_207, %dma_wait3A_213] : memref<2x10000x16xf32, #tpu.memory_space<hbm>> -> memref<1x625x16xf32, #tpu.memory_space<hbm>>
      %dma_wait3A_215 = tpu.memref_squeeze %dma_wait3A_214 : memref<1x625x16xf32, #tpu.memory_space<hbm>> -> memref<625x16xf32, #tpu.memory_space<hbm>>
      %dma_wait3A_216 = arith.constant 0 : i32
      %dma_wait3A_217 = tpu.memref_slice %arg8[%mul3A_205, %dma_wait3A_216] : memref<10000x16xf32, #tpu.memory_space<vmem_shared>> -> memref<625x16xf32, #tpu.memory_space<vmem_shared>>
      tpu.wait_dma2 semaphore(%run_scoped3A : memref<!tpu.dma_semaphore, #tpu.memory_space<semaphore_mem>>) src(%dma_wait3A_217 : memref<625x16xf32, #tpu.memory_space<vmem_shared>>) dst(%dma_wait3A_215 : memref<625x16xf32, #tpu.memory_space<hbm>>)
      tpu.yield
    }) : () -> ()
    return
  }
}

#map = affine_map<(d0, d1) -> (0, 0)>
#map1 = affine_map<(d0, d1) -> (0, 0, 0)>
module attributes {stable_mosaic.version = 14 : i64} {
  func.func @sc_scatter(%arg0: i32, %arg1: i32, %arg2: memref<10000x16xf32, #tpu.memory_space<hbm>>, %arg3: memref<2x320000xi32, #tpu.memory_space<hbm>>, %arg4: memref<625x16xf32, #tpu.memory_space<hbm>>, %arg5: memref<2x10000x16xf32, #tpu.memory_space<hbm>>, %arg6: memref<5x2000xi32, #tpu.memory_space<vmem>>, %arg7: memref<5x2000xi32, #tpu.memory_space<vmem>>, %arg8: memref<2000x16xf32, #tpu.memory_space<vmem>>, %arg9: memref<2000x16xf32, #tpu.memory_space<vmem>>, %arg10: memref<2000x16xf32, #tpu.memory_space<vmem>>, %arg11: memref<10000x16xf32, #tpu.memory_space<vmem_shared>>, %arg12: memref<!tpu.dma_semaphore, #tpu.memory_space<semaphore_mem>>, %arg13: memref<!tpu.dma_semaphore, #tpu.memory_space<semaphore_mem>>, %arg14: memref<!tpu.dma_semaphore, #tpu.memory_space<semaphore_mem>>, %arg15: memref<!tpu.dma_semaphore, #tpu.memory_space<semaphore_mem>>, %arg16: memref<!tpu.dma_semaphore, #tpu.memory_space<semaphore_mem>>, %arg17: memref<!tpu.dma_semaphore, #tpu.memory_space<semaphore_mem>>, %arg18: memref<!tpu.dma_semaphore, #tpu.memory_space<semaphore_mem>>) attributes {dimension_semantics = [#tpu.dimension_semantics<core_parallel>, #tpu.dimension_semantics<subcore_parallel>], iteration_bounds = array<i64: 2, 16>, scalar_prefetch = 0 : i64, scratch_operands = 13 : i64, tpu.core_type = #tpu.core_type<sc_vector_subcore>, window_params = [{transform_indices = #map}, {transform_indices = #map}, {transform_indices = #map}, {transform_indices = #map1}]} {
    %mul3A = arith.constant 16 : i32
    %mul3A_0 = arith.muli %arg0, %mul3A : i32
    %add3A = arith.addi %mul3A_0, %arg1 : i32
    %mul3A_1 = arith.constant 10000 : i32
    %mul3A_2 = arith.muli %add3A, %mul3A_1 : i32
    %add3A_3 = arith.constant 0 : i32
    %add3A_4 = arith.addi %mul3A_2, %add3A_3 : i32
    %dma_start3A = arith.constant 0 : i32
    %dma_start3A_5 = arith.constant 0 : i32
    %dma_start3A_6 = arith.constant 0 : i32
    %dma_start3A_7 = tpu.memref_slice %arg6[%dma_start3A_5, %dma_start3A_6] : memref<5x2000xi32, #tpu.memory_space<vmem>> -> memref<1x2000xi32, #tpu.memory_space<vmem>>
    %dma_start3A_8 = tpu.memref_squeeze %dma_start3A_7 : memref<1x2000xi32, #tpu.memory_space<vmem>> -> memref<2000xi32, #tpu.memory_space<vmem>>
    %dma_start3A_9 = tpu.memref_slice %arg3[%dma_start3A, %add3A_4] : memref<2x320000xi32, #tpu.memory_space<hbm>> -> memref<1x2000xi32, #tpu.memory_space<hbm>>
    %dma_start3A_10 = tpu.memref_squeeze %dma_start3A_9 : memref<1x2000xi32, #tpu.memory_space<hbm>> -> memref<2000xi32, #tpu.memory_space<hbm>>
    %dma_start3A_11 = arith.constant 0 : i32
    %dma_start3A_12 = tpu.memref_slice %arg6[%dma_start3A_5, %dma_start3A_11] : memref<5x2000xi32, #tpu.memory_space<vmem>> -> memref<1x2000xi32, #tpu.memory_space<vmem>>
    %dma_start3A_13 = tpu.memref_squeeze %dma_start3A_12 : memref<1x2000xi32, #tpu.memory_space<vmem>> -> memref<2000xi32, #tpu.memory_space<vmem>>
    %dma_start3A_14 = tpu.memref_slice %arg3[%dma_start3A, %add3A_4] : memref<2x320000xi32, #tpu.memory_space<hbm>> -> memref<1x2000xi32, #tpu.memory_space<hbm>>
    %dma_start3A_15 = tpu.memref_squeeze %dma_start3A_14 : memref<1x2000xi32, #tpu.memory_space<hbm>> -> memref<2000xi32, #tpu.memory_space<hbm>>
    tpu.enqueue_dma source(%dma_start3A_15 : memref<2000xi32, #tpu.memory_space<hbm>>) target(%dma_start3A_13 : memref<2000xi32, #tpu.memory_space<vmem>>) target_semaphore(%arg12 : memref<!tpu.dma_semaphore, #tpu.memory_space<semaphore_mem>>)
    %add3A_16 = arith.constant 0 : i32
    %add3A_17 = arith.addi %mul3A_2, %add3A_16 : i32
    %dma_start3A_18 = arith.constant 1 : i32
    %dma_start3A_19 = arith.constant 0 : i32
    %dma_start3A_20 = arith.constant 0 : i32
    %dma_start3A_21 = tpu.memref_slice %arg7[%dma_start3A_19, %dma_start3A_20] : memref<5x2000xi32, #tpu.memory_space<vmem>> -> memref<1x2000xi32, #tpu.memory_space<vmem>>
    %dma_start3A_22 = tpu.memref_squeeze %dma_start3A_21 : memref<1x2000xi32, #tpu.memory_space<vmem>> -> memref<2000xi32, #tpu.memory_space<vmem>>
    %dma_start3A_23 = tpu.memref_slice %arg3[%dma_start3A_18, %add3A_17] : memref<2x320000xi32, #tpu.memory_space<hbm>> -> memref<1x2000xi32, #tpu.memory_space<hbm>>
    %dma_start3A_24 = tpu.memref_squeeze %dma_start3A_23 : memref<1x2000xi32, #tpu.memory_space<hbm>> -> memref<2000xi32, #tpu.memory_space<hbm>>
    %dma_start3A_25 = arith.constant 0 : i32
    %dma_start3A_26 = tpu.memref_slice %arg7[%dma_start3A_19, %dma_start3A_25] : memref<5x2000xi32, #tpu.memory_space<vmem>> -> memref<1x2000xi32, #tpu.memory_space<vmem>>
    %dma_start3A_27 = tpu.memref_squeeze %dma_start3A_26 : memref<1x2000xi32, #tpu.memory_space<vmem>> -> memref<2000xi32, #tpu.memory_space<vmem>>
    %dma_start3A_28 = tpu.memref_slice %arg3[%dma_start3A_18, %add3A_17] : memref<2x320000xi32, #tpu.memory_space<hbm>> -> memref<1x2000xi32, #tpu.memory_space<hbm>>
    %dma_start3A_29 = tpu.memref_squeeze %dma_start3A_28 : memref<1x2000xi32, #tpu.memory_space<hbm>> -> memref<2000xi32, #tpu.memory_space<hbm>>
    tpu.enqueue_dma source(%dma_start3A_29 : memref<2000xi32, #tpu.memory_space<hbm>>) target(%dma_start3A_27 : memref<2000xi32, #tpu.memory_space<vmem>>) target_semaphore(%arg12 : memref<!tpu.dma_semaphore, #tpu.memory_space<semaphore_mem>>)
    %add3A_30 = arith.constant 2000 : i32
    %add3A_31 = arith.addi %mul3A_2, %add3A_30 : i32
    %dma_start3A_32 = arith.constant 0 : i32
    %dma_start3A_33 = arith.constant 1 : i32
    %dma_start3A_34 = arith.constant 0 : i32
    %dma_start3A_35 = tpu.memref_slice %arg6[%dma_start3A_33, %dma_start3A_34] : memref<5x2000xi32, #tpu.memory_space<vmem>> -> memref<1x2000xi32, #tpu.memory_space<vmem>>
    %dma_start3A_36 = tpu.memref_squeeze %dma_start3A_35 : memref<1x2000xi32, #tpu.memory_space<vmem>> -> memref<2000xi32, #tpu.memory_space<vmem>>
    %dma_start3A_37 = tpu.memref_slice %arg3[%dma_start3A_32, %add3A_31] : memref<2x320000xi32, #tpu.memory_space<hbm>> -> memref<1x2000xi32, #tpu.memory_space<hbm>>
    %dma_start3A_38 = tpu.memref_squeeze %dma_start3A_37 : memref<1x2000xi32, #tpu.memory_space<hbm>> -> memref<2000xi32, #tpu.memory_space<hbm>>
    %dma_start3A_39 = arith.constant 0 : i32
    %dma_start3A_40 = tpu.memref_slice %arg6[%dma_start3A_33, %dma_start3A_39] : memref<5x2000xi32, #tpu.memory_space<vmem>> -> memref<1x2000xi32, #tpu.memory_space<vmem>>
    %dma_start3A_41 = tpu.memref_squeeze %dma_start3A_40 : memref<1x2000xi32, #tpu.memory_space<vmem>> -> memref<2000xi32, #tpu.memory_space<vmem>>
    %dma_start3A_42 = tpu.memref_slice %arg3[%dma_start3A_32, %add3A_31] : memref<2x320000xi32, #tpu.memory_space<hbm>> -> memref<1x2000xi32, #tpu.memory_space<hbm>>
    %dma_start3A_43 = tpu.memref_squeeze %dma_start3A_42 : memref<1x2000xi32, #tpu.memory_space<hbm>> -> memref<2000xi32, #tpu.memory_space<hbm>>
    tpu.enqueue_dma source(%dma_start3A_43 : memref<2000xi32, #tpu.memory_space<hbm>>) target(%dma_start3A_41 : memref<2000xi32, #tpu.memory_space<vmem>>) target_semaphore(%arg12 : memref<!tpu.dma_semaphore, #tpu.memory_space<semaphore_mem>>)
    %add3A_44 = arith.constant 2000 : i32
    %add3A_45 = arith.addi %mul3A_2, %add3A_44 : i32
    %dma_start3A_46 = arith.constant 1 : i32
    %dma_start3A_47 = arith.constant 1 : i32
    %dma_start3A_48 = arith.constant 0 : i32
    %dma_start3A_49 = tpu.memref_slice %arg7[%dma_start3A_47, %dma_start3A_48] : memref<5x2000xi32, #tpu.memory_space<vmem>> -> memref<1x2000xi32, #tpu.memory_space<vmem>>
    %dma_start3A_50 = tpu.memref_squeeze %dma_start3A_49 : memref<1x2000xi32, #tpu.memory_space<vmem>> -> memref<2000xi32, #tpu.memory_space<vmem>>
    %dma_start3A_51 = tpu.memref_slice %arg3[%dma_start3A_46, %add3A_45] : memref<2x320000xi32, #tpu.memory_space<hbm>> -> memref<1x2000xi32, #tpu.memory_space<hbm>>
    %dma_start3A_52 = tpu.memref_squeeze %dma_start3A_51 : memref<1x2000xi32, #tpu.memory_space<hbm>> -> memref<2000xi32, #tpu.memory_space<hbm>>
    %dma_start3A_53 = arith.constant 0 : i32
    %dma_start3A_54 = tpu.memref_slice %arg7[%dma_start3A_47, %dma_start3A_53] : memref<5x2000xi32, #tpu.memory_space<vmem>> -> memref<1x2000xi32, #tpu.memory_space<vmem>>
    %dma_start3A_55 = tpu.memref_squeeze %dma_start3A_54 : memref<1x2000xi32, #tpu.memory_space<vmem>> -> memref<2000xi32, #tpu.memory_space<vmem>>
    %dma_start3A_56 = tpu.memref_slice %arg3[%dma_start3A_46, %add3A_45] : memref<2x320000xi32, #tpu.memory_space<hbm>> -> memref<1x2000xi32, #tpu.memory_space<hbm>>
    %dma_start3A_57 = tpu.memref_squeeze %dma_start3A_56 : memref<1x2000xi32, #tpu.memory_space<hbm>> -> memref<2000xi32, #tpu.memory_space<hbm>>
    tpu.enqueue_dma source(%dma_start3A_57 : memref<2000xi32, #tpu.memory_space<hbm>>) target(%dma_start3A_55 : memref<2000xi32, #tpu.memory_space<vmem>>) target_semaphore(%arg12 : memref<!tpu.dma_semaphore, #tpu.memory_space<semaphore_mem>>)
    %add3A_58 = arith.constant 4000 : i32
    %add3A_59 = arith.addi %mul3A_2, %add3A_58 : i32
    %dma_start3A_60 = arith.constant 0 : i32
    %dma_start3A_61 = arith.constant 2 : i32
    %dma_start3A_62 = arith.constant 0 : i32
    %dma_start3A_63 = tpu.memref_slice %arg6[%dma_start3A_61, %dma_start3A_62] : memref<5x2000xi32, #tpu.memory_space<vmem>> -> memref<1x2000xi32, #tpu.memory_space<vmem>>
    %dma_start3A_64 = tpu.memref_squeeze %dma_start3A_63 : memref<1x2000xi32, #tpu.memory_space<vmem>> -> memref<2000xi32, #tpu.memory_space<vmem>>
    %dma_start3A_65 = tpu.memref_slice %arg3[%dma_start3A_60, %add3A_59] : memref<2x320000xi32, #tpu.memory_space<hbm>> -> memref<1x2000xi32, #tpu.memory_space<hbm>>
    %dma_start3A_66 = tpu.memref_squeeze %dma_start3A_65 : memref<1x2000xi32, #tpu.memory_space<hbm>> -> memref<2000xi32, #tpu.memory_space<hbm>>
    %dma_start3A_67 = arith.constant 0 : i32
    %dma_start3A_68 = tpu.memref_slice %arg6[%dma_start3A_61, %dma_start3A_67] : memref<5x2000xi32, #tpu.memory_space<vmem>> -> memref<1x2000xi32, #tpu.memory_space<vmem>>
    %dma_start3A_69 = tpu.memref_squeeze %dma_start3A_68 : memref<1x2000xi32, #tpu.memory_space<vmem>> -> memref<2000xi32, #tpu.memory_space<vmem>>
    %dma_start3A_70 = tpu.memref_slice %arg3[%dma_start3A_60, %add3A_59] : memref<2x320000xi32, #tpu.memory_space<hbm>> -> memref<1x2000xi32, #tpu.memory_space<hbm>>
    %dma_start3A_71 = tpu.memref_squeeze %dma_start3A_70 : memref<1x2000xi32, #tpu.memory_space<hbm>> -> memref<2000xi32, #tpu.memory_space<hbm>>
    tpu.enqueue_dma source(%dma_start3A_71 : memref<2000xi32, #tpu.memory_space<hbm>>) target(%dma_start3A_69 : memref<2000xi32, #tpu.memory_space<vmem>>) target_semaphore(%arg12 : memref<!tpu.dma_semaphore, #tpu.memory_space<semaphore_mem>>)
    %add3A_72 = arith.constant 4000 : i32
    %add3A_73 = arith.addi %mul3A_2, %add3A_72 : i32
    %dma_start3A_74 = arith.constant 1 : i32
    %dma_start3A_75 = arith.constant 2 : i32
    %dma_start3A_76 = arith.constant 0 : i32
    %dma_start3A_77 = tpu.memref_slice %arg7[%dma_start3A_75, %dma_start3A_76] : memref<5x2000xi32, #tpu.memory_space<vmem>> -> memref<1x2000xi32, #tpu.memory_space<vmem>>
    %dma_start3A_78 = tpu.memref_squeeze %dma_start3A_77 : memref<1x2000xi32, #tpu.memory_space<vmem>> -> memref<2000xi32, #tpu.memory_space<vmem>>
    %dma_start3A_79 = tpu.memref_slice %arg3[%dma_start3A_74, %add3A_73] : memref<2x320000xi32, #tpu.memory_space<hbm>> -> memref<1x2000xi32, #tpu.memory_space<hbm>>
    %dma_start3A_80 = tpu.memref_squeeze %dma_start3A_79 : memref<1x2000xi32, #tpu.memory_space<hbm>> -> memref<2000xi32, #tpu.memory_space<hbm>>
    %dma_start3A_81 = arith.constant 0 : i32
    %dma_start3A_82 = tpu.memref_slice %arg7[%dma_start3A_75, %dma_start3A_81] : memref<5x2000xi32, #tpu.memory_space<vmem>> -> memref<1x2000xi32, #tpu.memory_space<vmem>>
    %dma_start3A_83 = tpu.memref_squeeze %dma_start3A_82 : memref<1x2000xi32, #tpu.memory_space<vmem>> -> memref<2000xi32, #tpu.memory_space<vmem>>
    %dma_start3A_84 = tpu.memref_slice %arg3[%dma_start3A_74, %add3A_73] : memref<2x320000xi32, #tpu.memory_space<hbm>> -> memref<1x2000xi32, #tpu.memory_space<hbm>>
    %dma_start3A_85 = tpu.memref_squeeze %dma_start3A_84 : memref<1x2000xi32, #tpu.memory_space<hbm>> -> memref<2000xi32, #tpu.memory_space<hbm>>
    tpu.enqueue_dma source(%dma_start3A_85 : memref<2000xi32, #tpu.memory_space<hbm>>) target(%dma_start3A_83 : memref<2000xi32, #tpu.memory_space<vmem>>) target_semaphore(%arg12 : memref<!tpu.dma_semaphore, #tpu.memory_space<semaphore_mem>>)
    %add3A_86 = arith.constant 6000 : i32
    %add3A_87 = arith.addi %mul3A_2, %add3A_86 : i32
    %dma_start3A_88 = arith.constant 0 : i32
    %dma_start3A_89 = arith.constant 3 : i32
    %dma_start3A_90 = arith.constant 0 : i32
    %dma_start3A_91 = tpu.memref_slice %arg6[%dma_start3A_89, %dma_start3A_90] : memref<5x2000xi32, #tpu.memory_space<vmem>> -> memref<1x2000xi32, #tpu.memory_space<vmem>>
    %dma_start3A_92 = tpu.memref_squeeze %dma_start3A_91 : memref<1x2000xi32, #tpu.memory_space<vmem>> -> memref<2000xi32, #tpu.memory_space<vmem>>
    %dma_start3A_93 = tpu.memref_slice %arg3[%dma_start3A_88, %add3A_87] : memref<2x320000xi32, #tpu.memory_space<hbm>> -> memref<1x2000xi32, #tpu.memory_space<hbm>>
    %dma_start3A_94 = tpu.memref_squeeze %dma_start3A_93 : memref<1x2000xi32, #tpu.memory_space<hbm>> -> memref<2000xi32, #tpu.memory_space<hbm>>
    %dma_start3A_95 = arith.constant 0 : i32
    %dma_start3A_96 = tpu.memref_slice %arg6[%dma_start3A_89, %dma_start3A_95] : memref<5x2000xi32, #tpu.memory_space<vmem>> -> memref<1x2000xi32, #tpu.memory_space<vmem>>
    %dma_start3A_97 = tpu.memref_squeeze %dma_start3A_96 : memref<1x2000xi32, #tpu.memory_space<vmem>> -> memref<2000xi32, #tpu.memory_space<vmem>>
    %dma_start3A_98 = tpu.memref_slice %arg3[%dma_start3A_88, %add3A_87] : memref<2x320000xi32, #tpu.memory_space<hbm>> -> memref<1x2000xi32, #tpu.memory_space<hbm>>
    %dma_start3A_99 = tpu.memref_squeeze %dma_start3A_98 : memref<1x2000xi32, #tpu.memory_space<hbm>> -> memref<2000xi32, #tpu.memory_space<hbm>>
    tpu.enqueue_dma source(%dma_start3A_99 : memref<2000xi32, #tpu.memory_space<hbm>>) target(%dma_start3A_97 : memref<2000xi32, #tpu.memory_space<vmem>>) target_semaphore(%arg12 : memref<!tpu.dma_semaphore, #tpu.memory_space<semaphore_mem>>)
    %add3A_100 = arith.constant 6000 : i32
    %add3A_101 = arith.addi %mul3A_2, %add3A_100 : i32
    %dma_start3A_102 = arith.constant 1 : i32
    %dma_start3A_103 = arith.constant 3 : i32
    %dma_start3A_104 = arith.constant 0 : i32
    %dma_start3A_105 = tpu.memref_slice %arg7[%dma_start3A_103, %dma_start3A_104] : memref<5x2000xi32, #tpu.memory_space<vmem>> -> memref<1x2000xi32, #tpu.memory_space<vmem>>
    %dma_start3A_106 = tpu.memref_squeeze %dma_start3A_105 : memref<1x2000xi32, #tpu.memory_space<vmem>> -> memref<2000xi32, #tpu.memory_space<vmem>>
    %dma_start3A_107 = tpu.memref_slice %arg3[%dma_start3A_102, %add3A_101] : memref<2x320000xi32, #tpu.memory_space<hbm>> -> memref<1x2000xi32, #tpu.memory_space<hbm>>
    %dma_start3A_108 = tpu.memref_squeeze %dma_start3A_107 : memref<1x2000xi32, #tpu.memory_space<hbm>> -> memref<2000xi32, #tpu.memory_space<hbm>>
    %dma_start3A_109 = arith.constant 0 : i32
    %dma_start3A_110 = tpu.memref_slice %arg7[%dma_start3A_103, %dma_start3A_109] : memref<5x2000xi32, #tpu.memory_space<vmem>> -> memref<1x2000xi32, #tpu.memory_space<vmem>>
    %dma_start3A_111 = tpu.memref_squeeze %dma_start3A_110 : memref<1x2000xi32, #tpu.memory_space<vmem>> -> memref<2000xi32, #tpu.memory_space<vmem>>
    %dma_start3A_112 = tpu.memref_slice %arg3[%dma_start3A_102, %add3A_101] : memref<2x320000xi32, #tpu.memory_space<hbm>> -> memref<1x2000xi32, #tpu.memory_space<hbm>>
    %dma_start3A_113 = tpu.memref_squeeze %dma_start3A_112 : memref<1x2000xi32, #tpu.memory_space<hbm>> -> memref<2000xi32, #tpu.memory_space<hbm>>
    tpu.enqueue_dma source(%dma_start3A_113 : memref<2000xi32, #tpu.memory_space<hbm>>) target(%dma_start3A_111 : memref<2000xi32, #tpu.memory_space<vmem>>) target_semaphore(%arg12 : memref<!tpu.dma_semaphore, #tpu.memory_space<semaphore_mem>>)
    %add3A_114 = arith.constant 8000 : i32
    %add3A_115 = arith.addi %mul3A_2, %add3A_114 : i32
    %dma_start3A_116 = arith.constant 0 : i32
    %dma_start3A_117 = arith.constant 4 : i32
    %dma_start3A_118 = arith.constant 0 : i32
    %dma_start3A_119 = tpu.memref_slice %arg6[%dma_start3A_117, %dma_start3A_118] : memref<5x2000xi32, #tpu.memory_space<vmem>> -> memref<1x2000xi32, #tpu.memory_space<vmem>>
    %dma_start3A_120 = tpu.memref_squeeze %dma_start3A_119 : memref<1x2000xi32, #tpu.memory_space<vmem>> -> memref<2000xi32, #tpu.memory_space<vmem>>
    %dma_start3A_121 = tpu.memref_slice %arg3[%dma_start3A_116, %add3A_115] : memref<2x320000xi32, #tpu.memory_space<hbm>> -> memref<1x2000xi32, #tpu.memory_space<hbm>>
    %dma_start3A_122 = tpu.memref_squeeze %dma_start3A_121 : memref<1x2000xi32, #tpu.memory_space<hbm>> -> memref<2000xi32, #tpu.memory_space<hbm>>
    %dma_start3A_123 = arith.constant 0 : i32
    %dma_start3A_124 = tpu.memref_slice %arg6[%dma_start3A_117, %dma_start3A_123] : memref<5x2000xi32, #tpu.memory_space<vmem>> -> memref<1x2000xi32, #tpu.memory_space<vmem>>
    %dma_start3A_125 = tpu.memref_squeeze %dma_start3A_124 : memref<1x2000xi32, #tpu.memory_space<vmem>> -> memref<2000xi32, #tpu.memory_space<vmem>>
    %dma_start3A_126 = tpu.memref_slice %arg3[%dma_start3A_116, %add3A_115] : memref<2x320000xi32, #tpu.memory_space<hbm>> -> memref<1x2000xi32, #tpu.memory_space<hbm>>
    %dma_start3A_127 = tpu.memref_squeeze %dma_start3A_126 : memref<1x2000xi32, #tpu.memory_space<hbm>> -> memref<2000xi32, #tpu.memory_space<hbm>>
    tpu.enqueue_dma source(%dma_start3A_127 : memref<2000xi32, #tpu.memory_space<hbm>>) target(%dma_start3A_125 : memref<2000xi32, #tpu.memory_space<vmem>>) target_semaphore(%arg12 : memref<!tpu.dma_semaphore, #tpu.memory_space<semaphore_mem>>)
    %add3A_128 = arith.constant 8000 : i32
    %add3A_129 = arith.addi %mul3A_2, %add3A_128 : i32
    %dma_start3A_130 = arith.constant 1 : i32
    %dma_start3A_131 = arith.constant 4 : i32
    %dma_start3A_132 = arith.constant 0 : i32
    %dma_start3A_133 = tpu.memref_slice %arg7[%dma_start3A_131, %dma_start3A_132] : memref<5x2000xi32, #tpu.memory_space<vmem>> -> memref<1x2000xi32, #tpu.memory_space<vmem>>
    %dma_start3A_134 = tpu.memref_squeeze %dma_start3A_133 : memref<1x2000xi32, #tpu.memory_space<vmem>> -> memref<2000xi32, #tpu.memory_space<vmem>>
    %dma_start3A_135 = tpu.memref_slice %arg3[%dma_start3A_130, %add3A_129] : memref<2x320000xi32, #tpu.memory_space<hbm>> -> memref<1x2000xi32, #tpu.memory_space<hbm>>
    %dma_start3A_136 = tpu.memref_squeeze %dma_start3A_135 : memref<1x2000xi32, #tpu.memory_space<hbm>> -> memref<2000xi32, #tpu.memory_space<hbm>>
    %dma_start3A_137 = arith.constant 0 : i32
    %dma_start3A_138 = tpu.memref_slice %arg7[%dma_start3A_131, %dma_start3A_137] : memref<5x2000xi32, #tpu.memory_space<vmem>> -> memref<1x2000xi32, #tpu.memory_space<vmem>>
    %dma_start3A_139 = tpu.memref_squeeze %dma_start3A_138 : memref<1x2000xi32, #tpu.memory_space<vmem>> -> memref<2000xi32, #tpu.memory_space<vmem>>
    %dma_start3A_140 = tpu.memref_slice %arg3[%dma_start3A_130, %add3A_129] : memref<2x320000xi32, #tpu.memory_space<hbm>> -> memref<1x2000xi32, #tpu.memory_space<hbm>>
    %dma_start3A_141 = tpu.memref_squeeze %dma_start3A_140 : memref<1x2000xi32, #tpu.memory_space<hbm>> -> memref<2000xi32, #tpu.memory_space<hbm>>
    tpu.enqueue_dma source(%dma_start3A_141 : memref<2000xi32, #tpu.memory_space<hbm>>) target(%dma_start3A_139 : memref<2000xi32, #tpu.memory_space<vmem>>) target_semaphore(%arg12 : memref<!tpu.dma_semaphore, #tpu.memory_space<semaphore_mem>>)
    %mul3A_142 = arith.constant 625 : i32
    %mul3A_143 = arith.muli %arg1, %mul3A_142 : i32
    "tpu.region"() ({
      %run_scoped3A = tpu.sem_alloc : memref<!tpu.dma_semaphore, #tpu.memory_space<semaphore_mem>>
      %dma_start3A_408 = arith.constant 0 : i32
      %dma_start3A_409 = tpu.memref_slice %arg11[%mul3A_143, %dma_start3A_408] : memref<10000x16xf32, #tpu.memory_space<vmem_shared>> -> memref<625x16xf32, #tpu.memory_space<vmem_shared>>
      tpu.enqueue_dma source(%arg4 : memref<625x16xf32, #tpu.memory_space<hbm>>) target(%dma_start3A_409 : memref<625x16xf32, #tpu.memory_space<vmem_shared>>) target_semaphore(%run_scoped3A : memref<!tpu.dma_semaphore, #tpu.memory_space<semaphore_mem>>)
      %dma_wait3A_410 = arith.constant 0 : i32
      %dma_wait3A_411 = tpu.memref_slice %arg11[%mul3A_143, %dma_wait3A_410] : memref<10000x16xf32, #tpu.memory_space<vmem_shared>> -> memref<625x16xf32, #tpu.memory_space<vmem_shared>>
      tpu.wait_dma2 semaphore(%run_scoped3A : memref<!tpu.dma_semaphore, #tpu.memory_space<semaphore_mem>>) src(%arg4 : memref<625x16xf32, #tpu.memory_space<hbm>>) dst(%dma_wait3A_411 : memref<625x16xf32, #tpu.memory_space<vmem_shared>>)
      tpu.yield
    }) : () -> ()
    %dma_wait3A = arith.constant 0 : i32
    %dma_wait3A_144 = arith.constant 0 : i32
    %dma_wait3A_145 = arith.constant 0 : i32
    %dma_wait3A_146 = tpu.memref_slice %arg6[%dma_wait3A_144, %dma_wait3A_145] : memref<5x2000xi32, #tpu.memory_space<vmem>> -> memref<1x2000xi32, #tpu.memory_space<vmem>>
    %dma_wait3A_147 = tpu.memref_squeeze %dma_wait3A_146 : memref<1x2000xi32, #tpu.memory_space<vmem>> -> memref<2000xi32, #tpu.memory_space<vmem>>
    %dma_wait3A_148 = tpu.memref_slice %arg3[%dma_wait3A, %add3A_4] : memref<2x320000xi32, #tpu.memory_space<hbm>> -> memref<1x2000xi32, #tpu.memory_space<hbm>>
    %dma_wait3A_149 = tpu.memref_squeeze %dma_wait3A_148 : memref<1x2000xi32, #tpu.memory_space<hbm>> -> memref<2000xi32, #tpu.memory_space<hbm>>
    %dma_wait3A_150 = arith.constant 0 : i32
    %dma_wait3A_151 = tpu.memref_slice %arg6[%dma_wait3A_144, %dma_wait3A_150] : memref<5x2000xi32, #tpu.memory_space<vmem>> -> memref<1x2000xi32, #tpu.memory_space<vmem>>
    %dma_wait3A_152 = tpu.memref_squeeze %dma_wait3A_151 : memref<1x2000xi32, #tpu.memory_space<vmem>> -> memref<2000xi32, #tpu.memory_space<vmem>>
    %dma_wait3A_153 = tpu.memref_slice %arg3[%dma_wait3A, %add3A_4] : memref<2x320000xi32, #tpu.memory_space<hbm>> -> memref<1x2000xi32, #tpu.memory_space<hbm>>
    %dma_wait3A_154 = tpu.memref_squeeze %dma_wait3A_153 : memref<1x2000xi32, #tpu.memory_space<hbm>> -> memref<2000xi32, #tpu.memory_space<hbm>>
    tpu.wait_dma2 semaphore(%arg12 : memref<!tpu.dma_semaphore, #tpu.memory_space<semaphore_mem>>) src(%dma_wait3A_154 : memref<2000xi32, #tpu.memory_space<hbm>>) dst(%dma_wait3A_152 : memref<2000xi32, #tpu.memory_space<vmem>>)
    %dma_wait3A_155 = arith.constant 1 : i32
    %dma_wait3A_156 = arith.constant 0 : i32
    %dma_wait3A_157 = arith.constant 0 : i32
    %dma_wait3A_158 = tpu.memref_slice %arg7[%dma_wait3A_156, %dma_wait3A_157] : memref<5x2000xi32, #tpu.memory_space<vmem>> -> memref<1x2000xi32, #tpu.memory_space<vmem>>
    %dma_wait3A_159 = tpu.memref_squeeze %dma_wait3A_158 : memref<1x2000xi32, #tpu.memory_space<vmem>> -> memref<2000xi32, #tpu.memory_space<vmem>>
    %dma_wait3A_160 = tpu.memref_slice %arg3[%dma_wait3A_155, %add3A_17] : memref<2x320000xi32, #tpu.memory_space<hbm>> -> memref<1x2000xi32, #tpu.memory_space<hbm>>
    %dma_wait3A_161 = tpu.memref_squeeze %dma_wait3A_160 : memref<1x2000xi32, #tpu.memory_space<hbm>> -> memref<2000xi32, #tpu.memory_space<hbm>>
    %dma_wait3A_162 = arith.constant 0 : i32
    %dma_wait3A_163 = tpu.memref_slice %arg7[%dma_wait3A_156, %dma_wait3A_162] : memref<5x2000xi32, #tpu.memory_space<vmem>> -> memref<1x2000xi32, #tpu.memory_space<vmem>>
    %dma_wait3A_164 = tpu.memref_squeeze %dma_wait3A_163 : memref<1x2000xi32, #tpu.memory_space<vmem>> -> memref<2000xi32, #tpu.memory_space<vmem>>
    %dma_wait3A_165 = tpu.memref_slice %arg3[%dma_wait3A_155, %add3A_17] : memref<2x320000xi32, #tpu.memory_space<hbm>> -> memref<1x2000xi32, #tpu.memory_space<hbm>>
    %dma_wait3A_166 = tpu.memref_squeeze %dma_wait3A_165 : memref<1x2000xi32, #tpu.memory_space<hbm>> -> memref<2000xi32, #tpu.memory_space<hbm>>
    tpu.wait_dma2 semaphore(%arg12 : memref<!tpu.dma_semaphore, #tpu.memory_space<semaphore_mem>>) src(%dma_wait3A_166 : memref<2000xi32, #tpu.memory_space<hbm>>) dst(%dma_wait3A_164 : memref<2000xi32, #tpu.memory_space<vmem>>)
    %dma_wait3A_167 = arith.constant 0 : i32
    %dma_wait3A_168 = arith.constant 1 : i32
    %dma_wait3A_169 = arith.constant 0 : i32
    %dma_wait3A_170 = tpu.memref_slice %arg6[%dma_wait3A_168, %dma_wait3A_169] : memref<5x2000xi32, #tpu.memory_space<vmem>> -> memref<1x2000xi32, #tpu.memory_space<vmem>>
    %dma_wait3A_171 = tpu.memref_squeeze %dma_wait3A_170 : memref<1x2000xi32, #tpu.memory_space<vmem>> -> memref<2000xi32, #tpu.memory_space<vmem>>
    %dma_wait3A_172 = tpu.memref_slice %arg3[%dma_wait3A_167, %add3A_31] : memref<2x320000xi32, #tpu.memory_space<hbm>> -> memref<1x2000xi32, #tpu.memory_space<hbm>>
    %dma_wait3A_173 = tpu.memref_squeeze %dma_wait3A_172 : memref<1x2000xi32, #tpu.memory_space<hbm>> -> memref<2000xi32, #tpu.memory_space<hbm>>
    %dma_wait3A_174 = arith.constant 0 : i32
    %dma_wait3A_175 = tpu.memref_slice %arg6[%dma_wait3A_168, %dma_wait3A_174] : memref<5x2000xi32, #tpu.memory_space<vmem>> -> memref<1x2000xi32, #tpu.memory_space<vmem>>
    %dma_wait3A_176 = tpu.memref_squeeze %dma_wait3A_175 : memref<1x2000xi32, #tpu.memory_space<vmem>> -> memref<2000xi32, #tpu.memory_space<vmem>>
    %dma_wait3A_177 = tpu.memref_slice %arg3[%dma_wait3A_167, %add3A_31] : memref<2x320000xi32, #tpu.memory_space<hbm>> -> memref<1x2000xi32, #tpu.memory_space<hbm>>
    %dma_wait3A_178 = tpu.memref_squeeze %dma_wait3A_177 : memref<1x2000xi32, #tpu.memory_space<hbm>> -> memref<2000xi32, #tpu.memory_space<hbm>>
    tpu.wait_dma2 semaphore(%arg12 : memref<!tpu.dma_semaphore, #tpu.memory_space<semaphore_mem>>) src(%dma_wait3A_178 : memref<2000xi32, #tpu.memory_space<hbm>>) dst(%dma_wait3A_176 : memref<2000xi32, #tpu.memory_space<vmem>>)
    %dma_wait3A_179 = arith.constant 1 : i32
    %dma_wait3A_180 = arith.constant 1 : i32
    %dma_wait3A_181 = arith.constant 0 : i32
    %dma_wait3A_182 = tpu.memref_slice %arg7[%dma_wait3A_180, %dma_wait3A_181] : memref<5x2000xi32, #tpu.memory_space<vmem>> -> memref<1x2000xi32, #tpu.memory_space<vmem>>
    %dma_wait3A_183 = tpu.memref_squeeze %dma_wait3A_182 : memref<1x2000xi32, #tpu.memory_space<vmem>> -> memref<2000xi32, #tpu.memory_space<vmem>>
    %dma_wait3A_184 = tpu.memref_slice %arg3[%dma_wait3A_179, %add3A_45] : memref<2x320000xi32, #tpu.memory_space<hbm>> -> memref<1x2000xi32, #tpu.memory_space<hbm>>
    %dma_wait3A_185 = tpu.memref_squeeze %dma_wait3A_184 : memref<1x2000xi32, #tpu.memory_space<hbm>> -> memref<2000xi32, #tpu.memory_space<hbm>>
    %dma_wait3A_186 = arith.constant 0 : i32
    %dma_wait3A_187 = tpu.memref_slice %arg7[%dma_wait3A_180, %dma_wait3A_186] : memref<5x2000xi32, #tpu.memory_space<vmem>> -> memref<1x2000xi32, #tpu.memory_space<vmem>>
    %dma_wait3A_188 = tpu.memref_squeeze %dma_wait3A_187 : memref<1x2000xi32, #tpu.memory_space<vmem>> -> memref<2000xi32, #tpu.memory_space<vmem>>
    %dma_wait3A_189 = tpu.memref_slice %arg3[%dma_wait3A_179, %add3A_45] : memref<2x320000xi32, #tpu.memory_space<hbm>> -> memref<1x2000xi32, #tpu.memory_space<hbm>>
    %dma_wait3A_190 = tpu.memref_squeeze %dma_wait3A_189 : memref<1x2000xi32, #tpu.memory_space<hbm>> -> memref<2000xi32, #tpu.memory_space<hbm>>
    tpu.wait_dma2 semaphore(%arg12 : memref<!tpu.dma_semaphore, #tpu.memory_space<semaphore_mem>>) src(%dma_wait3A_190 : memref<2000xi32, #tpu.memory_space<hbm>>) dst(%dma_wait3A_188 : memref<2000xi32, #tpu.memory_space<vmem>>)
    %dma_wait3A_191 = arith.constant 0 : i32
    %dma_wait3A_192 = arith.constant 2 : i32
    %dma_wait3A_193 = arith.constant 0 : i32
    %dma_wait3A_194 = tpu.memref_slice %arg6[%dma_wait3A_192, %dma_wait3A_193] : memref<5x2000xi32, #tpu.memory_space<vmem>> -> memref<1x2000xi32, #tpu.memory_space<vmem>>
    %dma_wait3A_195 = tpu.memref_squeeze %dma_wait3A_194 : memref<1x2000xi32, #tpu.memory_space<vmem>> -> memref<2000xi32, #tpu.memory_space<vmem>>
    %dma_wait3A_196 = tpu.memref_slice %arg3[%dma_wait3A_191, %add3A_59] : memref<2x320000xi32, #tpu.memory_space<hbm>> -> memref<1x2000xi32, #tpu.memory_space<hbm>>
    %dma_wait3A_197 = tpu.memref_squeeze %dma_wait3A_196 : memref<1x2000xi32, #tpu.memory_space<hbm>> -> memref<2000xi32, #tpu.memory_space<hbm>>
    %dma_wait3A_198 = arith.constant 0 : i32
    %dma_wait3A_199 = tpu.memref_slice %arg6[%dma_wait3A_192, %dma_wait3A_198] : memref<5x2000xi32, #tpu.memory_space<vmem>> -> memref<1x2000xi32, #tpu.memory_space<vmem>>
    %dma_wait3A_200 = tpu.memref_squeeze %dma_wait3A_199 : memref<1x2000xi32, #tpu.memory_space<vmem>> -> memref<2000xi32, #tpu.memory_space<vmem>>
    %dma_wait3A_201 = tpu.memref_slice %arg3[%dma_wait3A_191, %add3A_59] : memref<2x320000xi32, #tpu.memory_space<hbm>> -> memref<1x2000xi32, #tpu.memory_space<hbm>>
    %dma_wait3A_202 = tpu.memref_squeeze %dma_wait3A_201 : memref<1x2000xi32, #tpu.memory_space<hbm>> -> memref<2000xi32, #tpu.memory_space<hbm>>
    tpu.wait_dma2 semaphore(%arg12 : memref<!tpu.dma_semaphore, #tpu.memory_space<semaphore_mem>>) src(%dma_wait3A_202 : memref<2000xi32, #tpu.memory_space<hbm>>) dst(%dma_wait3A_200 : memref<2000xi32, #tpu.memory_space<vmem>>)
    %dma_wait3A_203 = arith.constant 1 : i32
    %dma_wait3A_204 = arith.constant 2 : i32
    %dma_wait3A_205 = arith.constant 0 : i32
    %dma_wait3A_206 = tpu.memref_slice %arg7[%dma_wait3A_204, %dma_wait3A_205] : memref<5x2000xi32, #tpu.memory_space<vmem>> -> memref<1x2000xi32, #tpu.memory_space<vmem>>
    %dma_wait3A_207 = tpu.memref_squeeze %dma_wait3A_206 : memref<1x2000xi32, #tpu.memory_space<vmem>> -> memref<2000xi32, #tpu.memory_space<vmem>>
    %dma_wait3A_208 = tpu.memref_slice %arg3[%dma_wait3A_203, %add3A_73] : memref<2x320000xi32, #tpu.memory_space<hbm>> -> memref<1x2000xi32, #tpu.memory_space<hbm>>
    %dma_wait3A_209 = tpu.memref_squeeze %dma_wait3A_208 : memref<1x2000xi32, #tpu.memory_space<hbm>> -> memref<2000xi32, #tpu.memory_space<hbm>>
    %dma_wait3A_210 = arith.constant 0 : i32
    %dma_wait3A_211 = tpu.memref_slice %arg7[%dma_wait3A_204, %dma_wait3A_210] : memref<5x2000xi32, #tpu.memory_space<vmem>> -> memref<1x2000xi32, #tpu.memory_space<vmem>>
    %dma_wait3A_212 = tpu.memref_squeeze %dma_wait3A_211 : memref<1x2000xi32, #tpu.memory_space<vmem>> -> memref<2000xi32, #tpu.memory_space<vmem>>
    %dma_wait3A_213 = tpu.memref_slice %arg3[%dma_wait3A_203, %add3A_73] : memref<2x320000xi32, #tpu.memory_space<hbm>> -> memref<1x2000xi32, #tpu.memory_space<hbm>>
    %dma_wait3A_214 = tpu.memref_squeeze %dma_wait3A_213 : memref<1x2000xi32, #tpu.memory_space<hbm>> -> memref<2000xi32, #tpu.memory_space<hbm>>
    tpu.wait_dma2 semaphore(%arg12 : memref<!tpu.dma_semaphore, #tpu.memory_space<semaphore_mem>>) src(%dma_wait3A_214 : memref<2000xi32, #tpu.memory_space<hbm>>) dst(%dma_wait3A_212 : memref<2000xi32, #tpu.memory_space<vmem>>)
    %dma_wait3A_215 = arith.constant 0 : i32
    %dma_wait3A_216 = arith.constant 3 : i32
    %dma_wait3A_217 = arith.constant 0 : i32
    %dma_wait3A_218 = tpu.memref_slice %arg6[%dma_wait3A_216, %dma_wait3A_217] : memref<5x2000xi32, #tpu.memory_space<vmem>> -> memref<1x2000xi32, #tpu.memory_space<vmem>>
    %dma_wait3A_219 = tpu.memref_squeeze %dma_wait3A_218 : memref<1x2000xi32, #tpu.memory_space<vmem>> -> memref<2000xi32, #tpu.memory_space<vmem>>
    %dma_wait3A_220 = tpu.memref_slice %arg3[%dma_wait3A_215, %add3A_87] : memref<2x320000xi32, #tpu.memory_space<hbm>> -> memref<1x2000xi32, #tpu.memory_space<hbm>>
    %dma_wait3A_221 = tpu.memref_squeeze %dma_wait3A_220 : memref<1x2000xi32, #tpu.memory_space<hbm>> -> memref<2000xi32, #tpu.memory_space<hbm>>
    %dma_wait3A_222 = arith.constant 0 : i32
    %dma_wait3A_223 = tpu.memref_slice %arg6[%dma_wait3A_216, %dma_wait3A_222] : memref<5x2000xi32, #tpu.memory_space<vmem>> -> memref<1x2000xi32, #tpu.memory_space<vmem>>
    %dma_wait3A_224 = tpu.memref_squeeze %dma_wait3A_223 : memref<1x2000xi32, #tpu.memory_space<vmem>> -> memref<2000xi32, #tpu.memory_space<vmem>>
    %dma_wait3A_225 = tpu.memref_slice %arg3[%dma_wait3A_215, %add3A_87] : memref<2x320000xi32, #tpu.memory_space<hbm>> -> memref<1x2000xi32, #tpu.memory_space<hbm>>
    %dma_wait3A_226 = tpu.memref_squeeze %dma_wait3A_225 : memref<1x2000xi32, #tpu.memory_space<hbm>> -> memref<2000xi32, #tpu.memory_space<hbm>>
    tpu.wait_dma2 semaphore(%arg12 : memref<!tpu.dma_semaphore, #tpu.memory_space<semaphore_mem>>) src(%dma_wait3A_226 : memref<2000xi32, #tpu.memory_space<hbm>>) dst(%dma_wait3A_224 : memref<2000xi32, #tpu.memory_space<vmem>>)
    %dma_wait3A_227 = arith.constant 1 : i32
    %dma_wait3A_228 = arith.constant 3 : i32
    %dma_wait3A_229 = arith.constant 0 : i32
    %dma_wait3A_230 = tpu.memref_slice %arg7[%dma_wait3A_228, %dma_wait3A_229] : memref<5x2000xi32, #tpu.memory_space<vmem>> -> memref<1x2000xi32, #tpu.memory_space<vmem>>
    %dma_wait3A_231 = tpu.memref_squeeze %dma_wait3A_230 : memref<1x2000xi32, #tpu.memory_space<vmem>> -> memref<2000xi32, #tpu.memory_space<vmem>>
    %dma_wait3A_232 = tpu.memref_slice %arg3[%dma_wait3A_227, %add3A_101] : memref<2x320000xi32, #tpu.memory_space<hbm>> -> memref<1x2000xi32, #tpu.memory_space<hbm>>
    %dma_wait3A_233 = tpu.memref_squeeze %dma_wait3A_232 : memref<1x2000xi32, #tpu.memory_space<hbm>> -> memref<2000xi32, #tpu.memory_space<hbm>>
    %dma_wait3A_234 = arith.constant 0 : i32
    %dma_wait3A_235 = tpu.memref_slice %arg7[%dma_wait3A_228, %dma_wait3A_234] : memref<5x2000xi32, #tpu.memory_space<vmem>> -> memref<1x2000xi32, #tpu.memory_space<vmem>>
    %dma_wait3A_236 = tpu.memref_squeeze %dma_wait3A_235 : memref<1x2000xi32, #tpu.memory_space<vmem>> -> memref<2000xi32, #tpu.memory_space<vmem>>
    %dma_wait3A_237 = tpu.memref_slice %arg3[%dma_wait3A_227, %add3A_101] : memref<2x320000xi32, #tpu.memory_space<hbm>> -> memref<1x2000xi32, #tpu.memory_space<hbm>>
    %dma_wait3A_238 = tpu.memref_squeeze %dma_wait3A_237 : memref<1x2000xi32, #tpu.memory_space<hbm>> -> memref<2000xi32, #tpu.memory_space<hbm>>
    tpu.wait_dma2 semaphore(%arg12 : memref<!tpu.dma_semaphore, #tpu.memory_space<semaphore_mem>>) src(%dma_wait3A_238 : memref<2000xi32, #tpu.memory_space<hbm>>) dst(%dma_wait3A_236 : memref<2000xi32, #tpu.memory_space<vmem>>)
    %dma_wait3A_239 = arith.constant 0 : i32
    %dma_wait3A_240 = arith.constant 4 : i32
    %dma_wait3A_241 = arith.constant 0 : i32
    %dma_wait3A_242 = tpu.memref_slice %arg6[%dma_wait3A_240, %dma_wait3A_241] : memref<5x2000xi32, #tpu.memory_space<vmem>> -> memref<1x2000xi32, #tpu.memory_space<vmem>>
    %dma_wait3A_243 = tpu.memref_squeeze %dma_wait3A_242 : memref<1x2000xi32, #tpu.memory_space<vmem>> -> memref<2000xi32, #tpu.memory_space<vmem>>
    %dma_wait3A_244 = tpu.memref_slice %arg3[%dma_wait3A_239, %add3A_115] : memref<2x320000xi32, #tpu.memory_space<hbm>> -> memref<1x2000xi32, #tpu.memory_space<hbm>>
    %dma_wait3A_245 = tpu.memref_squeeze %dma_wait3A_244 : memref<1x2000xi32, #tpu.memory_space<hbm>> -> memref<2000xi32, #tpu.memory_space<hbm>>
    %dma_wait3A_246 = arith.constant 0 : i32
    %dma_wait3A_247 = tpu.memref_slice %arg6[%dma_wait3A_240, %dma_wait3A_246] : memref<5x2000xi32, #tpu.memory_space<vmem>> -> memref<1x2000xi32, #tpu.memory_space<vmem>>
    %dma_wait3A_248 = tpu.memref_squeeze %dma_wait3A_247 : memref<1x2000xi32, #tpu.memory_space<vmem>> -> memref<2000xi32, #tpu.memory_space<vmem>>
    %dma_wait3A_249 = tpu.memref_slice %arg3[%dma_wait3A_239, %add3A_115] : memref<2x320000xi32, #tpu.memory_space<hbm>> -> memref<1x2000xi32, #tpu.memory_space<hbm>>
    %dma_wait3A_250 = tpu.memref_squeeze %dma_wait3A_249 : memref<1x2000xi32, #tpu.memory_space<hbm>> -> memref<2000xi32, #tpu.memory_space<hbm>>
    tpu.wait_dma2 semaphore(%arg12 : memref<!tpu.dma_semaphore, #tpu.memory_space<semaphore_mem>>) src(%dma_wait3A_250 : memref<2000xi32, #tpu.memory_space<hbm>>) dst(%dma_wait3A_248 : memref<2000xi32, #tpu.memory_space<vmem>>)
    %dma_wait3A_251 = arith.constant 1 : i32
    %dma_wait3A_252 = arith.constant 4 : i32
    %dma_wait3A_253 = arith.constant 0 : i32
    %dma_wait3A_254 = tpu.memref_slice %arg7[%dma_wait3A_252, %dma_wait3A_253] : memref<5x2000xi32, #tpu.memory_space<vmem>> -> memref<1x2000xi32, #tpu.memory_space<vmem>>
    %dma_wait3A_255 = tpu.memref_squeeze %dma_wait3A_254 : memref<1x2000xi32, #tpu.memory_space<vmem>> -> memref<2000xi32, #tpu.memory_space<vmem>>
    %dma_wait3A_256 = tpu.memref_slice %arg3[%dma_wait3A_251, %add3A_129] : memref<2x320000xi32, #tpu.memory_space<hbm>> -> memref<1x2000xi32, #tpu.memory_space<hbm>>
    %dma_wait3A_257 = tpu.memref_squeeze %dma_wait3A_256 : memref<1x2000xi32, #tpu.memory_space<hbm>> -> memref<2000xi32, #tpu.memory_space<hbm>>
    %dma_wait3A_258 = arith.constant 0 : i32
    %dma_wait3A_259 = tpu.memref_slice %arg7[%dma_wait3A_252, %dma_wait3A_258] : memref<5x2000xi32, #tpu.memory_space<vmem>> -> memref<1x2000xi32, #tpu.memory_space<vmem>>
    %dma_wait3A_260 = tpu.memref_squeeze %dma_wait3A_259 : memref<1x2000xi32, #tpu.memory_space<vmem>> -> memref<2000xi32, #tpu.memory_space<vmem>>
    %dma_wait3A_261 = tpu.memref_slice %arg3[%dma_wait3A_251, %add3A_129] : memref<2x320000xi32, #tpu.memory_space<hbm>> -> memref<1x2000xi32, #tpu.memory_space<hbm>>
    %dma_wait3A_262 = tpu.memref_squeeze %dma_wait3A_261 : memref<1x2000xi32, #tpu.memory_space<hbm>> -> memref<2000xi32, #tpu.memory_space<hbm>>
    tpu.wait_dma2 semaphore(%arg12 : memref<!tpu.dma_semaphore, #tpu.memory_space<semaphore_mem>>) src(%dma_wait3A_262 : memref<2000xi32, #tpu.memory_space<hbm>>) dst(%dma_wait3A_260 : memref<2000xi32, #tpu.memory_space<vmem>>)
    %barrier3A = arith.constant 0 : index
    tpu.barrier barrier_id(%barrier3A)
    %dma_start3A_263 = arith.constant 0 : i32
    %dma_start3A_264 = arith.constant 0 : i32
    %dma_start3A_265 = tpu.memref_slice %arg6[%dma_start3A_263, %dma_start3A_264] : memref<5x2000xi32, #tpu.memory_space<vmem>> -> memref<1x2000xi32, #tpu.memory_space<vmem>>
    %dma_start3A_266 = tpu.memref_squeeze %dma_start3A_265 : memref<1x2000xi32, #tpu.memory_space<vmem>> -> memref<2000xi32, #tpu.memory_space<vmem>>
    %dma_start3A_267 = arith.constant 0 : i32
    %dma_start3A_268 = arith.constant 0 : i32
    %dma_start3A_269 = tpu.memref_slice %arg2[%dma_start3A_267, %dma_start3A_268] : memref<10000x16xf32, #tpu.memory_space<hbm>> -> memref<10000x16xf32, #tpu.memory_space<hbm>>
    tpu.enqueue_indirect_dma source(%dma_start3A_269 : memref<10000x16xf32, #tpu.memory_space<hbm>>) target(%arg8 : memref<2000x16xf32, #tpu.memory_space<vmem>>) offsets(%dma_start3A_266 : memref<2000xi32, #tpu.memory_space<vmem>>) semaphore(%arg13 : memref<!tpu.dma_semaphore, #tpu.memory_space<semaphore_mem>>)
    %dma_start3A_270 = arith.constant 1 : i32
    %dma_start3A_271 = arith.constant 0 : i32
    %dma_start3A_272 = tpu.memref_slice %arg6[%dma_start3A_270, %dma_start3A_271] : memref<5x2000xi32, #tpu.memory_space<vmem>> -> memref<1x2000xi32, #tpu.memory_space<vmem>>
    %dma_start3A_273 = tpu.memref_squeeze %dma_start3A_272 : memref<1x2000xi32, #tpu.memory_space<vmem>> -> memref<2000xi32, #tpu.memory_space<vmem>>
    %dma_start3A_274 = arith.constant 0 : i32
    %dma_start3A_275 = arith.constant 0 : i32
    %dma_start3A_276 = tpu.memref_slice %arg2[%dma_start3A_274, %dma_start3A_275] : memref<10000x16xf32, #tpu.memory_space<hbm>> -> memref<10000x16xf32, #tpu.memory_space<hbm>>
    tpu.enqueue_indirect_dma source(%dma_start3A_276 : memref<10000x16xf32, #tpu.memory_space<hbm>>) target(%arg9 : memref<2000x16xf32, #tpu.memory_space<vmem>>) offsets(%dma_start3A_273 : memref<2000xi32, #tpu.memory_space<vmem>>) semaphore(%arg14 : memref<!tpu.dma_semaphore, #tpu.memory_space<semaphore_mem>>)
    %dma_wait3A_277 = arith.constant 0 : i32
    %dma_wait3A_278 = arith.constant 0 : i32
    %dma_wait3A_279 = tpu.memref_slice %arg6[%dma_wait3A_277, %dma_wait3A_278] : memref<5x2000xi32, #tpu.memory_space<vmem>> -> memref<1x2000xi32, #tpu.memory_space<vmem>>
    %dma_wait3A_280 = tpu.memref_squeeze %dma_wait3A_279 : memref<1x2000xi32, #tpu.memory_space<vmem>> -> memref<2000xi32, #tpu.memory_space<vmem>>
    %dma_wait3A_281 = arith.constant 0 : i32
    %dma_wait3A_282 = arith.constant 0 : i32
    %dma_wait3A_283 = tpu.memref_slice %arg2[%dma_wait3A_281, %dma_wait3A_282] : memref<10000x16xf32, #tpu.memory_space<hbm>> -> memref<10000x16xf32, #tpu.memory_space<hbm>>
    tpu.wait_indirect_dma semaphore(%arg13 : memref<!tpu.dma_semaphore, #tpu.memory_space<semaphore_mem>>) src(%dma_wait3A_283 : memref<10000x16xf32, #tpu.memory_space<hbm>>) dst(%arg8 : memref<2000x16xf32, #tpu.memory_space<vmem>>)
    %dma_start3A_284 = arith.constant 0 : i32
    %dma_start3A_285 = arith.constant 0 : i32
    %dma_start3A_286 = tpu.memref_slice %arg7[%dma_start3A_284, %dma_start3A_285] : memref<5x2000xi32, #tpu.memory_space<vmem>> -> memref<1x2000xi32, #tpu.memory_space<vmem>>
    %dma_start3A_287 = tpu.memref_squeeze %dma_start3A_286 : memref<1x2000xi32, #tpu.memory_space<vmem>> -> memref<2000xi32, #tpu.memory_space<vmem>>
    %dma_start3A_288 = arith.constant 0 : i32
    %dma_start3A_289 = arith.constant 0 : i32
    %dma_start3A_290 = tpu.memref_slice %arg11[%dma_start3A_288, %dma_start3A_289] : memref<10000x16xf32, #tpu.memory_space<vmem_shared>> -> memref<10000x16xf32, #tpu.memory_space<vmem_shared>>
    tpu.enqueue_indirect_dma source(%arg8 : memref<2000x16xf32, #tpu.memory_space<vmem>>) target(%dma_start3A_290 : memref<10000x16xf32, #tpu.memory_space<vmem_shared>>) offsets(%dma_start3A_287 : memref<2000xi32, #tpu.memory_space<vmem>>) semaphore(%arg16 : memref<!tpu.dma_semaphore, #tpu.memory_space<semaphore_mem>>) {add = true}
    %dma_start3A_291 = arith.constant 2 : i32
    %dma_start3A_292 = arith.constant 0 : i32
    %dma_start3A_293 = tpu.memref_slice %arg6[%dma_start3A_291, %dma_start3A_292] : memref<5x2000xi32, #tpu.memory_space<vmem>> -> memref<1x2000xi32, #tpu.memory_space<vmem>>
    %dma_start3A_294 = tpu.memref_squeeze %dma_start3A_293 : memref<1x2000xi32, #tpu.memory_space<vmem>> -> memref<2000xi32, #tpu.memory_space<vmem>>
    %dma_start3A_295 = arith.constant 0 : i32
    %dma_start3A_296 = arith.constant 0 : i32
    %dma_start3A_297 = tpu.memref_slice %arg2[%dma_start3A_295, %dma_start3A_296] : memref<10000x16xf32, #tpu.memory_space<hbm>> -> memref<10000x16xf32, #tpu.memory_space<hbm>>
    tpu.enqueue_indirect_dma source(%dma_start3A_297 : memref<10000x16xf32, #tpu.memory_space<hbm>>) target(%arg10 : memref<2000x16xf32, #tpu.memory_space<vmem>>) offsets(%dma_start3A_294 : memref<2000xi32, #tpu.memory_space<vmem>>) semaphore(%arg15 : memref<!tpu.dma_semaphore, #tpu.memory_space<semaphore_mem>>)
    %dma_wait3A_298 = arith.constant 1 : i32
    %dma_wait3A_299 = arith.constant 0 : i32
    %dma_wait3A_300 = tpu.memref_slice %arg6[%dma_wait3A_298, %dma_wait3A_299] : memref<5x2000xi32, #tpu.memory_space<vmem>> -> memref<1x2000xi32, #tpu.memory_space<vmem>>
    %dma_wait3A_301 = tpu.memref_squeeze %dma_wait3A_300 : memref<1x2000xi32, #tpu.memory_space<vmem>> -> memref<2000xi32, #tpu.memory_space<vmem>>
    %dma_wait3A_302 = arith.constant 0 : i32
    %dma_wait3A_303 = arith.constant 0 : i32
    %dma_wait3A_304 = tpu.memref_slice %arg2[%dma_wait3A_302, %dma_wait3A_303] : memref<10000x16xf32, #tpu.memory_space<hbm>> -> memref<10000x16xf32, #tpu.memory_space<hbm>>
    tpu.wait_indirect_dma semaphore(%arg14 : memref<!tpu.dma_semaphore, #tpu.memory_space<semaphore_mem>>) src(%dma_wait3A_304 : memref<10000x16xf32, #tpu.memory_space<hbm>>) dst(%arg9 : memref<2000x16xf32, #tpu.memory_space<vmem>>)
    %dma_start3A_305 = arith.constant 1 : i32
    %dma_start3A_306 = arith.constant 0 : i32
    %dma_start3A_307 = tpu.memref_slice %arg7[%dma_start3A_305, %dma_start3A_306] : memref<5x2000xi32, #tpu.memory_space<vmem>> -> memref<1x2000xi32, #tpu.memory_space<vmem>>
    %dma_start3A_308 = tpu.memref_squeeze %dma_start3A_307 : memref<1x2000xi32, #tpu.memory_space<vmem>> -> memref<2000xi32, #tpu.memory_space<vmem>>
    %dma_start3A_309 = arith.constant 0 : i32
    %dma_start3A_310 = arith.constant 0 : i32
    %dma_start3A_311 = tpu.memref_slice %arg11[%dma_start3A_309, %dma_start3A_310] : memref<10000x16xf32, #tpu.memory_space<vmem_shared>> -> memref<10000x16xf32, #tpu.memory_space<vmem_shared>>
    tpu.enqueue_indirect_dma source(%arg9 : memref<2000x16xf32, #tpu.memory_space<vmem>>) target(%dma_start3A_311 : memref<10000x16xf32, #tpu.memory_space<vmem_shared>>) offsets(%dma_start3A_308 : memref<2000xi32, #tpu.memory_space<vmem>>) semaphore(%arg17 : memref<!tpu.dma_semaphore, #tpu.memory_space<semaphore_mem>>) {add = true}
    %dma_wait3A_312 = arith.constant 0 : i32
    %dma_wait3A_313 = arith.constant 0 : i32
    %dma_wait3A_314 = tpu.memref_slice %arg7[%dma_wait3A_312, %dma_wait3A_313] : memref<5x2000xi32, #tpu.memory_space<vmem>> -> memref<1x2000xi32, #tpu.memory_space<vmem>>
    %dma_wait3A_315 = tpu.memref_squeeze %dma_wait3A_314 : memref<1x2000xi32, #tpu.memory_space<vmem>> -> memref<2000xi32, #tpu.memory_space<vmem>>
    %dma_wait3A_316 = arith.constant 0 : i32
    %dma_wait3A_317 = arith.constant 0 : i32
    %dma_wait3A_318 = tpu.memref_slice %arg11[%dma_wait3A_316, %dma_wait3A_317] : memref<10000x16xf32, #tpu.memory_space<vmem_shared>> -> memref<10000x16xf32, #tpu.memory_space<vmem_shared>>
    tpu.wait_indirect_dma semaphore(%arg16 : memref<!tpu.dma_semaphore, #tpu.memory_space<semaphore_mem>>) src(%arg8 : memref<2000x16xf32, #tpu.memory_space<vmem>>) dst(%dma_wait3A_318 : memref<10000x16xf32, #tpu.memory_space<vmem_shared>>)
    %dma_start3A_319 = arith.constant 3 : i32
    %dma_start3A_320 = arith.constant 0 : i32
    %dma_start3A_321 = tpu.memref_slice %arg6[%dma_start3A_319, %dma_start3A_320] : memref<5x2000xi32, #tpu.memory_space<vmem>> -> memref<1x2000xi32, #tpu.memory_space<vmem>>
    %dma_start3A_322 = tpu.memref_squeeze %dma_start3A_321 : memref<1x2000xi32, #tpu.memory_space<vmem>> -> memref<2000xi32, #tpu.memory_space<vmem>>
    %dma_start3A_323 = arith.constant 0 : i32
    %dma_start3A_324 = arith.constant 0 : i32
    %dma_start3A_325 = tpu.memref_slice %arg2[%dma_start3A_323, %dma_start3A_324] : memref<10000x16xf32, #tpu.memory_space<hbm>> -> memref<10000x16xf32, #tpu.memory_space<hbm>>
    tpu.enqueue_indirect_dma source(%dma_start3A_325 : memref<10000x16xf32, #tpu.memory_space<hbm>>) target(%arg8 : memref<2000x16xf32, #tpu.memory_space<vmem>>) offsets(%dma_start3A_322 : memref<2000xi32, #tpu.memory_space<vmem>>) semaphore(%arg13 : memref<!tpu.dma_semaphore, #tpu.memory_space<semaphore_mem>>)
    %dma_wait3A_326 = arith.constant 2 : i32
    %dma_wait3A_327 = arith.constant 0 : i32
    %dma_wait3A_328 = tpu.memref_slice %arg6[%dma_wait3A_326, %dma_wait3A_327] : memref<5x2000xi32, #tpu.memory_space<vmem>> -> memref<1x2000xi32, #tpu.memory_space<vmem>>
    %dma_wait3A_329 = tpu.memref_squeeze %dma_wait3A_328 : memref<1x2000xi32, #tpu.memory_space<vmem>> -> memref<2000xi32, #tpu.memory_space<vmem>>
    %dma_wait3A_330 = arith.constant 0 : i32
    %dma_wait3A_331 = arith.constant 0 : i32
    %dma_wait3A_332 = tpu.memref_slice %arg2[%dma_wait3A_330, %dma_wait3A_331] : memref<10000x16xf32, #tpu.memory_space<hbm>> -> memref<10000x16xf32, #tpu.memory_space<hbm>>
    tpu.wait_indirect_dma semaphore(%arg15 : memref<!tpu.dma_semaphore, #tpu.memory_space<semaphore_mem>>) src(%dma_wait3A_332 : memref<10000x16xf32, #tpu.memory_space<hbm>>) dst(%arg10 : memref<2000x16xf32, #tpu.memory_space<vmem>>)
    %dma_start3A_333 = arith.constant 2 : i32
    %dma_start3A_334 = arith.constant 0 : i32
    %dma_start3A_335 = tpu.memref_slice %arg7[%dma_start3A_333, %dma_start3A_334] : memref<5x2000xi32, #tpu.memory_space<vmem>> -> memref<1x2000xi32, #tpu.memory_space<vmem>>
    %dma_start3A_336 = tpu.memref_squeeze %dma_start3A_335 : memref<1x2000xi32, #tpu.memory_space<vmem>> -> memref<2000xi32, #tpu.memory_space<vmem>>
    %dma_start3A_337 = arith.constant 0 : i32
    %dma_start3A_338 = arith.constant 0 : i32
    %dma_start3A_339 = tpu.memref_slice %arg11[%dma_start3A_337, %dma_start3A_338] : memref<10000x16xf32, #tpu.memory_space<vmem_shared>> -> memref<10000x16xf32, #tpu.memory_space<vmem_shared>>
    tpu.enqueue_indirect_dma source(%arg10 : memref<2000x16xf32, #tpu.memory_space<vmem>>) target(%dma_start3A_339 : memref<10000x16xf32, #tpu.memory_space<vmem_shared>>) offsets(%dma_start3A_336 : memref<2000xi32, #tpu.memory_space<vmem>>) semaphore(%arg18 : memref<!tpu.dma_semaphore, #tpu.memory_space<semaphore_mem>>) {add = true}
    %dma_wait3A_340 = arith.constant 1 : i32
    %dma_wait3A_341 = arith.constant 0 : i32
    %dma_wait3A_342 = tpu.memref_slice %arg7[%dma_wait3A_340, %dma_wait3A_341] : memref<5x2000xi32, #tpu.memory_space<vmem>> -> memref<1x2000xi32, #tpu.memory_space<vmem>>
    %dma_wait3A_343 = tpu.memref_squeeze %dma_wait3A_342 : memref<1x2000xi32, #tpu.memory_space<vmem>> -> memref<2000xi32, #tpu.memory_space<vmem>>
    %dma_wait3A_344 = arith.constant 0 : i32
    %dma_wait3A_345 = arith.constant 0 : i32
    %dma_wait3A_346 = tpu.memref_slice %arg11[%dma_wait3A_344, %dma_wait3A_345] : memref<10000x16xf32, #tpu.memory_space<vmem_shared>> -> memref<10000x16xf32, #tpu.memory_space<vmem_shared>>
    tpu.wait_indirect_dma semaphore(%arg17 : memref<!tpu.dma_semaphore, #tpu.memory_space<semaphore_mem>>) src(%arg9 : memref<2000x16xf32, #tpu.memory_space<vmem>>) dst(%dma_wait3A_346 : memref<10000x16xf32, #tpu.memory_space<vmem_shared>>)
    %dma_start3A_347 = arith.constant 4 : i32
    %dma_start3A_348 = arith.constant 0 : i32
    %dma_start3A_349 = tpu.memref_slice %arg6[%dma_start3A_347, %dma_start3A_348] : memref<5x2000xi32, #tpu.memory_space<vmem>> -> memref<1x2000xi32, #tpu.memory_space<vmem>>
    %dma_start3A_350 = tpu.memref_squeeze %dma_start3A_349 : memref<1x2000xi32, #tpu.memory_space<vmem>> -> memref<2000xi32, #tpu.memory_space<vmem>>
    %dma_start3A_351 = arith.constant 0 : i32
    %dma_start3A_352 = arith.constant 0 : i32
    %dma_start3A_353 = tpu.memref_slice %arg2[%dma_start3A_351, %dma_start3A_352] : memref<10000x16xf32, #tpu.memory_space<hbm>> -> memref<10000x16xf32, #tpu.memory_space<hbm>>
    tpu.enqueue_indirect_dma source(%dma_start3A_353 : memref<10000x16xf32, #tpu.memory_space<hbm>>) target(%arg9 : memref<2000x16xf32, #tpu.memory_space<vmem>>) offsets(%dma_start3A_350 : memref<2000xi32, #tpu.memory_space<vmem>>) semaphore(%arg14 : memref<!tpu.dma_semaphore, #tpu.memory_space<semaphore_mem>>)
    %dma_wait3A_354 = arith.constant 3 : i32
    %dma_wait3A_355 = arith.constant 0 : i32
    %dma_wait3A_356 = tpu.memref_slice %arg6[%dma_wait3A_354, %dma_wait3A_355] : memref<5x2000xi32, #tpu.memory_space<vmem>> -> memref<1x2000xi32, #tpu.memory_space<vmem>>
    %dma_wait3A_357 = tpu.memref_squeeze %dma_wait3A_356 : memref<1x2000xi32, #tpu.memory_space<vmem>> -> memref<2000xi32, #tpu.memory_space<vmem>>
    %dma_wait3A_358 = arith.constant 0 : i32
    %dma_wait3A_359 = arith.constant 0 : i32
    %dma_wait3A_360 = tpu.memref_slice %arg2[%dma_wait3A_358, %dma_wait3A_359] : memref<10000x16xf32, #tpu.memory_space<hbm>> -> memref<10000x16xf32, #tpu.memory_space<hbm>>
    tpu.wait_indirect_dma semaphore(%arg13 : memref<!tpu.dma_semaphore, #tpu.memory_space<semaphore_mem>>) src(%dma_wait3A_360 : memref<10000x16xf32, #tpu.memory_space<hbm>>) dst(%arg8 : memref<2000x16xf32, #tpu.memory_space<vmem>>)
    %dma_start3A_361 = arith.constant 3 : i32
    %dma_start3A_362 = arith.constant 0 : i32
    %dma_start3A_363 = tpu.memref_slice %arg7[%dma_start3A_361, %dma_start3A_362] : memref<5x2000xi32, #tpu.memory_space<vmem>> -> memref<1x2000xi32, #tpu.memory_space<vmem>>
    %dma_start3A_364 = tpu.memref_squeeze %dma_start3A_363 : memref<1x2000xi32, #tpu.memory_space<vmem>> -> memref<2000xi32, #tpu.memory_space<vmem>>
    %dma_start3A_365 = arith.constant 0 : i32
    %dma_start3A_366 = arith.constant 0 : i32
    %dma_start3A_367 = tpu.memref_slice %arg11[%dma_start3A_365, %dma_start3A_366] : memref<10000x16xf32, #tpu.memory_space<vmem_shared>> -> memref<10000x16xf32, #tpu.memory_space<vmem_shared>>
    tpu.enqueue_indirect_dma source(%arg8 : memref<2000x16xf32, #tpu.memory_space<vmem>>) target(%dma_start3A_367 : memref<10000x16xf32, #tpu.memory_space<vmem_shared>>) offsets(%dma_start3A_364 : memref<2000xi32, #tpu.memory_space<vmem>>) semaphore(%arg16 : memref<!tpu.dma_semaphore, #tpu.memory_space<semaphore_mem>>) {add = true}
    %dma_wait3A_368 = arith.constant 4 : i32
    %dma_wait3A_369 = arith.constant 0 : i32
    %dma_wait3A_370 = tpu.memref_slice %arg6[%dma_wait3A_368, %dma_wait3A_369] : memref<5x2000xi32, #tpu.memory_space<vmem>> -> memref<1x2000xi32, #tpu.memory_space<vmem>>
    %dma_wait3A_371 = tpu.memref_squeeze %dma_wait3A_370 : memref<1x2000xi32, #tpu.memory_space<vmem>> -> memref<2000xi32, #tpu.memory_space<vmem>>
    %dma_wait3A_372 = arith.constant 0 : i32
    %dma_wait3A_373 = arith.constant 0 : i32
    %dma_wait3A_374 = tpu.memref_slice %arg2[%dma_wait3A_372, %dma_wait3A_373] : memref<10000x16xf32, #tpu.memory_space<hbm>> -> memref<10000x16xf32, #tpu.memory_space<hbm>>
    tpu.wait_indirect_dma semaphore(%arg14 : memref<!tpu.dma_semaphore, #tpu.memory_space<semaphore_mem>>) src(%dma_wait3A_374 : memref<10000x16xf32, #tpu.memory_space<hbm>>) dst(%arg9 : memref<2000x16xf32, #tpu.memory_space<vmem>>)
    %dma_start3A_375 = arith.constant 4 : i32
    %dma_start3A_376 = arith.constant 0 : i32
    %dma_start3A_377 = tpu.memref_slice %arg7[%dma_start3A_375, %dma_start3A_376] : memref<5x2000xi32, #tpu.memory_space<vmem>> -> memref<1x2000xi32, #tpu.memory_space<vmem>>
    %dma_start3A_378 = tpu.memref_squeeze %dma_start3A_377 : memref<1x2000xi32, #tpu.memory_space<vmem>> -> memref<2000xi32, #tpu.memory_space<vmem>>
    %dma_start3A_379 = arith.constant 0 : i32
    %dma_start3A_380 = arith.constant 0 : i32
    %dma_start3A_381 = tpu.memref_slice %arg11[%dma_start3A_379, %dma_start3A_380] : memref<10000x16xf32, #tpu.memory_space<vmem_shared>> -> memref<10000x16xf32, #tpu.memory_space<vmem_shared>>
    tpu.enqueue_indirect_dma source(%arg9 : memref<2000x16xf32, #tpu.memory_space<vmem>>) target(%dma_start3A_381 : memref<10000x16xf32, #tpu.memory_space<vmem_shared>>) offsets(%dma_start3A_378 : memref<2000xi32, #tpu.memory_space<vmem>>) semaphore(%arg17 : memref<!tpu.dma_semaphore, #tpu.memory_space<semaphore_mem>>) {add = true}
    %dma_wait3A_382 = arith.constant 2 : i32
    %dma_wait3A_383 = arith.constant 0 : i32
    %dma_wait3A_384 = tpu.memref_slice %arg7[%dma_wait3A_382, %dma_wait3A_383] : memref<5x2000xi32, #tpu.memory_space<vmem>> -> memref<1x2000xi32, #tpu.memory_space<vmem>>
    %dma_wait3A_385 = tpu.memref_squeeze %dma_wait3A_384 : memref<1x2000xi32, #tpu.memory_space<vmem>> -> memref<2000xi32, #tpu.memory_space<vmem>>
    %dma_wait3A_386 = arith.constant 0 : i32
    %dma_wait3A_387 = arith.constant 0 : i32
    %dma_wait3A_388 = tpu.memref_slice %arg11[%dma_wait3A_386, %dma_wait3A_387] : memref<10000x16xf32, #tpu.memory_space<vmem_shared>> -> memref<10000x16xf32, #tpu.memory_space<vmem_shared>>
    tpu.wait_indirect_dma semaphore(%arg18 : memref<!tpu.dma_semaphore, #tpu.memory_space<semaphore_mem>>) src(%arg10 : memref<2000x16xf32, #tpu.memory_space<vmem>>) dst(%dma_wait3A_388 : memref<10000x16xf32, #tpu.memory_space<vmem_shared>>)
    %dma_wait3A_389 = arith.constant 3 : i32
    %dma_wait3A_390 = arith.constant 0 : i32
    %dma_wait3A_391 = tpu.memref_slice %arg7[%dma_wait3A_389, %dma_wait3A_390] : memref<5x2000xi32, #tpu.memory_space<vmem>> -> memref<1x2000xi32, #tpu.memory_space<vmem>>
    %dma_wait3A_392 = tpu.memref_squeeze %dma_wait3A_391 : memref<1x2000xi32, #tpu.memory_space<vmem>> -> memref<2000xi32, #tpu.memory_space<vmem>>
    %dma_wait3A_393 = arith.constant 0 : i32
    %dma_wait3A_394 = arith.constant 0 : i32
    %dma_wait3A_395 = tpu.memref_slice %arg11[%dma_wait3A_393, %dma_wait3A_394] : memref<10000x16xf32, #tpu.memory_space<vmem_shared>> -> memref<10000x16xf32, #tpu.memory_space<vmem_shared>>
    tpu.wait_indirect_dma semaphore(%arg16 : memref<!tpu.dma_semaphore, #tpu.memory_space<semaphore_mem>>) src(%arg8 : memref<2000x16xf32, #tpu.memory_space<vmem>>) dst(%dma_wait3A_395 : memref<10000x16xf32, #tpu.memory_space<vmem_shared>>)
    %dma_wait3A_396 = arith.constant 4 : i32
    %dma_wait3A_397 = arith.constant 0 : i32
    %dma_wait3A_398 = tpu.memref_slice %arg7[%dma_wait3A_396, %dma_wait3A_397] : memref<5x2000xi32, #tpu.memory_space<vmem>> -> memref<1x2000xi32, #tpu.memory_space<vmem>>
    %dma_wait3A_399 = tpu.memref_squeeze %dma_wait3A_398 : memref<1x2000xi32, #tpu.memory_space<vmem>> -> memref<2000xi32, #tpu.memory_space<vmem>>
    %dma_wait3A_400 = arith.constant 0 : i32
    %dma_wait3A_401 = arith.constant 0 : i32
    %dma_wait3A_402 = tpu.memref_slice %arg11[%dma_wait3A_400, %dma_wait3A_401] : memref<10000x16xf32, #tpu.memory_space<vmem_shared>> -> memref<10000x16xf32, #tpu.memory_space<vmem_shared>>
    tpu.wait_indirect_dma semaphore(%arg17 : memref<!tpu.dma_semaphore, #tpu.memory_space<semaphore_mem>>) src(%arg9 : memref<2000x16xf32, #tpu.memory_space<vmem>>) dst(%dma_wait3A_402 : memref<10000x16xf32, #tpu.memory_space<vmem_shared>>)
    %barrier3A_403 = arith.constant 0 : index
    tpu.barrier barrier_id(%barrier3A_403)
    %mul3A_404 = arith.constant 625 : i32
    %mul3A_405 = arith.muli %arg1, %mul3A_404 : i32
    %mul3A_406 = arith.constant 625 : i32
    %mul3A_407 = arith.muli %arg1, %mul3A_406 : i32
    "tpu.region"() ({
      %run_scoped3A = tpu.sem_alloc : memref<!tpu.dma_semaphore, #tpu.memory_space<semaphore_mem>>
      %dma_start3A_408 = arith.constant 0 : i32
      %dma_start3A_409 = tpu.memref_slice %arg5[%arg0, %mul3A_407, %dma_start3A_408] : memref<2x10000x16xf32, #tpu.memory_space<hbm>> -> memref<1x625x16xf32, #tpu.memory_space<hbm>>
      %dma_start3A_410 = tpu.memref_squeeze %dma_start3A_409 : memref<1x625x16xf32, #tpu.memory_space<hbm>> -> memref<625x16xf32, #tpu.memory_space<hbm>>
      %dma_start3A_411 = arith.constant 0 : i32
      %dma_start3A_412 = tpu.memref_slice %arg11[%mul3A_405, %dma_start3A_411] : memref<10000x16xf32, #tpu.memory_space<vmem_shared>> -> memref<625x16xf32, #tpu.memory_space<vmem_shared>>
      tpu.enqueue_dma source(%dma_start3A_412 : memref<625x16xf32, #tpu.memory_space<vmem_shared>>) target(%dma_start3A_410 : memref<625x16xf32, #tpu.memory_space<hbm>>) target_semaphore(%run_scoped3A : memref<!tpu.dma_semaphore, #tpu.memory_space<semaphore_mem>>)
      %dma_wait3A_413 = arith.constant 0 : i32
      %dma_wait3A_414 = tpu.memref_slice %arg5[%arg0, %mul3A_407, %dma_wait3A_413] : memref<2x10000x16xf32, #tpu.memory_space<hbm>> -> memref<1x625x16xf32, #tpu.memory_space<hbm>>
      %dma_wait3A_415 = tpu.memref_squeeze %dma_wait3A_414 : memref<1x625x16xf32, #tpu.memory_space<hbm>> -> memref<625x16xf32, #tpu.memory_space<hbm>>
      %dma_wait3A_416 = arith.constant 0 : i32
      %dma_wait3A_417 = tpu.memref_slice %arg11[%mul3A_405, %dma_wait3A_416] : memref<10000x16xf32, #tpu.memory_space<vmem_shared>> -> memref<625x16xf32, #tpu.memory_space<vmem_shared>>
      tpu.wait_dma2 semaphore(%run_scoped3A : memref<!tpu.dma_semaphore, #tpu.memory_space<semaphore_mem>>) src(%dma_wait3A_417 : memref<625x16xf32, #tpu.memory_space<vmem_shared>>) dst(%dma_wait3A_415 : memref<625x16xf32, #tpu.memory_space<hbm>>)
      tpu.yield
    }) : () -> ()
    return
  }
}

module attributes {stable_mosaic.version = 14 : i64} {
  func.func @_tc_mm_body(%arg0: i32, %arg1: memref<1250x1024xf32, #tpu.memory_space<vmem>>, %arg2: memref<1024x128xf32, #tpu.memory_space<vmem>>, %arg3: memref<1250x128xf32, #tpu.memory_space<vmem>>) attributes {dimension_semantics = [#tpu.dimension_semantics<arbitrary>], iteration_bounds = array<i64: 1>, scalar_prefetch = 0 : i64, scratch_operands = 0 : i64, tpu.core_type = #tpu.core_type<tc>, window_params = [{pipeline_mode = #tpu.pipeline_mode<synchronous>, transform_indices = @transform_0, window_bounds = array<i64: 1250, 1024>}, {pipeline_mode = #tpu.pipeline_mode<synchronous>, transform_indices = @transform_1, window_bounds = array<i64: 1024, 128>}, {pipeline_mode = #tpu.pipeline_mode<synchronous>, transform_indices = @transform_2, window_bounds = array<i64: 1250, 128>}]} {
    %get3A = arith.constant 0 : index
    %get3A_0 = arith.constant 0 : index
    %get3A_1 = vector.load %arg1[%get3A, %get3A_0] : memref<1250x1024xf32, #tpu.memory_space<vmem>>, vector<1250x1024xf32>
    %get3A_2 = arith.constant 0 : index
    %get3A_3 = arith.constant 0 : index
    %get3A_4 = vector.load %arg2[%get3A_2, %get3A_3] : memref<1024x128xf32, #tpu.memory_space<vmem>>, vector<1024x128xf32>
    %dot_general3A = arith.constant dense<0.000000e+00> : vector<1250x128xf32>
    %dot_general3A_5 = tpu.matmul %get3A_1, %get3A_4, %dot_general3A {dimension_numbers = #tpu.dot_dimension_numbers<[1], [0], [0], [1], [0, 0, 1, 1], [], []>, transpose_lhs_hint = false} : vector<1250x1024xf32>, vector<1024x128xf32>, vector<1250x128xf32> -> vector<1250x128xf32>
    %swap3A = arith.constant 0 : index
    %swap3A_6 = arith.constant 0 : index
    %swap3A_7 = vector.load %arg3[%swap3A, %swap3A_6] : memref<1250x128xf32, #tpu.memory_space<vmem>>, vector<1250x128xf32>
    tpu.vector_store %arg3[%swap3A, %swap3A_6], %dot_general3A_5 {strides = array<i32>} : memref<1250x128xf32, #tpu.memory_space<vmem>>, vector<1250x128xf32>,
    return
  }
  func.func @transform_0(%arg0: i32) -> (i32, i32) {
    %c0_i32 = arith.constant 0 : i32
    %c0_i32_0 = arith.constant 0 : i32
    %c0_i32_1 = arith.constant 0 : i32
    return %c0_i32, %c0_i32_0 : i32, i32
  }
  func.func @transform_1(%arg0: i32) -> (i32, i32) {
    %c0_i32 = arith.constant 0 : i32
    %c0_i32_0 = arith.constant 0 : i32
    %c0_i32_1 = arith.constant 0 : i32
    return %c0_i32, %c0_i32_0 : i32, i32
  }
  func.func @transform_2(%arg0: i32) -> (i32, i32) {
    %c0_i32 = arith.constant 0 : i32
    %c0_i32_0 = arith.constant 0 : i32
    %c0_i32_1 = arith.constant 0 : i32
    return %c0_i32, %c0_i32_0 : i32, i32
  }
}

module attributes {stable_mosaic.version = 14 : i64} {
  func.func @_tc_scale_body(%arg0: i32, %arg1: memref<1250x128xf32, #tpu.memory_space<vmem>>, %arg2: memref<2x1250x128xf32, #tpu.memory_space<vmem>>, %arg3: memref<1250x128xf32, #tpu.memory_space<vmem>>, %arg4: memref<1250x128xf32, #tpu.memory_space<vmem>>) attributes {dimension_semantics = [#tpu.dimension_semantics<arbitrary>], iteration_bounds = array<i64: 1>, scalar_prefetch = 0 : i64, scratch_operands = 0 : i64, tpu.core_type = #tpu.core_type<tc>, window_params = [{pipeline_mode = #tpu.pipeline_mode<synchronous>, transform_indices = @transform_0, window_bounds = array<i64: 1250, 128>}, {pipeline_mode = #tpu.pipeline_mode<synchronous>, transform_indices = @transform_1, window_bounds = array<i64: 2, 1250, 128>}, {pipeline_mode = #tpu.pipeline_mode<synchronous>, transform_indices = @transform_2, window_bounds = array<i64: 1250, 128>}, {pipeline_mode = #tpu.pipeline_mode<synchronous>, transform_indices = @transform_3, window_bounds = array<i64: 1250, 128>}]} {
    %get3A = arith.constant 0 : index
    %get3A_0 = arith.constant 0 : index
    %get3A_1 = arith.constant 0 : index
    %get3A_2 = vector.load %arg2[%get3A, %get3A_0, %get3A_1] : memref<2x1250x128xf32, #tpu.memory_space<vmem>>, vector<1x1250x128xf32>
    %get3A_3 = vector.shape_cast %get3A_2 : vector<1x1250x128xf32> to vector<1250x128xf32>
    %get3A_4 = arith.constant 1 : index
    %get3A_5 = arith.constant 0 : index
    %get3A_6 = arith.constant 0 : index
    %get3A_7 = vector.load %arg2[%get3A_4, %get3A_5, %get3A_6] : memref<2x1250x128xf32, #tpu.memory_space<vmem>>, vector<1x1250x128xf32>
    %get3A_8 = vector.shape_cast %get3A_7 : vector<1x1250x128xf32> to vector<1250x128xf32>
    %add3A = arith.addf %get3A_3, %get3A_8 : vector<1250x128xf32>
    %add3A_9 = arith.constant 1.000000e+00 : f32
    %add3A_10 = vector.broadcast %add3A_9 : f32 to vector<1250x128xf32>
    %add3A_11 = arith.addf %add3A, %add3A_10 : vector<1250x128xf32>
    %rsqrt3A = math.rsqrt %add3A_11 : vector<1250x128xf32>
    %get3A_12 = arith.constant 0 : index
    %get3A_13 = arith.constant 0 : index
    %get3A_14 = vector.load %arg1[%get3A_12, %get3A_13] : memref<1250x128xf32, #tpu.memory_space<vmem>>, vector<1250x128xf32>
    %mul3A = arith.mulf %get3A_14, %rsqrt3A : vector<1250x128xf32>
    %swap3A = arith.constant 0 : index
    %swap3A_15 = arith.constant 0 : index
    %swap3A_16 = vector.load %arg3[%swap3A, %swap3A_15] : memref<1250x128xf32, #tpu.memory_space<vmem>>, vector<1250x128xf32>
    tpu.vector_store %arg3[%swap3A, %swap3A_15], %mul3A {strides = array<i32>} : memref<1250x128xf32, #tpu.memory_space<vmem>>, vector<1250x128xf32>,
    %swap3A_17 = arith.constant 0 : index
    %swap3A_18 = arith.constant 0 : index
    %swap3A_19 = vector.load %arg4[%swap3A_17, %swap3A_18] : memref<1250x128xf32, #tpu.memory_space<vmem>>, vector<1250x128xf32>
    tpu.vector_store %arg4[%swap3A_17, %swap3A_18], %rsqrt3A {strides = array<i32>} : memref<1250x128xf32, #tpu.memory_space<vmem>>, vector<1250x128xf32>,
    return
  }
  func.func @transform_0(%arg0: i32) -> (i32, i32) {
    %c0_i32 = arith.constant 0 : i32
    %c0_i32_0 = arith.constant 0 : i32
    %c0_i32_1 = arith.constant 0 : i32
    return %c0_i32, %c0_i32_0 : i32, i32
  }
  func.func @transform_1(%arg0: i32) -> (i32, i32, i32) {
    %c0_i32 = arith.constant 0 : i32
    %c0_i32_0 = arith.constant 0 : i32
    %c0_i32_1 = arith.constant 0 : i32
    %c0_i32_2 = arith.constant 0 : i32
    return %c0_i32, %c0_i32_0, %c0_i32_1 : i32, i32, i32
  }
  func.func @transform_2(%arg0: i32) -> (i32, i32) {
    %c0_i32 = arith.constant 0 : i32
    %c0_i32_0 = arith.constant 0 : i32
    %c0_i32_1 = arith.constant 0 : i32
    return %c0_i32, %c0_i32_0 : i32, i32
  }
  func.func @transform_3(%arg0: i32) -> (i32, i32) {
    %c0_i32 = arith.constant 0 : i32
    %c0_i32_0 = arith.constant 0 : i32
    %c0_i32_1 = arith.constant 0 : i32
    return %c0_i32, %c0_i32_0 : i32, i32
  }
}

module attributes {stable_mosaic.version = 14 : i64} {
  func.func @_tc_mid_body(%arg0: i32, %arg1: memref<2x1250x128xf32, #tpu.memory_space<vmem>>, %arg2: memref<1250x128xf32, #tpu.memory_space<vmem>>, %arg3: memref<1250x128xf32, #tpu.memory_space<vmem>>, %arg4: memref<1x128xf32, #tpu.memory_space<vmem>>, %arg5: memref<128x128xf32, #tpu.memory_space<vmem>>, %arg6: memref<1250x128xf32, #tpu.memory_space<vmem>>) attributes {dimension_semantics = [#tpu.dimension_semantics<arbitrary>], iteration_bounds = array<i64: 1>, scalar_prefetch = 0 : i64, scratch_operands = 0 : i64, tpu.core_type = #tpu.core_type<tc>, window_params = [{pipeline_mode = #tpu.pipeline_mode<synchronous>, transform_indices = @transform_0, window_bounds = array<i64: 2, 1250, 128>}, {pipeline_mode = #tpu.pipeline_mode<synchronous>, transform_indices = @transform_1, window_bounds = array<i64: 1250, 128>}, {pipeline_mode = #tpu.pipeline_mode<synchronous>, transform_indices = @transform_2, window_bounds = array<i64: 1250, 128>}, {pipeline_mode = #tpu.pipeline_mode<synchronous>, transform_indices = @transform_3, window_bounds = array<i64: 1, 128>}, {pipeline_mode = #tpu.pipeline_mode<synchronous>, transform_indices = @transform_4, window_bounds = array<i64: 128, 128>}, {pipeline_mode = #tpu.pipeline_mode<synchronous>, transform_indices = @transform_5, window_bounds = array<i64: 1250, 128>}]} {
    %get3A = arith.constant 0 : index
    %get3A_0 = arith.constant 0 : index
    %get3A_1 = arith.constant 0 : index
    %get3A_2 = vector.load %arg1[%get3A, %get3A_0, %get3A_1] : memref<2x1250x128xf32, #tpu.memory_space<vmem>>, vector<1x1250x128xf32>
    %get3A_3 = vector.shape_cast %get3A_2 : vector<1x1250x128xf32> to vector<1250x128xf32>
    %get3A_4 = arith.constant 1 : index
    %get3A_5 = arith.constant 0 : index
    %get3A_6 = arith.constant 0 : index
    %get3A_7 = vector.load %arg1[%get3A_4, %get3A_5, %get3A_6] : memref<2x1250x128xf32, #tpu.memory_space<vmem>>, vector<1x1250x128xf32>
    %get3A_8 = vector.shape_cast %get3A_7 : vector<1x1250x128xf32> to vector<1250x128xf32>
    %add3A = arith.addf %get3A_3, %get3A_8 : vector<1250x128xf32>
    %get3A_9 = arith.constant 0 : index
    %get3A_10 = arith.constant 0 : index
    %get3A_11 = vector.load %arg2[%get3A_9, %get3A_10] : memref<1250x128xf32, #tpu.memory_space<vmem>>, vector<1250x128xf32>
    %add3A_12 = arith.addf %add3A, %get3A_11 : vector<1250x128xf32>
    %get3A_13 = arith.constant 0 : index
    %get3A_14 = arith.constant 0 : index
    %get3A_15 = vector.load %arg3[%get3A_13, %get3A_14] : memref<1250x128xf32, #tpu.memory_space<vmem>>, vector<1250x128xf32>
    %mul3A = arith.mulf %get3A_15, %add3A_12 : vector<1250x128xf32>
    %get3A_16 = arith.constant 0 : index
    %get3A_17 = arith.constant 0 : index
    %get3A_18 = vector.load %arg4[%get3A_16, %get3A_17] : memref<1x128xf32, #tpu.memory_space<vmem>>, vector<1x128xf32>
    %add3A_19 = vector.broadcast %get3A_18 : vector<1x128xf32> to vector<1250x128xf32>
    %add3A_20 = arith.addf %mul3A, %add3A_19 : vector<1250x128xf32>
    %max3A = arith.constant 0.000000e+00 : f32
    %max3A_21 = vector.broadcast %max3A : f32 to vector<1250x128xf32>
    %max3A_22 = arith.maximumf %add3A_20, %max3A_21 : vector<1250x128xf32>
    %get3A_23 = arith.constant 0 : index
    %get3A_24 = arith.constant 0 : index
    %get3A_25 = vector.load %arg5[%get3A_23, %get3A_24] : memref<128x128xf32, #tpu.memory_space<vmem>>, vector<128x128xf32>
    %dot_general3A = arith.constant dense<0.000000e+00> : vector<1250x128xf32>
    %dot_general3A_26 = tpu.matmul %max3A_22, %get3A_25, %dot_general3A {dimension_numbers = #tpu.dot_dimension_numbers<[1], [0], [0], [1], [0, 0, 1, 1], [], []>, transpose_lhs_hint = false} : vector<1250x128xf32>, vector<128x128xf32>, vector<1250x128xf32> -> vector<1250x128xf32>
    %get3A_27 = arith.constant 0 : index
    %get3A_28 = arith.constant 0 : index
    %get3A_29 = vector.load %arg3[%get3A_27, %get3A_28] : memref<1250x128xf32, #tpu.memory_space<vmem>>, vector<1250x128xf32>
    %mul3A_30 = arith.mulf %dot_general3A_26, %get3A_29 : vector<1250x128xf32>
    %swap3A = arith.constant 0 : index
    %swap3A_31 = arith.constant 0 : index
    %swap3A_32 = vector.load %arg6[%swap3A, %swap3A_31] : memref<1250x128xf32, #tpu.memory_space<vmem>>, vector<1250x128xf32>
    tpu.vector_store %arg6[%swap3A, %swap3A_31], %mul3A_30 {strides = array<i32>} : memref<1250x128xf32, #tpu.memory_space<vmem>>, vector<1250x128xf32>,
    return
  }
  func.func @transform_0(%arg0: i32) -> (i32, i32, i32) {
    %c0_i32 = arith.constant 0 : i32
    %c0_i32_0 = arith.constant 0 : i32
    %c0_i32_1 = arith.constant 0 : i32
    %c0_i32_2 = arith.constant 0 : i32
    return %c0_i32, %c0_i32_0, %c0_i32_1 : i32, i32, i32
  }
  func.func @transform_1(%arg0: i32) -> (i32, i32) {
    %c0_i32 = arith.constant 0 : i32
    %c0_i32_0 = arith.constant 0 : i32
    %c0_i32_1 = arith.constant 0 : i32
    return %c0_i32, %c0_i32_0 : i32, i32
  }
  func.func @transform_2(%arg0: i32) -> (i32, i32) {
    %c0_i32 = arith.constant 0 : i32
    %c0_i32_0 = arith.constant 0 : i32
    %c0_i32_1 = arith.constant 0 : i32
    return %c0_i32, %c0_i32_0 : i32, i32
  }
  func.func @transform_3(%arg0: i32) -> (i32, i32) {
    %c0_i32 = arith.constant 0 : i32
    %c0_i32_0 = arith.constant 0 : i32
    %c0_i32_1 = arith.constant 0 : i32
    return %c0_i32, %c0_i32_0 : i32, i32
  }
  func.func @transform_4(%arg0: i32) -> (i32, i32) {
    %c0_i32 = arith.constant 0 : i32
    %c0_i32_0 = arith.constant 0 : i32
    %c0_i32_1 = arith.constant 0 : i32
    return %c0_i32, %c0_i32_0 : i32, i32
  }
  func.func @transform_5(%arg0: i32) -> (i32, i32) {
    %c0_i32 = arith.constant 0 : i32
    %c0_i32_0 = arith.constant 0 : i32
    %c0_i32_1 = arith.constant 0 : i32
    return %c0_i32, %c0_i32_0 : i32, i32
  }
}

module attributes {stable_mosaic.version = 14 : i64} {
  func.func @_tc_out_body(%arg0: i32, %arg1: memref<2x1250x128xf32, #tpu.memory_space<vmem>>, %arg2: memref<1250x128xf32, #tpu.memory_space<vmem>>, %arg3: memref<1250x128xf32, #tpu.memory_space<vmem>>, %arg4: memref<1x128xf32, #tpu.memory_space<vmem>>, %arg5: memref<16x10xf32, #tpu.memory_space<vmem>>, %arg6: memref<1x10xf32, #tpu.memory_space<vmem>>, %arg7: memref<1x10xf32, #tpu.memory_space<vmem>>) attributes {dimension_semantics = [#tpu.dimension_semantics<arbitrary>], iteration_bounds = array<i64: 1>, scalar_prefetch = 0 : i64, scratch_operands = 0 : i64, tpu.core_type = #tpu.core_type<tc>, window_params = [{pipeline_mode = #tpu.pipeline_mode<synchronous>, transform_indices = @transform_0, window_bounds = array<i64: 2, 1250, 128>}, {pipeline_mode = #tpu.pipeline_mode<synchronous>, transform_indices = @transform_1, window_bounds = array<i64: 1250, 128>}, {pipeline_mode = #tpu.pipeline_mode<synchronous>, transform_indices = @transform_2, window_bounds = array<i64: 1250, 128>}, {pipeline_mode = #tpu.pipeline_mode<synchronous>, transform_indices = @transform_3, window_bounds = array<i64: 1, 128>}, {pipeline_mode = #tpu.pipeline_mode<synchronous>, transform_indices = @transform_4, window_bounds = array<i64: 16, 10>}, {pipeline_mode = #tpu.pipeline_mode<synchronous>, transform_indices = @transform_5, window_bounds = array<i64: 1, 10>}, {pipeline_mode = #tpu.pipeline_mode<synchronous>, transform_indices = @transform_6, window_bounds = array<i64: 1, 10>}]} {
    %get3A = arith.constant 0 : index
    %get3A_0 = arith.constant 0 : index
    %get3A_1 = arith.constant 0 : index
    %get3A_2 = vector.load %arg1[%get3A, %get3A_0, %get3A_1] : memref<2x1250x128xf32, #tpu.memory_space<vmem>>, vector<1x1250x128xf32>
    %get3A_3 = vector.shape_cast %get3A_2 : vector<1x1250x128xf32> to vector<1250x128xf32>
    %get3A_4 = arith.constant 1 : index
    %get3A_5 = arith.constant 0 : index
    %get3A_6 = arith.constant 0 : index
    %get3A_7 = vector.load %arg1[%get3A_4, %get3A_5, %get3A_6] : memref<2x1250x128xf32, #tpu.memory_space<vmem>>, vector<1x1250x128xf32>
    %get3A_8 = vector.shape_cast %get3A_7 : vector<1x1250x128xf32> to vector<1250x128xf32>
    %add3A = arith.addf %get3A_3, %get3A_8 : vector<1250x128xf32>
    %get3A_9 = arith.constant 0 : index
    %get3A_10 = arith.constant 0 : index
    %get3A_11 = vector.load %arg2[%get3A_9, %get3A_10] : memref<1250x128xf32, #tpu.memory_space<vmem>>, vector<1250x128xf32>
    %add3A_12 = arith.addf %add3A, %get3A_11 : vector<1250x128xf32>
    %get3A_13 = arith.constant 0 : index
    %get3A_14 = arith.constant 0 : index
    %get3A_15 = vector.load %arg3[%get3A_13, %get3A_14] : memref<1250x128xf32, #tpu.memory_space<vmem>>, vector<1250x128xf32>
    %mul3A = arith.mulf %get3A_15, %add3A_12 : vector<1250x128xf32>
    %get3A_16 = arith.constant 0 : index
    %get3A_17 = arith.constant 0 : index
    %get3A_18 = vector.load %arg4[%get3A_16, %get3A_17] : memref<1x128xf32, #tpu.memory_space<vmem>>, vector<1x128xf32>
    %add3A_19 = vector.broadcast %get3A_18 : vector<1x128xf32> to vector<1250x128xf32>
    %add3A_20 = arith.addf %mul3A, %add3A_19 : vector<1250x128xf32>
    %max3A = arith.constant 0.000000e+00 : f32
    %max3A_21 = vector.broadcast %max3A : f32 to vector<1250x128xf32>
    %max3A_22 = arith.maximumf %add3A_20, %max3A_21 : vector<1250x128xf32>
    %reduce_max3A = arith.constant dense<0xFF800000> : vector<128xf32>
    %reduce_max3A_23 = vector.multi_reduction <maximumf>, %max3A_22, %reduce_max3A [0] : vector<1250x128xf32> to vector<128xf32>
    %broadcast_in_dim3A = vector.shape_cast %reduce_max3A_23 : vector<128xf32> to vector<1x128xf32>
    %slice3A = vector.extract_strided_slice %broadcast_in_dim3A {offsets = [0, 0], sizes = [1, 16], strides = [1, 1]} : vector<1x128xf32> to vector<1x16xf32>
    %slice3A_24 = vector.extract_strided_slice %broadcast_in_dim3A {offsets = [0, 16], sizes = [1, 16], strides = [1, 1]} : vector<1x128xf32> to vector<1x16xf32>
    %max3A_25 = arith.maximumf %slice3A, %slice3A_24 : vector<1x16xf32>
    %slice3A_26 = vector.extract_strided_slice %broadcast_in_dim3A {offsets = [0, 32], sizes = [1, 16], strides = [1, 1]} : vector<1x128xf32> to vector<1x16xf32>
    %max3A_27 = arith.maximumf %max3A_25, %slice3A_26 : vector<1x16xf32>
    %slice3A_28 = vector.extract_strided_slice %broadcast_in_dim3A {offsets = [0, 48], sizes = [1, 16], strides = [1, 1]} : vector<1x128xf32> to vector<1x16xf32>
    %max3A_29 = arith.maximumf %max3A_27, %slice3A_28 : vector<1x16xf32>
    %slice3A_30 = vector.extract_strided_slice %broadcast_in_dim3A {offsets = [0, 64], sizes = [1, 16], strides = [1, 1]} : vector<1x128xf32> to vector<1x16xf32>
    %max3A_31 = arith.maximumf %max3A_29, %slice3A_30 : vector<1x16xf32>
    %slice3A_32 = vector.extract_strided_slice %broadcast_in_dim3A {offsets = [0, 80], sizes = [1, 16], strides = [1, 1]} : vector<1x128xf32> to vector<1x16xf32>
    %max3A_33 = arith.maximumf %max3A_31, %slice3A_32 : vector<1x16xf32>
    %slice3A_34 = vector.extract_strided_slice %broadcast_in_dim3A {offsets = [0, 96], sizes = [1, 16], strides = [1, 1]} : vector<1x128xf32> to vector<1x16xf32>
    %max3A_35 = arith.maximumf %max3A_33, %slice3A_34 : vector<1x16xf32>
    %slice3A_36 = vector.extract_strided_slice %broadcast_in_dim3A {offsets = [0, 112], sizes = [1, 16], strides = [1, 1]} : vector<1x128xf32> to vector<1x16xf32>
    %max3A_37 = arith.maximumf %max3A_35, %slice3A_36 : vector<1x16xf32>
    %get3A_38 = arith.constant 0 : index
    %get3A_39 = arith.constant 0 : index
    %get3A_40 = vector.load %arg5[%get3A_38, %get3A_39] : memref<16x10xf32, #tpu.memory_space<vmem>>, vector<16x10xf32>
    %dot_general3A = arith.constant dense<0.000000e+00> : vector<1x10xf32>
    %dot_general3A_41 = tpu.matmul %max3A_37, %get3A_40, %dot_general3A {dimension_numbers = #tpu.dot_dimension_numbers<[1], [0], [0], [1], [0, 0, 1, 1], [], []>, transpose_lhs_hint = false} : vector<1x16xf32>, vector<16x10xf32>, vector<1x10xf32> -> vector<1x10xf32>
    %get3A_42 = arith.constant 0 : index
    %get3A_43 = arith.constant 0 : index
    %get3A_44 = vector.load %arg6[%get3A_42, %get3A_43] : memref<1x10xf32, #tpu.memory_space<vmem>>, vector<1x10xf32>
    %add3A_45 = arith.addf %dot_general3A_41, %get3A_44 : vector<1x10xf32>
    %swap3A = arith.constant 0 : index
    %swap3A_46 = arith.constant 0 : index
    %swap3A_47 = vector.load %arg7[%swap3A, %swap3A_46] : memref<1x10xf32, #tpu.memory_space<vmem>>, vector<1x10xf32>
    tpu.vector_store %arg7[%swap3A, %swap3A_46], %add3A_45 {strides = array<i32>} : memref<1x10xf32, #tpu.memory_space<vmem>>, vector<1x10xf32>,
    return
  }
  func.func @transform_0(%arg0: i32) -> (i32, i32, i32) {
    %c0_i32 = arith.constant 0 : i32
    %c0_i32_0 = arith.constant 0 : i32
    %c0_i32_1 = arith.constant 0 : i32
    %c0_i32_2 = arith.constant 0 : i32
    return %c0_i32, %c0_i32_0, %c0_i32_1 : i32, i32, i32
  }
  func.func @transform_1(%arg0: i32) -> (i32, i32) {
    %c0_i32 = arith.constant 0 : i32
    %c0_i32_0 = arith.constant 0 : i32
    %c0_i32_1 = arith.constant 0 : i32
    return %c0_i32, %c0_i32_0 : i32, i32
  }
  func.func @transform_2(%arg0: i32) -> (i32, i32) {
    %c0_i32 = arith.constant 0 : i32
    %c0_i32_0 = arith.constant 0 : i32
    %c0_i32_1 = arith.constant 0 : i32
    return %c0_i32, %c0_i32_0 : i32, i32
  }
  func.func @transform_3(%arg0: i32) -> (i32, i32) {
    %c0_i32 = arith.constant 0 : i32
    %c0_i32_0 = arith.constant 0 : i32
    %c0_i32_1 = arith.constant 0 : i32
    return %c0_i32, %c0_i32_0 : i32, i32
  }
  func.func @transform_4(%arg0: i32) -> (i32, i32) {
    %c0_i32 = arith.constant 0 : i32
    %c0_i32_0 = arith.constant 0 : i32
    %c0_i32_1 = arith.constant 0 : i32
    return %c0_i32, %c0_i32_0 : i32, i32
  }
  func.func @transform_5(%arg0: i32) -> (i32, i32) {
    %c0_i32 = arith.constant 0 : i32
    %c0_i32_0 = arith.constant 0 : i32
    %c0_i32_1 = arith.constant 0 : i32
    return %c0_i32, %c0_i32_0 : i32, i32
  }
  func.func @transform_6(%arg0: i32) -> (i32, i32) {
    %c0_i32 = arith.constant 0 : i32
    %c0_i32_0 = arith.constant 0 : i32
    %c0_i32_1 = arith.constant 0 : i32
    return %c0_i32, %c0_i32_0 : i32, i32
  }
}

</mosaic_0001>

<sc_bundles>
// kernel: kernel.12.cloned.1.call-start
scs
__scs_entry_jumppad:
0x0: {  	(pc) =	sbr.rel $0x88, $3  }
0x1: {  	(tag) =	ssettag $0x0;
	lr =	simm.s32 $0x1  }
0x2: {  	[smem:$0x3F99] =	sst lr;
	_ =	strace $0xD0000000  }
0x3: {  	_ = 	snop  }
0x4: {  	_ = 	snop  }
0x5: {  	_ = 	snop  }
0x6: {  	_ = 	snop  }
0x7: {  	_ = 	snop  }
__scs_overlays_trampoline_lowered:
0x8: {  	[smem:$0x3FA8] =	sst s0  }
0x9: {  	[smem:$0x3FA9] =	sst s1  }
0xa: {  	[smem:$0x3FAA] =	sst s2  }
0xb: {  	[smem:$0x3FAB] =	sst s3  }
0xc: {  	[smem:$0x3FAC] =	sst s4  }
0xd: {  	[smem:$0x3FAD] =	sst s5  }
0xe: {  	[smem:$0x3FAE] =	sst s6  }
0xf: {  	[smem:$0x3FAF] =	sst s7  }
0x10: {  	[smem:$0x3FB0] =	sst s8  }
0x11: {  	[smem:$0x3FB1] =	sst s9;
	s0 =	simm.s32 @!p0 $0x0  }
0x12: {  	s1 =	sld [smem:$0x3F97];
	s0 =	simm.s32 @p0 $0x1  }
0x13: {  	[smem:$0x3FB2] =	sst s0;
	s0 =	simm.s32 @!p1 $0x0  }
0x14: {  	s2 =	sld [smem:$0x3F96];
	s0 =	simm.s32 @p1 $0x1  }
0x15: {  	[smem:$0x3FB3] =	sst s0;
	s0 =	simm.s32 @!p2 $0x0  }
0x16: {  	s3 =	sld [smem:$0x3FDB];
	s0 =	simm.s32 @p2 $0x1  }
0x17: {  	s4 =	simm.s32 $0x1BF5;
	[smem:$0x3FB5] =	sst s0  }
0x18: {  	s0 =	sld [smem:$0x3F98];
	_ =	swait.ge [sflag:s4], $0x0  }
0x19: {  	s7 =	sld [smem:$0x3F99]  }
0x1a: {  	s8 =	sadd.s32 $0xFFFFE003, lr  }
0x1b: {  	s9 =	sadd.s32 $0xFFFFFEF7, lr;
	s5 =	simm.s32 $0xFFFFFFFF;
	p2 =	slt.u32 s8, $0xFFFFF086  }
0x1c: {  	p1 =	slt.u32 s9, $0xF7A;
	s5 =	simm.s32 @!p2 $0x0  }
0x1d: {  	s5 =	simm.s32 @p1 $0x1;
	p0 =	seq.s32 s7, s2  }
0x1e: {  	s7 =	smul.u32 @!p0 $0xF7A, s2;
	p2 =	seq.s32 @!p0 s5, $0x0  }
0x1f: {  	s9 =	smul.u32 $0xF7A, s1;
	s8 =	simm.s32 @!p0 $0x1BF5;
	p2 =	por !p2, p0  }
0x20: {  	[sflag:s8] =	ssyncset.s32 @!p0 $0xFFFFF086;
	s6 =	sadd.s32 @!p0 s3, s7;
	s7 =	simm.s32 @!p0 $0x108  }
0x21: {  	s3 =	sadd.s32 s3, s9;
	s6 =	sadd.s32 @!p0 $0x88, s6;
	s7 =	simm.s32 @p2 $0x1082  }
0x22: {  	[simem:s7], [sflag:s8] =	dma.local @!p0 [hbm:s6], $0xF7A  }
0x23: {  	s9 =	sor.u32 $0xD0000000, s2;
	s6 =	simm.s32 $0x108;
	_ =	swait.ge @!p0 [sflag:s8], $0x0  }
0x24: {  	s3 =	sadd.s32 $0x88, s3;
	s6 =	simm.s32 @!p1 $0x1082;
	[sflag:s4] =	ssyncset.s32 $0xFFFFF086  }
0x25: {  	[simem:s6], [sflag:s4] =	dma.local [hbm:s3], $0xF7A  }
0x26: {  	[smem:$0x3F99] =	sst s1;
	(tag) =	ssettag s2;
	_ =	strace s9  }
0x27: {  	s1 =	sld [smem:$0x3FA9]  }
0x28: {  	s2 =	sld [smem:$0x3FAA]  }
0x29: {  	s4 =	sld [smem:$0x3FAC]  }
0x2a: {  	p0 =	seq.s32 s5, $0x0;
	s5 =	sld [smem:$0x3FAD]  }
0x2b: {  	s6 =	sld [smem:$0x3FAE]  }
0x2c: {  	s7 =	sld [smem:$0x3FAF]  }
0x2d: {  	s3 =	simm.s32 $0x108;
	s8 =	sld [smem:$0x3FB0]  }
0x2e: {  	s3 =	simm.s32 @!p0 $0x1082;
	s9 =	sld [smem:$0x3FB1]  }
0x2f: {  	lr =	sadd.s32 s0, s3;
	s0 =	sld [smem:$0x3FA8]  }
0x30: {  	s3 =	sld [smem:$0x3FAB]  }
0x31: {  	[smem:$0x3FB4] =	sst s10  }
0x32: {  	s10 =	sld [smem:$0x3FB2];
	_ =	sdelay $0x3  }
0x33: {  	p0 =	seq.s32 s10, $0x1;
	s10 =	sld [smem:$0x3FB4];
	_ =	sdelay $0x3  }
0x34: {  	[smem:$0x3FB4] =	sst s10  }
0x35: {  	s10 =	sld [smem:$0x3FB3];
	_ =	sdelay $0x3  }
0x36: {  	p1 =	seq.s32 s10, $0x1;
	s10 =	sld [smem:$0x3FB4];
	_ =	sdelay $0x3  }
0x37: {  	[smem:$0x3FB4] =	sst s10  }
0x38: {  	s10 =	sld [smem:$0x3FB5]  }
0x39: {  	_ = 	snop;
	(pc) =	sbr.ind lr, $3  }
0x3a: {  	_ = 	snop  }
0x3b: {  	_ = 	snop  }
0x3c: {  	p2 =	seq.s32 s10, $0x1;
	s10 =	sld [smem:$0x3FB4]  }
0x3d: {  	_ =	shalt  }
0x3e: {  	_ =	shalt  }
0x3f: {  	_ =	shalt  }
0x40: {  	_ =	shalt  }
0x41: {  	_ =	shalt  }
0x42: {  	_ =	shalt  }
0x43: {  	_ =	shalt  }
0x44: {  	_ =	shalt  }
0x45: {  	_ =	shalt  }
0x46: {  	_ =	shalt  }
0x47: {  	_ =	shalt  }
0x48: {  	_ =	shalt  }
0x49: {  	_ =	shalt  }
0x4a: {  	_ =	shalt  }
0x4b: {  	_ =	shalt  }
0x4c: {  	_ =	shalt  }
0x4d: {  	_ =	shalt  }
0x4e: {  	_ =	shalt  }
0x4f: {  	_ =	shalt  }
0x50: {  	_ =	shalt  }
0x51: {  	_ =	shalt  }
0x52: {  	_ =	shalt  }
0x53: {  	_ =	shalt  }
0x54: {  	_ =	shalt  }
0x55: {  	_ =	shalt  }
0x56: {  	_ =	shalt  }
0x57: {  	_ =	shalt  }
0x58: {  	_ =	shalt  }
0x59: {  	_ =	shalt  }
0x5a: {  	_ =	shalt  }
0x5b: {  	_ =	shalt  }
0x5c: {  	_ =	shalt  }
0x5d: {  	_ =	shalt  }
0x5e: {  	_ =	shalt  }
0x5f: {  	_ =	shalt  }
0x60: {  	_ =	shalt  }
0x61: {  	_ =	shalt  }
0x62: {  	_ =	shalt  }
0x63: {  	_ =	shalt  }
0x64: {  	_ =	shalt  }
0x65: {  	_ =	shalt  }
0x66: {  	_ =	shalt  }
0x67: {  	_ =	shalt  }
0x68: {  	_ =	shalt  }
0x69: {  	_ =	shalt  }
0x6a: {  	_ =	shalt  }
0x6b: {  	_ =	shalt  }
0x6c: {  	_ =	shalt  }
0x6d: {  	_ =	shalt  }
0x6e: {  	_ =	shalt  }
0x6f: {  	_ =	shalt  }
0x70: {  	_ =	shalt  }
0x71: {  	_ =	shalt  }
0x72: {  	_ =	shalt  }
0x73: {  	_ =	shalt  }
0x74: {  	_ =	shalt  }
0x75: {  	_ =	shalt  }
0x76: {  	_ =	shalt  }
0x77: {  	_ =	shalt  }
0x78: {  	_ =	shalt  }
0x79: {  	_ =	shalt  }
0x7a: {  	_ =	shalt  }
0x7b: {  	_ =	shalt  }
0x7c: {  	_ =	shalt  }
0x7d: {  	_ =	shalt  }
0x7e: {  	_ =	shalt  }
0x7f: {  	_ =	shalt  }
0x80: {  	_ =	shalt  }
0x81: {  	_ =	shalt  }
0x82: {  	_ =	shalt  }
0x83: {  	_ =	shalt  }
0x84: {  	_ =	shalt  }
0x85: {  	_ =	shalt  }
0x86: {  	_ =	shalt  }
0x87: {  	_ =	shalt  }
.Lfunc_end0:
.L_simem_size_0:
called_computation.1_lowered:
.L_overlay_start_0:
0x88: {  	s2 =	sld [smem:$0x3FD9]  }
0x89: {  	s3 =	sld [smem:$0x3FFE];
	_ =	sdelay $0x1  }
0x8a: {  	s1 =	srdreg.scid  }
0x8b: {  	s0 =	sand.u32 $0x1, s1  }
0x8c: {  	s16 =	sshll.u32 s0, $0xA;
	s2 =	sadd.s32 s3, s2  }
0x8d: {  	s2 =	sadd.s32 s2, s16  }
0x8e: {  	[smem:$0x3FC0] =	sst s2  }
0x8f: {  	_ = 	snop  }
0x90: {  	(tm) =	ssettm $0x1  }
0x91: {  	s17 =	sld [smem:$0x3FFB];
	_ =	sdelay $0x3  }
0x92: {  	_ =	strace s17  }
0x93: {  	s2 =	sld [smem:$0x3FFC];
	_ =	sdelay $0x3  }
0x94: {  	_ =	strace s2  }
0x95: {  	s2 =	sld [smem:$0x3FFD];
	_ =	sdelay $0x3  }
0x96: {  	_ =	strace s2  }
0x97: {  	_ =	strace $0x8FFFFFFF  }
0x98: {  	s18 =	sld [smem:$0x3FDB];
	_ =	sdelay $0x1  }
0x99: {  	s19 =	simm.s32 $_scs_section_size  }
0x9a: {  	s4 =	simm.s32 $_size__tile_overlayer_lowered;
	s5 =	simm.s32 $_tile_overlayer_lowered  }
0x9b: {  	s22 =	simm.s32 $0x1BFF;
	s21 =	sshll.u32 s5, $0x1;
	s2 =	sadd.s32 s19, s18  }
0x9c: {  	s6 =	simm.s32 $0x0;
	s20 =	sshll.u32 s4, $0x1;
	s4 =	sadd.s32 s21, s2  }
0x9d: {  	[timem:s6], [sflag:s22] =	dma.local [hbm:s4], s20  }
0x9e: {  	_ =	swait.ge [sflag:s22], s20  }
0x9f: {  	s3 =	ssub.s32 $0x0, s20;
	[sflag:s22] =	ssyncset.done $0x0  }
0xa0: {  	[sflag:s22] =	ssyncadd.s32 s3;
	_ =	sdelay $0x1  }
0xa1: {  	s23 =	simm.s32 $0x1B8B  }
0xa2: {  	_ =	swait.ge [sflag:s23], $0x1  }
0xa3: {  	[sflag:s23] =	ssyncset.done $0x0  }
0xa4: {  	s25 =	simm.s32 $0x1B8E;
	s24 =	sld [smem:$0x3FFE];
	[sflag:s23] =	ssyncadd.s32 $0xFFFFFFFF  }
0xa5: {  	s26 =	simm.s32 $execute0_lowered;
	[smem:$0x3FD2] =	sst s25  }
0xa6: {  	s4 =	sshll.u32 s26, $0x1;
	_ =	strace $0x80000049;
	[dreg:$0x1] =	wrdreg $0xFFFFFFFF  }
0xa7: {  	s28 =	simm.s32 $_size_execute0_lowered;
	s2 =	sadd.s32 s2, s4;
	[dreg:$0x0] =	wrdreg $0x0  }
0xa8: {  	s4 =	sshll.u32 s28, $0x1;
	[dreg:$0x2] =	wrdreg s2  }
0xa9: {  	[dreg:$0x3] =	wrdreg s4  }
0xaa: {  	[dreg:$0x4] =	wrdreg $0xC0  }
0xab: {  	_ =	task [dreg:s6], $0x5FFFF  }
0xac: {  	[dreg:$0x1] =	wrdreg $0xFFFFFFFF  }
0xad: {  	[dreg:$0x0] =	wrdreg $0x60  }
0xae: {  	[dreg:$0x2] =	wrdreg s24  }
0xaf: {  	[dreg:$0x3] =	wrdreg $0x1C5200  }
0xb0: {  	[dreg:$0x4] =	wrdreg $0x9  }
0xb1: {  	_ =	task.clear_ibuf [dreg:s6], $0x5FFFF;
	_ =	strace $0x90000049  }
0xb2: {  	s29 =	simm.s32 $0x9;
	_ =	strace $0x8000004B  }
0xb3: {  	_ =	swait.ge [sflag:s29], $0x1  }
0xb4: {  	[sflag:s29] =	ssyncadd.s32 $0xFFFFFFFF  }
0xb5: {  	_ =	strace $0x9000004B  }
0xb6: {  	_ =	sfence  }
0xb7: {  	s30 =	sld [smem:$0x0];
	_ =	sdelay $0x2  }
0xb8: {  	s31 =	sshll.u32 s1, $0xD;
	s1 =	sshrl.u32 s1, $0x2  }
0xb9: {  	s3 =	sand.u32 $0x4000, s31;
	s1 =	sadd.s32 s1, s30  }
0xba: {  	s0 =	sor.u32 s3, s0;
	s1 =	sshll.u32 s1, $0x11  }
0xbb: {  	s0 =	sor.u32 s1, s0  }
0xbc: {  	s0 =	sadd.s32 $0x8F2B, s0  }
0xbd: {  	[sflag:s0] =	ssyncadd.remote.s32 $0x1  }
0xbe: {  	_ =	sfence.sel $0xFFFF  }
0xbf: {  	[dreg:$0x0] =	wrdreg $0xFFFFFFFF;
	(pc) =	sbr.abs _section_cstart, $3  }
0xc0: {  	[dreg:$0x1] =	wrdreg $0xFFFFFFFF  }
0xc1: {  	_ =	task.clear_ibuf [dreg:s6], $0x2FFFF;
	_ =	strace $0x9FFFFFFF  }
0xc2: {  	(tm) =	ssettm $0x7FFFFFFF  }
0xc3: {  	_ =	shalt  }
tec
execute0_lowered:
.L_overlay_start_1:
0x0: {  	(tag) =	ssettag $0x1  }
0x1: {  	s0 =	srdreg.scid  }
0x2: {  	s10 =	stileid.u32;
	s4 =	rddreg [dreg:$0x0]  }
0x3: {  	s2 =	rddreg [dreg:$0x1];
	s6 =	simm.s32 $0x0;
	s16 =	simm.s32 $0x36B0  }
0x4: {  	s11 =	simm.s32 $0x3E80;
	s15 =	simm.s32 $0x1F40;
	s28 =	simm.s32 $0x1  }
0x5: {  	s17 =	simm.s32 $0x4E20;
	s12 =	simm.s32 $0xCB20;
	s18 =	simm.s32 $0x2  }
0x6: {  	p0 =	por $0x0, $0x0;
	s14 =	simm.s32 $0x5;
	s13 =	simm.s32 $0x6  }
0x7: {  	s0 =	sand.u32 $0x1, s0;
	[smem:$0x7FF] =	sst s6;
	s3 =	sadd.s32 $0x17400, s4  }
0x8: {  	s5 =	smul.u32 $0x2710, s10;
	s25 =	sshll.u32 s10, $0x6;
	s1 =	sshll.u32 s0, $0x4  }
0x9: {  	_ =	strace $0x8000004A;
	[dreg:$0x3] =	wrdreg s3;
	s7 =	smul.u32 $0x27100, s0  }
0xa: {  	s3 =	sadd.s32 $0x17A00, s4;
	s0 =	ssub.s32 $0x2, s0;
	s1 =	sor.u32 s10, s1  }
0xb: {  	s9 =	sshrl.u32 s0, $0x1;
	s26 =	sadd.s32 s5, s2;
	s1 =	smul.u32 $0x2710, s1  }
0xc: {  	s10 =	simm.s32 $0x4650;
	s7 =	sadd.s32 s5, s7;
	s0 =	ssub.s32 s0, s9  }
0xd: {  	s9 =	simm.s32 $0x7D0;
	s7 =	sshrl.u32 s7, $0x3;
	s1 =	sshrl.u32 s1, $0x3  }
0xe: {  	s0 =	smax.u32 s0, $0x1;
	s7 =	sadd.s32 s7, s4;
	s1 =	sadd.s32 s1, s4  }
0xf: {  	p1 =	sne.s32 s0, $0x1;
	s4 =	sor.u32 $0x1C08, s25;
	s19 =	sadd.s32 $0x2A00, s1  }
0x10: {  	s5 =	sadd.s32 $0x1CA00, s7;
	s8 =	sadd.s32 $0xC640, s1;
	[dreg:$0x4] =	wrdreg s19  }
0x11: {  	s7 =	simm.s32 $0x8;
	s20 =	sadd.s32 $0x2AFA, s1;
	[dreg:$0x5] =	wrdreg s8  }
0x12: {  	s25 =	simm.s32 $0x14820;
	s21 =	sadd.s32 $0xC73A, s1;
	[dreg:$0x6] =	wrdreg s20  }
0x13: {  	s22 =	sadd.s32 $0x2BF4, s1;
	s23 =	sadd.s32 $0xC834, s1;
	[dreg:$0x7] =	wrdreg s21  }
0x14: {  	s24 =	sadd.s32 $0x2CEE, s1;
	s29 =	sadd.s32 $0xC92E, s1;
	[dreg:$0x8] =	wrdreg s22  }
.Ltmp0:
0x15: {  	s30 =	sadd.s32 $0x2DE8, s1;
	[dreg:$0x9] =	wrdreg s23;
	(pc) =	sbr.rel @!p1 .LBB2_3-.Ltmp0, $4  }
0x16: {  	s31 =	sadd.s32 $0xCA28, s1;
	s1 =	sadd.s32 $0xFFFFFFFF, s0;
	[dreg:$0xa] =	wrdreg s24  }
0x17: {  	s23 =	simm.s32 $0x2710;
	s22 =	simm.s32 $0x2EE0;
	s24 =	simm.s32 $0xFA0  }
0x18: {  	s21 =	simm.s32 $0x1770;
	s8 =	sshrl.u32 s26, $0x3;
	s19 =	simm.s32 $0x3  }
0x19: {  	s26 =	simm.s32 $0x4;
	s20 =	simm.s32 $0x7;
	s0 =	rddreg [dreg:$0x4]  }
0x1a: {  	[dreg:$0xb] =	wrdreg s1  }
0x1b: {  	[tilespmem:s6], [sflag:$0x1] =	stream.linear.gather [hbm4b:s0+s6], $0x7D0, $0x38;
	[tilespmem:$0x1EC30] =	vst v63  }
0x1c: {  	s1 =	rddreg [dreg:$0x5]  }
0x1d: {  	[tilespmem:s23], [sflag:$0x1] =	stream.linear.gather [hbm4b:s1+s6], $0x7D0, $0x38;
	[tilespmem:$0x1EC30] =	vst v63  }
0x1e: {  	s0 =	rddreg [dreg:$0x6]  }
0x1f: {  	[tilespmem:s9], [sflag:$0x1] =	stream.linear.gather [hbm4b:s0+s6], $0x7D0, $0x38;
	[tilespmem:$0x1EC30] =	vst v63  }
0x20: {  	s1 =	rddreg [dreg:$0x7]  }
0x21: {  	[tilespmem:s22], [sflag:$0x1] =	stream.linear.gather [hbm4b:s1+s6], $0x7D0, $0x38;
	[tilespmem:$0x1EC30] =	vst v63  }
0x22: {  	s0 =	rddreg [dreg:$0x8]  }
0x23: {  	[tilespmem:s24], [sflag:$0x1] =	stream.linear.gather [hbm4b:s0+s6], $0x7D0, $0x38;
	[tilespmem:$0x1EC30] =	vst v63  }
0x24: {  	s1 =	rddreg [dreg:$0x9]  }
0x25: {  	[tilespmem:s16], [sflag:$0x1] =	stream.linear.gather [hbm4b:s1+s6], $0x7D0, $0x38;
	[tilespmem:$0x1EC30] =	vst v63  }
0x26: {  	s0 =	rddreg [dreg:$0xa]  }
0x27: {  	[tilespmem:s21], [sflag:$0x1] =	stream.linear.gather [hbm4b:s0+s6], $0x7D0, $0x38;
	[tilespmem:$0x1EC30] =	vst v63  }
0x28: {  	_ = 	snop  }
0x29: {  	[tilespmem:s11], [sflag:$0x1] =	stream.linear.gather [hbm4b:s29+s6], $0x7D0, $0x38;
	[tilespmem:$0x1EC30] =	vst v63  }
0x2a: {  	_ = 	snop  }
0x2b: {  	[tilespmem:s15], [sflag:$0x1] =	stream.linear.gather [hbm4b:s30+s6], $0x7D0, $0x38;
	[tilespmem:$0x1EC30] =	vst v63  }
0x2c: {  	s1 =	rddreg [dreg:$0x3]  }
0x2d: {  	[tilespmem:s10], [sflag:$0x1] =	stream.linear.gather [hbm4b:s31+s6], $0x7D0, $0x38;
	[tilespmem:$0x1EC30] =	vst v63  }
0x2e: {  	[spmem:s8], [sflag:s4] =	dma.local [hbm:s1], $0x4E2  }
0x2f: {  	_ =	swait.ge [sflag:s7], $0x4E2  }
0x30: {  	[sflag:s7] =	ssyncset.done $0x0  }
0x31: {  	[sflag:s7] =	ssyncadd.s32 $0xFFFFFB1E  }
0x32: {  	_ =	swait.ge [sflag:s28], $0x7D0  }
0x33: {  	[sflag:s28] =	ssyncset.done $0x0  }
0x34: {  	[sflag:s28] =	ssyncadd.s32 $0xFFFFF830  }
0x35: {  	_ =	swait.ge [sflag:s28], $0x7D0  }
0x36: {  	[sflag:s28] =	ssyncset.done $0x0  }
0x37: {  	[sflag:s28] =	ssyncadd.s32 $0xFFFFF830  }
0x38: {  	_ =	swait.ge [sflag:s28], $0x7D0  }
0x39: {  	[sflag:s28] =	ssyncset.done $0x0  }
0x3a: {  	[sflag:s28] =	ssyncadd.s32 $0xFFFFF830  }
0x3b: {  	_ =	swait.ge [sflag:s28], $0x7D0  }
0x3c: {  	[sflag:s28] =	ssyncset.done $0x0  }
0x3d: {  	[sflag:s28] =	ssyncadd.s32 $0xFFFFF830  }
0x3e: {  	_ =	swait.ge [sflag:s28], $0x7D0  }
0x3f: {  	[sflag:s28] =	ssyncset.done $0x0  }
0x40: {  	[sflag:s28] =	ssyncadd.s32 $0xFFFFF830  }
0x41: {  	_ =	swait.ge [sflag:s28], $0x7D0  }
0x42: {  	[sflag:s28] =	ssyncset.done $0x0  }
0x43: {  	[sflag:s28] =	ssyncadd.s32 $0xFFFFF830  }
0x44: {  	_ =	swait.ge [sflag:s28], $0x7D0  }
0x45: {  	[sflag:s28] =	ssyncset.done $0x0  }
0x46: {  	[sflag:s28] =	ssyncadd.s32 $0xFFFFF830  }
0x47: {  	_ =	swait.ge [sflag:s28], $0x7D0  }
0x48: {  	[sflag:s28] =	ssyncset.done $0x0  }
0x49: {  	[sflag:s28] =	ssyncadd.s32 $0xFFFFF830  }
0x4a: {  	_ =	swait.ge [sflag:s28], $0x7D0  }
0x4b: {  	[sflag:s28] =	ssyncset.done $0x0  }
0x4c: {  	[sflag:s28] =	ssyncadd.s32 $0xFFFFF830  }
0x4d: {  	_ =	swait.ge [sflag:s28], $0x7D0  }
0x4e: {  	[sflag:s28] =	ssyncset.done $0x0  }
0x4f: {  	[sflag:s28] =	ssyncadd.s32 $0xFFFFF830  }
0x50: {  	[bflag:$0x0] =	sbarrier.arrive $0xFFFF  }
0x51: {  	[tilespmem:s17], [sflag:$0x2] =	stream.indirect.gather [hbm4b:s3+s9], $0x10, s6, s9, $0xb8;
	[tilespmem:$0x1EC30] =	vst v63  }
0x52: {  	_ = 	snop  }
0x53: {  	[tilespmem:s12], [sflag:$0x3] =	stream.indirect.gather [hbm4b:s3+s9], $0x10, s9, s9, $0xb8;
	[tilespmem:$0x1EC30] =	vst v63  }
0x54: {  	_ =	swait.ge [sflag:s18], $0x7D00  }
0x55: {  	[sflag:s18] =	ssyncset.done $0x0  }
0x56: {  	[sflag:s18] =	ssyncadd.s32 $0xFFFF8300  }
0x57: {  	[spmem:s2] =	stream.indirect.scatter.add.f32 [tilespmem:s17], [sflag:$0x5], $0x10, s23, s9, $0xb8;
	[tilespmem:$0x1EC30] =	vst v63  }
0x58: {  	_ = 	snop  }
0x59: {  	[tilespmem:s25], [sflag:$0x4] =	stream.indirect.gather [hbm4b:s3+s9], $0x10, s24, s9, $0xb8;
	[tilespmem:$0x1EC30] =	vst v63  }
0x5a: {  	_ =	swait.ge [sflag:s19], $0x7D00  }
0x5b: {  	[sflag:s19] =	ssyncset.done $0x0  }
0x5c: {  	[sflag:s19] =	ssyncadd.s32 $0xFFFF8300  }
0x5d: {  	[spmem:s2] =	stream.indirect.scatter.add.f32 [tilespmem:s12], [sflag:$0x6], $0x10, s22, s9, $0xb8;
	[tilespmem:$0x1EC30] =	vst v63  }
0x5e: {  	_ =	swait.ge [sflag:s14], $0x7D00  }
0x5f: {  	[sflag:s14] =	ssyncset.done $0x0  }
0x60: {  	[sflag:s14] =	ssyncadd.s32 $0xFFFF8300  }
0x61: {  	[tilespmem:s17], [sflag:$0x2] =	stream.indirect.gather [hbm4b:s3+s9], $0x10, s21, s9, $0xb8;
	[tilespmem:$0x1EC30] =	vst v63  }
0x62: {  	_ =	swait.ge [sflag:s26], $0x7D00  }
0x63: {  	[sflag:s26] =	ssyncset.done $0x0  }
0x64: {  	[sflag:s26] =	ssyncadd.s32 $0xFFFF8300  }
0x65: {  	[spmem:s2] =	stream.indirect.scatter.add.f32 [tilespmem:s25], [sflag:$0x7], $0x10, s16, s9, $0xb8;
	[tilespmem:$0x1EC30] =	vst v63  }
0x66: {  	_ =	swait.ge [sflag:s13], $0x7D00  }
0x67: {  	[sflag:s13] =	ssyncset.done $0x0  }
0x68: {  	[sflag:s13] =	ssyncadd.s32 $0xFFFF8300  }
0x69: {  	[tilespmem:s12], [sflag:$0x3] =	stream.indirect.gather [hbm4b:s3+s9], $0x10, s15, s9, $0xb8;
	[tilespmem:$0x1EC30] =	vst v63  }
0x6a: {  	_ =	swait.ge [sflag:s18], $0x7D00  }
0x6b: {  	[sflag:s18] =	ssyncset.done $0x0  }
0x6c: {  	[sflag:s18] =	ssyncadd.s32 $0xFFFF8300  }
0x6d: {  	[spmem:s2] =	stream.indirect.scatter.add.f32 [tilespmem:s17], [sflag:$0x5], $0x10, s11, s9, $0xb8;
	[tilespmem:$0x1EC30] =	vst v63  }
0x6e: {  	_ =	swait.ge [sflag:s19], $0x7D00  }
0x6f: {  	[sflag:s19] =	ssyncset.done $0x0  }
0x70: {  	[sflag:s19] =	ssyncadd.s32 $0xFFFF8300  }
0x71: {  	[spmem:s2] =	stream.indirect.scatter.add.f32 [tilespmem:s12], [sflag:$0x6], $0x10, s10, s9, $0xb8;
	[tilespmem:$0x1EC30] =	vst v63  }
0x72: {  	_ =	swait.ge [sflag:s20], $0x7D00  }
0x73: {  	[sflag:s20] =	ssyncset.done $0x0  }
0x74: {  	[sflag:s20] =	ssyncadd.s32 $0xFFFF8300  }
0x75: {  	_ =	swait.ge [sflag:s14], $0x7D00  }
0x76: {  	[sflag:s14] =	ssyncset.done $0x0  }
0x77: {  	[sflag:s14] =	ssyncadd.s32 $0xFFFF8300  }
0x78: {  	_ =	swait.ge [sflag:s13], $0x7D00  }
0x79: {  	[sflag:s13] =	ssyncset.done $0x0  }
0x7a: {  	[sflag:s13] =	ssyncadd.s32 $0xFFFF8300  }
0x7b: {  	[bflag:$0x0] =	sbarrier.arrive $0xFFFF  }
0x7c: {  	[hbm:s5], [sflag:s4] =	dma.local [spmem:s8], $0x4E2  }
0x7d: {  	s1 =	rddreg [dreg:$0xb]  }
0x7e: {  	p1 =	sne.s32 s1, $0x1  }
.Ltmp1:
0x7f: {  	_ = 	snop;
	(pc) =	sbr.rel @!p1 .LBB2_3-.Ltmp1, $3  }
0x80: {  	_ =	sdelay $0x1  }
0x81: {  	p0 =	por $0x1, $0x1;
	_ =	swait.ge [sflag:s7], $0x4E2  }
0x82: {  	s1 =	sadd.s32 $0xFFFFFFFF, s1;
	s0 =	rddreg [dreg:$0x4];
	[sflag:s7] =	ssyncset.done $0x0  }
.LBB2_2:
0x83: {  	[sflag:s7] =	ssyncadd.s32 $0xFFFFFB1E  }
0x84: {  	[tilespmem:s6], [sflag:$0x1] =	stream.linear.gather [hbm4b:s0+s6], $0x7D0, $0x38;
	[tilespmem:$0x1EC30] =	vst v63  }
0x85: {  	s10 =	smov.u32 s5;
	s5 =	rddreg [dreg:$0x5]  }
0x86: {  	[tilespmem:s23], [sflag:$0x1] =	stream.linear.gather [hbm4b:s5+s6], $0x7D0, $0x38;
	[tilespmem:$0x1EC30] =	vst v63  }
0x87: {  	s0 =	rddreg [dreg:$0x6]  }
0x88: {  	[tilespmem:s9], [sflag:$0x1] =	stream.linear.gather [hbm4b:s0+s6], $0x7D0, $0x38;
	[tilespmem:$0x1EC30] =	vst v63  }
0x89: {  	s5 =	rddreg [dreg:$0x7]  }
0x8a: {  	[tilespmem:s22], [sflag:$0x1] =	stream.linear.gather [hbm4b:s5+s6], $0x7D0, $0x38;
	[tilespmem:$0x1EC30] =	vst v63  }
0x8b: {  	s0 =	rddreg [dreg:$0x8]  }
0x8c: {  	[tilespmem:s24], [sflag:$0x1] =	stream.linear.gather [hbm4b:s0+s6], $0x7D0, $0x38;
	[tilespmem:$0x1EC30] =	vst v63  }
0x8d: {  	s5 =	rddreg [dreg:$0x9]  }
0x8e: {  	[tilespmem:s16], [sflag:$0x1] =	stream.linear.gather [hbm4b:s5+s6], $0x7D0, $0x38;
	[tilespmem:$0x1EC30] =	vst v63  }
0x8f: {  	s0 =	rddreg [dreg:$0xa]  }
0x90: {  	[tilespmem:s21], [sflag:$0x1] =	stream.linear.gather [hbm4b:s0+s6], $0x7D0, $0x38;
	[tilespmem:$0x1EC30] =	vst v63  }
0x91: {  	_ = 	snop  }
0x92: {  	[tilespmem:s11], [sflag:$0x1] =	stream.linear.gather [hbm4b:s29+s6], $0x7D0, $0x38;
	[tilespmem:$0x1EC30] =	vst v63  }
0x93: {  	_ = 	snop  }
0x94: {  	[tilespmem:s15], [sflag:$0x1] =	stream.linear.gather [hbm4b:s30+s6], $0x7D0, $0x38;
	[tilespmem:$0x1EC30] =	vst v63  }
0x95: {  	s5 =	smov.u32 s10;
	s10 =	simm.s32 $0x4650;
	s0 =	rddreg [dreg:$0x3]  }
0x96: {  	[tilespmem:s10], [sflag:$0x1] =	stream.linear.gather [hbm4b:s31+s6], $0x7D0, $0x38;
	[tilespmem:$0x1EC30] =	vst v63  }
0x97: {  	[spmem:s8], [sflag:s4] =	dma.local [hbm:s0], $0x4E2  }
0x98: {  	_ =	swait.ge [sflag:s7], $0x4E2  }
0x99: {  	[sflag:s7] =	ssyncset.done $0x0  }
0x9a: {  	[sflag:s7] =	ssyncadd.s32 $0xFFFFFB1E  }
0x9b: {  	_ =	swait.ge [sflag:s28], $0x7D0  }
0x9c: {  	[sflag:s28] =	ssyncset.done $0x0  }
0x9d: {  	[sflag:s28] =	ssyncadd.s32 $0xFFFFF830  }
0x9e: {  	_ =	swait.ge [sflag:s28], $0x7D0  }
0x9f: {  	[sflag:s28] =	ssyncset.done $0x0  }
0xa0: {  	[sflag:s28] =	ssyncadd.s32 $0xFFFFF830  }
0xa1: {  	_ =	swait.ge [sflag:s28], $0x7D0  }
0xa2: {  	[sflag:s28] =	ssyncset.done $0x0  }
0xa3: {  	[sflag:s28] =	ssyncadd.s32 $0xFFFFF830  }
0xa4: {  	_ =	swait.ge [sflag:s28], $0x7D0  }
0xa5: {  	[sflag:s28] =	ssyncset.done $0x0  }
0xa6: {  	[sflag:s28] =	ssyncadd.s32 $0xFFFFF830  }
0xa7: {  	_ =	swait.ge [sflag:s28], $0x7D0  }
0xa8: {  	[sflag:s28] =	ssyncset.done $0x0  }
0xa9: {  	[sflag:s28] =	ssyncadd.s32 $0xFFFFF830  }
0xaa: {  	_ =	swait.ge [sflag:s28], $0x7D0  }
0xab: {  	[sflag:s28] =	ssyncset.done $0x0  }
0xac: {  	[sflag:s28] =	ssyncadd.s32 $0xFFFFF830  }
0xad: {  	_ =	swait.ge [sflag:s28], $0x7D0  }
0xae: {  	[sflag:s28] =	ssyncset.done $0x0  }
0xaf: {  	[sflag:s28] =	ssyncadd.s32 $0xFFFFF830  }
0xb0: {  	_ =	swait.ge [sflag:s28], $0x7D0  }
0xb1: {  	[sflag:s28] =	ssyncset.done $0x0  }
0xb2: {  	[sflag:s28] =	ssyncadd.s32 $0xFFFFF830  }
0xb3: {  	_ =	swait.ge [sflag:s28], $0x7D0  }
0xb4: {  	[sflag:s28] =	ssyncset.done $0x0  }
0xb5: {  	[sflag:s28] =	ssyncadd.s32 $0xFFFFF830  }
0xb6: {  	_ =	swait.ge [sflag:s28], $0x7D0  }
0xb7: {  	[sflag:s28] =	ssyncset.done $0x0  }
0xb8: {  	[sflag:s28] =	ssyncadd.s32 $0xFFFFF830  }
0xb9: {  	[bflag:$0x0] =	sbarrier.arrive $0xFFFF  }
0xba: {  	[tilespmem:s17], [sflag:$0x2] =	stream.indirect.gather [hbm4b:s3+s9], $0x10, s6, s9, $0xb8;
	[tilespmem:$0x1EC30] =	vst v63  }
0xbb: {  	_ = 	snop  }
0xbc: {  	[tilespmem:s12], [sflag:$0x3] =	stream.indirect.gather [hbm4b:s3+s9], $0x10, s9, s9, $0xb8;
	[tilespmem:$0x1EC30] =	vst v63  }
0xbd: {  	_ =	swait.ge [sflag:s18], $0x7D00  }
0xbe: {  	[sflag:s18] =	ssyncset.done $0x0  }
0xbf: {  	[sflag:s18] =	ssyncadd.s32 $0xFFFF8300  }
0xc0: {  	[spmem:s2] =	stream.indirect.scatter.add.f32 [tilespmem:s17], [sflag:$0x5], $0x10, s23, s9, $0xb8;
	[tilespmem:$0x1EC30] =	vst v63  }
0xc1: {  	_ = 	snop  }
0xc2: {  	[tilespmem:s25], [sflag:$0x4] =	stream.indirect.gather [hbm4b:s3+s9], $0x10, s24, s9, $0xb8;
	[tilespmem:$0x1EC30] =	vst v63  }
0xc3: {  	_ =	swait.ge [sflag:s19], $0x7D00  }
0xc4: {  	[sflag:s19] =	ssyncset.done $0x0  }
0xc5: {  	[sflag:s19] =	ssyncadd.s32 $0xFFFF8300  }
0xc6: {  	[spmem:s2] =	stream.indirect.scatter.add.f32 [tilespmem:s12], [sflag:$0x6], $0x10, s22, s9, $0xb8;
	[tilespmem:$0x1EC30] =	vst v63  }
0xc7: {  	_ =	swait.ge [sflag:s14], $0x7D00  }
0xc8: {  	[sflag:s14] =	ssyncset.done $0x0  }
0xc9: {  	[sflag:s14] =	ssyncadd.s32 $0xFFFF8300  }
0xca: {  	[tilespmem:s17], [sflag:$0x2] =	stream.indirect.gather [hbm4b:s3+s9], $0x10, s21, s9, $0xb8;
	[tilespmem:$0x1EC30] =	vst v63  }
0xcb: {  	_ =	swait.ge [sflag:s26], $0x7D00  }
0xcc: {  	[sflag:s26] =	ssyncset.done $0x0  }
0xcd: {  	[sflag:s26] =	ssyncadd.s32 $0xFFFF8300  }
0xce: {  	[spmem:s2] =	stream.indirect.scatter.add.f32 [tilespmem:s25], [sflag:$0x7], $0x10, s16, s9, $0xb8;
	[tilespmem:$0x1EC30] =	vst v63  }
0xcf: {  	_ =	swait.ge [sflag:s13], $0x7D00  }
0xd0: {  	[sflag:s13] =	ssyncset.done $0x0  }
0xd1: {  	[sflag:s13] =	ssyncadd.s32 $0xFFFF8300  }
0xd2: {  	[tilespmem:s12], [sflag:$0x3] =	stream.indirect.gather [hbm4b:s3+s9], $0x10, s15, s9, $0xb8;
	[tilespmem:$0x1EC30] =	vst v63  }
0xd3: {  	_ =	swait.ge [sflag:s18], $0x7D00  }
0xd4: {  	[sflag:s18] =	ssyncset.done $0x0  }
0xd5: {  	[sflag:s18] =	ssyncadd.s32 $0xFFFF8300  }
0xd6: {  	[spmem:s2] =	stream.indirect.scatter.add.f32 [tilespmem:s17], [sflag:$0x5], $0x10, s11, s9, $0xb8;
	[tilespmem:$0x1EC30] =	vst v63  }
0xd7: {  	_ =	swait.ge [sflag:s19], $0x7D00  }
0xd8: {  	[sflag:s19] =	ssyncset.done $0x0  }
0xd9: {  	[sflag:s19] =	ssyncadd.s32 $0xFFFF8300  }
0xda: {  	[spmem:s2] =	stream.indirect.scatter.add.f32 [tilespmem:s12], [sflag:$0x6], $0x10, s10, s9, $0xb8;
	[tilespmem:$0x1EC30] =	vst v63  }
0xdb: {  	_ =	swait.ge [sflag:s20], $0x7D00  }
0xdc: {  	[sflag:s20] =	ssyncset.done $0x0  }
0xdd: {  	[sflag:s20] =	ssyncadd.s32 $0xFFFF8300  }
0xde: {  	_ =	swait.ge [sflag:s14], $0x7D00  }
0xdf: {  	[sflag:s14] =	ssyncset.done $0x0  }
0xe0: {  	[sflag:s14] =	ssyncadd.s32 $0xFFFF8300  }
0xe1: {  	_ =	swait.ge [sflag:s13], $0x7D00  }
0xe2: {  	p1 =	sne.s32 s1, $0x1;
	[sflag:s13] =	ssyncset.done $0x0  }
.Ltmp2:
0xe3: {  	[sflag:s13] =	ssyncadd.s32 $0xFFFF8300;
	(pc) =	sbr.rel @p1 .LBB2_2-.Ltmp2, $4  }
0xe4: {  	[bflag:$0x0] =	sbarrier.arrive $0xFFFF  }
0xe5: {  	[hbm:s5], [sflag:s4] =	dma.local [spmem:s8], $0x4E2  }
0xe6: {  	_ =	swait.ge [sflag:s7], $0x4E2  }
0xe7: {  	s1 =	sadd.s32 $0xFFFFFFFF, s1;
	s0 =	rddreg [dreg:$0x4];
	[sflag:s7] =	ssyncset.done $0x0  }
.LBB2_3:
0xe8: {  	[sflag:s7] =	ssyncadd.s32 @p0 $0xFFFFFB1E  }
0xe9: {  	[tilespmem:s6], [sflag:$0x1] =	stream.linear.gather [hbm4b:s0+s6], $0x7D0, $0x38;
	[tilespmem:$0x1EC30] =	vst v63  }
0xea: {  	s1 =	rddreg [dreg:$0x5]  }
0xeb: {  	[tilespmem:s23], [sflag:$0x1] =	stream.linear.gather [hbm4b:s1+s6], $0x7D0, $0x38;
	[tilespmem:$0x1EC30] =	vst v63  }
0xec: {  	s0 =	rddreg [dreg:$0x6]  }
0xed: {  	[tilespmem:s9], [sflag:$0x1] =	stream.linear.gather [hbm4b:s0+s6], $0x7D0, $0x38;
	[tilespmem:$0x1EC30] =	vst v63  }
0xee: {  	s1 =	rddreg [dreg:$0x7]  }
0xef: {  	[tilespmem:s22], [sflag:$0x1] =	stream.linear.gather [hbm4b:s1+s6], $0x7D0, $0x38;
	[tilespmem:$0x1EC30] =	vst v63  }
0xf0: {  	s0 =	rddreg [dreg:$0x8]  }
0xf1: {  	[tilespmem:s24], [sflag:$0x1] =	stream.linear.gather [hbm4b:s0+s6], $0x7D0, $0x38;
	[tilespmem:$0x1EC30] =	vst v63  }
0xf2: {  	s1 =	rddreg [dreg:$0x9]  }
0xf3: {  	[tilespmem:s16], [sflag:$0x1] =	stream.linear.gather [hbm4b:s1+s6], $0x7D0, $0x38;
	[tilespmem:$0x1EC30] =	vst v63  }
0xf4: {  	s0 =	rddreg [dreg:$0xa]  }
0xf5: {  	[tilespmem:s21], [sflag:$0x1] =	stream.linear.gather [hbm4b:s0+s6], $0x7D0, $0x38;
	[tilespmem:$0x1EC30] =	vst v63  }
0xf6: {  	_ = 	snop  }
0xf7: {  	[tilespmem:s11], [sflag:$0x1] =	stream.linear.gather [hbm4b:s29+s6], $0x7D0, $0x38;
	[tilespmem:$0x1EC30] =	vst v63  }
0xf8: {  	_ = 	snop  }
0xf9: {  	[tilespmem:s15], [sflag:$0x1] =	stream.linear.gather [hbm4b:s30+s6], $0x7D0, $0x38;
	[tilespmem:$0x1EC30] =	vst v63  }
0xfa: {  	s30 =	rddreg [dreg:$0x3]  }
0xfb: {  	[tilespmem:s10], [sflag:$0x1] =	stream.linear.gather [hbm4b:s31+s6], $0x7D0, $0x38;
	[tilespmem:$0x1EC30] =	vst v63  }
0xfc: {  	[spmem:s8], [sflag:s4] =	dma.local [hbm:s30], $0x4E2  }
0xfd: {  	_ =	swait.ge [sflag:s7], $0x4E2  }
0xfe: {  	[sflag:s7] =	ssyncset.done $0x0  }
0xff: {  	[sflag:s7] =	ssyncadd.s32 $0xFFFFFB1E  }
0x100: {  	_ =	swait.ge [sflag:s28], $0x7D0  }
0x101: {  	[sflag:s28] =	ssyncset.done $0x0  }
0x102: {  	[sflag:s28] =	ssyncadd.s32 $0xFFFFF830  }
0x103: {  	_ =	swait.ge [sflag:s28], $0x7D0  }
0x104: {  	[sflag:s28] =	ssyncset.done $0x0  }
0x105: {  	[sflag:s28] =	ssyncadd.s32 $0xFFFFF830  }
0x106: {  	_ =	swait.ge [sflag:s28], $0x7D0  }
0x107: {  	[sflag:s28] =	ssyncset.done $0x0  }
0x108: {  	[sflag:s28] =	ssyncadd.s32 $0xFFFFF830  }
0x109: {  	_ =	swait.ge [sflag:s28], $0x7D0  }
0x10a: {  	[sflag:s28] =	ssyncset.done $0x0  }
0x10b: {  	[sflag:s28] =	ssyncadd.s32 $0xFFFFF830  }
0x10c: {  	_ =	swait.ge [sflag:s28], $0x7D0  }
0x10d: {  	[sflag:s28] =	ssyncset.done $0x0  }
0x10e: {  	[sflag:s28] =	ssyncadd.s32 $0xFFFFF830  }
0x10f: {  	_ =	swait.ge [sflag:s28], $0x7D0  }
0x110: {  	[sflag:s28] =	ssyncset.done $0x0  }
0x111: {  	[sflag:s28] =	ssyncadd.s32 $0xFFFFF830  }
0x112: {  	_ =	swait.ge [sflag:s28], $0x7D0  }
0x113: {  	[sflag:s28] =	ssyncset.done $0x0  }
0x114: {  	[sflag:s28] =	ssyncadd.s32 $0xFFFFF830  }
0x115: {  	_ =	swait.ge [sflag:s28], $0x7D0  }
0x116: {  	[sflag:s28] =	ssyncset.done $0x0  }
0x117: {  	[sflag:s28] =	ssyncadd.s32 $0xFFFFF830  }
0x118: {  	_ =	swait.ge [sflag:s28], $0x7D0  }
0x119: {  	[sflag:s28] =	ssyncset.done $0x0  }
0x11a: {  	[sflag:s28] =	ssyncadd.s32 $0xFFFFF830  }
0x11b: {  	_ =	swait.ge [sflag:s28], $0x7D0  }
0x11c: {  	[sflag:s28] =	ssyncset.done $0x0  }
0x11d: {  	[sflag:s28] =	ssyncadd.s32 $0xFFFFF830  }
0x11e: {  	[bflag:$0x0] =	sbarrier.arrive $0xFFFF  }
0x11f: {  	[tilespmem:s17], [sflag:$0x2] =	stream.indirect.gather [hbm4b:s3+s9], $0x10, s6, s9, $0xb8;
	[tilespmem:$0x1EC30] =	vst v63  }
0x120: {  	_ = 	snop  }
0x121: {  	[tilespmem:s12], [sflag:$0x3] =	stream.indirect.gather [hbm4b:s3+s9], $0x10, s9, s9, $0xb8;
	[tilespmem:$0x1EC30] =	vst v63  }
0x122: {  	_ =	swait.ge [sflag:s18], $0x7D00  }
0x123: {  	[sflag:s18] =	ssyncset.done $0x0  }
0x124: {  	[sflag:s18] =	ssyncadd.s32 $0xFFFF8300  }
0x125: {  	[spmem:s2] =	stream.indirect.scatter.add.f32 [tilespmem:s17], [sflag:$0x5], $0x10, s23, s9, $0xb8;
	[tilespmem:$0x1EC30] =	vst v63  }
0x126: {  	_ = 	snop  }
0x127: {  	[tilespmem:s25], [sflag:$0x4] =	stream.indirect.gather [hbm4b:s3+s9], $0x10, s24, s9, $0xb8;
	[tilespmem:$0x1EC30] =	vst v63  }
0x128: {  	_ =	swait.ge [sflag:s19], $0x7D00  }
0x129: {  	[sflag:s19] =	ssyncset.done $0x0  }
0x12a: {  	[sflag:s19] =	ssyncadd.s32 $0xFFFF8300  }
0x12b: {  	[spmem:s2] =	stream.indirect.scatter.add.f32 [tilespmem:s12], [sflag:$0x6], $0x10, s22, s9, $0xb8;
	[tilespmem:$0x1EC30] =	vst v63  }
0x12c: {  	_ =	swait.ge [sflag:s14], $0x7D00  }
0x12d: {  	[sflag:s14] =	ssyncset.done $0x0  }
0x12e: {  	[sflag:s14] =	ssyncadd.s32 $0xFFFF8300  }
0x12f: {  	[tilespmem:s17], [sflag:$0x2] =	stream.indirect.gather [hbm4b:s3+s9], $0x10, s21, s9, $0xb8;
	[tilespmem:$0x1EC30] =	vst v63  }
0x130: {  	_ =	swait.ge [sflag:s26], $0x7D00  }
0x131: {  	[sflag:s26] =	ssyncset.done $0x0  }
0x132: {  	[sflag:s26] =	ssyncadd.s32 $0xFFFF8300  }
0x133: {  	[spmem:s2] =	stream.indirect.scatter.add.f32 [tilespmem:s25], [sflag:$0x7], $0x10, s16, s9, $0xb8;
	[tilespmem:$0x1EC30] =	vst v63  }
0x134: {  	_ =	swait.ge [sflag:s13], $0x7D00  }
0x135: {  	[sflag:s13] =	ssyncset.done $0x0  }
0x136: {  	[sflag:s13] =	ssyncadd.s32 $0xFFFF8300  }
0x137: {  	[tilespmem:s12], [sflag:$0x3] =	stream.indirect.gather [hbm4b:s3+s9], $0x10, s15, s9, $0xb8;
	[tilespmem:$0x1EC30] =	vst v63  }
0x138: {  	_ =	swait.ge [sflag:s18], $0x7D00  }
0x139: {  	[sflag:s18] =	ssyncset.done $0x0  }
0x13a: {  	[sflag:s18] =	ssyncadd.s32 $0xFFFF8300  }
0x13b: {  	[spmem:s2] =	stream.indirect.scatter.add.f32 [tilespmem:s17], [sflag:$0x5], $0x10, s11, s9, $0xb8;
	[tilespmem:$0x1EC30] =	vst v63  }
0x13c: {  	_ =	swait.ge [sflag:s19], $0x7D00  }
0x13d: {  	[sflag:s19] =	ssyncset.done $0x0  }
0x13e: {  	[sflag:s19] =	ssyncadd.s32 $0xFFFF8300  }
0x13f: {  	[spmem:s2] =	stream.indirect.scatter.add.f32 [tilespmem:s12], [sflag:$0x6], $0x10, s10, s9, $0xb8;
	[tilespmem:$0x1EC30] =	vst v63  }
0x140: {  	_ =	swait.ge [sflag:s20], $0x7D00  }
0x141: {  	[sflag:s20] =	ssyncset.done $0x0  }
0x142: {  	[sflag:s20] =	ssyncadd.s32 $0xFFFF8300  }
0x143: {  	_ =	swait.ge [sflag:s14], $0x7D00  }
0x144: {  	[sflag:s14] =	ssyncset.done $0x0  }
0x145: {  	[sflag:s14] =	ssyncadd.s32 $0xFFFF8300  }
0x146: {  	_ =	swait.ge [sflag:s13], $0x7D00  }
0x147: {  	[sflag:s13] =	ssyncset.done $0x0  }
0x148: {  	[sflag:s13] =	ssyncadd.s32 $0xFFFF8300  }
0x149: {  	[bflag:$0x0] =	sbarrier.arrive $0xFFFF  }
0x14a: {  	[hbm:s5], [sflag:s4] =	dma.local [spmem:s8], $0x4E2  }
0x14b: {  	_ =	swait.ge [sflag:s7], $0x4E2  }
0x14c: {  	[sflag:s7] =	ssyncset.done $0x0  }
0x14d: {  	[sflag:s7] =	ssyncadd.s32 $0xFFFFFB1E  }
0x14e: {  	_ =	sfence.sel $0x180000  }
0x14f: {  	[bflag:$0x0] =	sbarrier.arrive $0xFFFF  }
0x150: {  	_ =	strace $0x9000004A  }
0x151: {  	s31 =	stileid.u32;
	[bflag:$0x2] =	sbarrier.arrive $0xFFFF  }
0x152: {  	p0 =	sne.s32 s31, $0x0;
	s0 =	rddreg [dreg:$0x2]  }
0x153: {  	s0 =	sadd.s32 @!p0 $0x100000, s0  }
0x154: {  	[sflag:s0] =	ssyncadd.tile.s32 @!p0 $0x1;
	_ =	shalt  }
.Lfunc_end2:
_tile_overlayer_lowered:
.L_overlay_start_2:
0x155: {  	(tag) =	ssettag $0x2  }
0x156: {  	s0 =	rddreg [dreg:$0x0];
	s2 =	stileid.u32  }
0x157: {  	s1 =	rddreg [dreg:$0x1];
	p0 =	sne.s32 s2, $0x0  }
0x158: {  	s3 =	rddreg [dreg:$0x2];
	[bflag:$0x3] =	sbarrier.arrive $0xFFFF;
	s2 =	simm.s32 @!p0 $0x1C08  }
0x159: {  	[timem:s3], [sflag:s2] =	dma.local @!p0 [hbm:s0], s1  }
0x15a: {  	s0 =	simm.s32 @!p0 $0x8  }
0x15b: {  	_ =	swait.ge @!p0 [sflag:s0], s1  }
0x15c: {  	s1 =	ssub.s32 @!p0 $0x0, s1;
	[sflag:s0] =	ssyncset.done @!p0 $0x0  }
0x15d: {  	[sflag:s0] =	ssyncadd.s32 @!p0 s1  }
0x15e: {  	[bflag:$0x3] =	sbarrier.arrive $0xFFFF  }
0x15f: {  	_ =	shalt  }

// kernel: kernel.15.cloned.1.call-start
scs
__scs_entry_jumppad:
0x0: {  	(pc) =	sbr.rel $0x88, $3  }
0x1: {  	(tag) =	ssettag $0x0;
	lr =	simm.s32 $0x1  }
0x2: {  	[smem:$0x3F99] =	sst lr;
	_ =	strace $0xD0000000  }
0x3: {  	_ = 	snop  }
0x4: {  	_ = 	snop  }
0x5: {  	_ = 	snop  }
0x6: {  	_ = 	snop  }
0x7: {  	_ = 	snop  }
__scs_overlays_trampoline_lowered:
0x8: {  	[smem:$0x3FA8] =	sst s0  }
0x9: {  	[smem:$0x3FA9] =	sst s1  }
0xa: {  	[smem:$0x3FAA] =	sst s2  }
0xb: {  	[smem:$0x3FAB] =	sst s3  }
0xc: {  	[smem:$0x3FAC] =	sst s4  }
0xd: {  	[smem:$0x3FAD] =	sst s5  }
0xe: {  	[smem:$0x3FAE] =	sst s6  }
0xf: {  	[smem:$0x3FAF] =	sst s7  }
0x10: {  	[smem:$0x3FB0] =	sst s8  }
0x11: {  	[smem:$0x3FB1] =	sst s9;
	s0 =	simm.s32 @!p0 $0x0  }
0x12: {  	s1 =	sld [smem:$0x3F97];
	s0 =	simm.s32 @p0 $0x1  }
0x13: {  	[smem:$0x3FB2] =	sst s0;
	s0 =	simm.s32 @!p1 $0x0  }
0x14: {  	s2 =	sld [smem:$0x3F96];
	s0 =	simm.s32 @p1 $0x1  }
0x15: {  	[smem:$0x3FB3] =	sst s0;
	s0 =	simm.s32 @!p2 $0x0  }
0x16: {  	s3 =	sld [smem:$0x3FDB];
	s0 =	simm.s32 @p2 $0x1  }
0x17: {  	s4 =	simm.s32 $0x1BF5;
	[smem:$0x3FB5] =	sst s0  }
0x18: {  	s0 =	sld [smem:$0x3F98];
	_ =	swait.ge [sflag:s4], $0x0  }
0x19: {  	s7 =	sld [smem:$0x3F99]  }
0x1a: {  	s8 =	sadd.s32 $0xFFFFE003, lr  }
0x1b: {  	s9 =	sadd.s32 $0xFFFFFEF7, lr;
	s5 =	simm.s32 $0xFFFFFFFF;
	p2 =	slt.u32 s8, $0xFFFFF086  }
0x1c: {  	p1 =	slt.u32 s9, $0xF7A;
	s5 =	simm.s32 @!p2 $0x0  }
0x1d: {  	s5 =	simm.s32 @p1 $0x1;
	p0 =	seq.s32 s7, s2  }
0x1e: {  	s7 =	smul.u32 @!p0 $0xF7A, s2;
	p2 =	seq.s32 @!p0 s5, $0x0  }
0x1f: {  	s9 =	smul.u32 $0xF7A, s1;
	s8 =	simm.s32 @!p0 $0x1BF5;
	p2 =	por !p2, p0  }
0x20: {  	[sflag:s8] =	ssyncset.s32 @!p0 $0xFFFFF086;
	s6 =	sadd.s32 @!p0 s3, s7;
	s7 =	simm.s32 @!p0 $0x108  }
0x21: {  	s3 =	sadd.s32 s3, s9;
	s6 =	sadd.s32 @!p0 $0x88, s6;
	s7 =	simm.s32 @p2 $0x1082  }
0x22: {  	[simem:s7], [sflag:s8] =	dma.local @!p0 [hbm:s6], $0xF7A  }
0x23: {  	s9 =	sor.u32 $0xD0000000, s2;
	s6 =	simm.s32 $0x108;
	_ =	swait.ge @!p0 [sflag:s8], $0x0  }
0x24: {  	s3 =	sadd.s32 $0x88, s3;
	s6 =	simm.s32 @!p1 $0x1082;
	[sflag:s4] =	ssyncset.s32 $0xFFFFF086  }
0x25: {  	[simem:s6], [sflag:s4] =	dma.local [hbm:s3], $0xF7A  }
0x26: {  	[smem:$0x3F99] =	sst s1;
	(tag) =	ssettag s2;
	_ =	strace s9  }
0x27: {  	s1 =	sld [smem:$0x3FA9]  }
0x28: {  	s2 =	sld [smem:$0x3FAA]  }
0x29: {  	s4 =	sld [smem:$0x3FAC]  }
0x2a: {  	p0 =	seq.s32 s5, $0x0;
	s5 =	sld [smem:$0x3FAD]  }
0x2b: {  	s6 =	sld [smem:$0x3FAE]  }
0x2c: {  	s7 =	sld [smem:$0x3FAF]  }
0x2d: {  	s3 =	simm.s32 $0x108;
	s8 =	sld [smem:$0x3FB0]  }
0x2e: {  	s3 =	simm.s32 @!p0 $0x1082;
	s9 =	sld [smem:$0x3FB1]  }
0x2f: {  	lr =	sadd.s32 s0, s3;
	s0 =	sld [smem:$0x3FA8]  }
0x30: {  	s3 =	sld [smem:$0x3FAB]  }
0x31: {  	[smem:$0x3FB4] =	sst s10  }
0x32: {  	s10 =	sld [smem:$0x3FB2];
	_ =	sdelay $0x3  }
0x33: {  	p0 =	seq.s32 s10, $0x1;
	s10 =	sld [smem:$0x3FB4];
	_ =	sdelay $0x3  }
0x34: {  	[smem:$0x3FB4] =	sst s10  }
0x35: {  	s10 =	sld [smem:$0x3FB3];
	_ =	sdelay $0x3  }
0x36: {  	p1 =	seq.s32 s10, $0x1;
	s10 =	sld [smem:$0x3FB4];
	_ =	sdelay $0x3  }
0x37: {  	[smem:$0x3FB4] =	sst s10  }
0x38: {  	s10 =	sld [smem:$0x3FB5]  }
0x39: {  	_ = 	snop;
	(pc) =	sbr.ind lr, $3  }
0x3a: {  	_ = 	snop  }
0x3b: {  	_ = 	snop  }
0x3c: {  	p2 =	seq.s32 s10, $0x1;
	s10 =	sld [smem:$0x3FB4]  }
0x3d: {  	_ =	shalt  }
0x3e: {  	_ =	shalt  }
0x3f: {  	_ =	shalt  }
0x40: {  	_ =	shalt  }
0x41: {  	_ =	shalt  }
0x42: {  	_ =	shalt  }
0x43: {  	_ =	shalt  }
0x44: {  	_ =	shalt  }
0x45: {  	_ =	shalt  }
0x46: {  	_ =	shalt  }
0x47: {  	_ =	shalt  }
0x48: {  	_ =	shalt  }
0x49: {  	_ =	shalt  }
0x4a: {  	_ =	shalt  }
0x4b: {  	_ =	shalt  }
0x4c: {  	_ =	shalt  }
0x4d: {  	_ =	shalt  }
0x4e: {  	_ =	shalt  }
0x4f: {  	_ =	shalt  }
0x50: {  	_ =	shalt  }
0x51: {  	_ =	shalt  }
0x52: {  	_ =	shalt  }
0x53: {  	_ =	shalt  }
0x54: {  	_ =	shalt  }
0x55: {  	_ =	shalt  }
0x56: {  	_ =	shalt  }
0x57: {  	_ =	shalt  }
0x58: {  	_ =	shalt  }
0x59: {  	_ =	shalt  }
0x5a: {  	_ =	shalt  }
0x5b: {  	_ =	shalt  }
0x5c: {  	_ =	shalt  }
0x5d: {  	_ =	shalt  }
0x5e: {  	_ =	shalt  }
0x5f: {  	_ =	shalt  }
0x60: {  	_ =	shalt  }
0x61: {  	_ =	shalt  }
0x62: {  	_ =	shalt  }
0x63: {  	_ =	shalt  }
0x64: {  	_ =	shalt  }
0x65: {  	_ =	shalt  }
0x66: {  	_ =	shalt  }
0x67: {  	_ =	shalt  }
0x68: {  	_ =	shalt  }
0x69: {  	_ =	shalt  }
0x6a: {  	_ =	shalt  }
0x6b: {  	_ =	shalt  }
0x6c: {  	_ =	shalt  }
0x6d: {  	_ =	shalt  }
0x6e: {  	_ =	shalt  }
0x6f: {  	_ =	shalt  }
0x70: {  	_ =	shalt  }
0x71: {  	_ =	shalt  }
0x72: {  	_ =	shalt  }
0x73: {  	_ =	shalt  }
0x74: {  	_ =	shalt  }
0x75: {  	_ =	shalt  }
0x76: {  	_ =	shalt  }
0x77: {  	_ =	shalt  }
0x78: {  	_ =	shalt  }
0x79: {  	_ =	shalt  }
0x7a: {  	_ =	shalt  }
0x7b: {  	_ =	shalt  }
0x7c: {  	_ =	shalt  }
0x7d: {  	_ =	shalt  }
0x7e: {  	_ =	shalt  }
0x7f: {  	_ =	shalt  }
0x80: {  	_ =	shalt  }
0x81: {  	_ =	shalt  }
0x82: {  	_ =	shalt  }
0x83: {  	_ =	shalt  }
0x84: {  	_ =	shalt  }
0x85: {  	_ =	shalt  }
0x86: {  	_ =	shalt  }
0x87: {  	_ =	shalt  }
.Lfunc_end0:
.L_simem_size_0:
called_computation.2_lowered:
.L_overlay_start_0:
0x88: {  	s2 =	sld [smem:$0x3FD9]  }
0x89: {  	s3 =	sld [smem:$0x3FFE];
	_ =	sdelay $0x1  }
0x8a: {  	s1 =	srdreg.scid  }
0x8b: {  	s0 =	sand.u32 $0x1, s1  }
0x8c: {  	s16 =	sshll.u32 s0, $0xA;
	s2 =	sadd.s32 s3, s2  }
0x8d: {  	s2 =	sadd.s32 s2, s16  }
0x8e: {  	[smem:$0x3FC0] =	sst s2  }
0x8f: {  	_ = 	snop  }
0x90: {  	(tm) =	ssettm $0x1  }
0x91: {  	s17 =	sld [smem:$0x3FFB];
	_ =	sdelay $0x3  }
0x92: {  	_ =	strace s17  }
0x93: {  	s2 =	sld [smem:$0x3FFC];
	_ =	sdelay $0x3  }
0x94: {  	_ =	strace s2  }
0x95: {  	s2 =	sld [smem:$0x3FFD];
	_ =	sdelay $0x3  }
0x96: {  	_ =	strace s2  }
0x97: {  	_ =	strace $0x8FFFFFFF  }
0x98: {  	s18 =	sld [smem:$0x3FDB];
	_ =	sdelay $0x1  }
0x99: {  	s19 =	simm.s32 $_scs_section_size  }
0x9a: {  	s4 =	simm.s32 $_size__tile_overlayer_lowered;
	s5 =	simm.s32 $_tile_overlayer_lowered  }
0x9b: {  	s22 =	simm.s32 $0x1BFF;
	s21 =	sshll.u32 s5, $0x1;
	s2 =	sadd.s32 s19, s18  }
0x9c: {  	s6 =	simm.s32 $0x0;
	s20 =	sshll.u32 s4, $0x1;
	s4 =	sadd.s32 s21, s2  }
0x9d: {  	[timem:s6], [sflag:s22] =	dma.local [hbm:s4], s20  }
0x9e: {  	_ =	swait.ge [sflag:s22], s20  }
0x9f: {  	s3 =	ssub.s32 $0x0, s20;
	[sflag:s22] =	ssyncset.done $0x0  }
0xa0: {  	[sflag:s22] =	ssyncadd.s32 s3;
	_ =	sdelay $0x1  }
0xa1: {  	s23 =	simm.s32 $0x1B8B  }
0xa2: {  	_ =	swait.ge [sflag:s23], $0x1  }
0xa3: {  	[sflag:s23] =	ssyncset.done $0x0  }
0xa4: {  	s25 =	simm.s32 $0x1B8E;
	s24 =	sld [smem:$0x3FFE];
	[sflag:s23] =	ssyncadd.s32 $0xFFFFFFFF  }
0xa5: {  	s26 =	simm.s32 $execute0_lowered;
	[smem:$0x3FD2] =	sst s25  }
0xa6: {  	s4 =	sshll.u32 s26, $0x1;
	_ =	strace $0x8000004C;
	[dreg:$0x1] =	wrdreg $0xFFFFFFFF  }
0xa7: {  	s28 =	simm.s32 $_size_execute0_lowered;
	s2 =	sadd.s32 s2, s4;
	[dreg:$0x0] =	wrdreg $0x0  }
0xa8: {  	s4 =	sshll.u32 s28, $0x1;
	[dreg:$0x2] =	wrdreg s2  }
0xa9: {  	[dreg:$0x3] =	wrdreg s4  }
0xaa: {  	[dreg:$0x4] =	wrdreg $0xC0  }
0xab: {  	_ =	task [dreg:s6], $0x5FFFF  }
0xac: {  	[dreg:$0x1] =	wrdreg $0xFFFFFFFF  }
0xad: {  	[dreg:$0x0] =	wrdreg $0x60  }
0xae: {  	[dreg:$0x2] =	wrdreg s24  }
0xaf: {  	[dreg:$0x3] =	wrdreg $0x1C5200  }
0xb0: {  	[dreg:$0x4] =	wrdreg $0x9  }
0xb1: {  	_ =	task.clear_ibuf [dreg:s6], $0x5FFFF;
	_ =	strace $0x9000004C  }
0xb2: {  	s29 =	simm.s32 $0x9;
	_ =	strace $0x8000004E  }
0xb3: {  	_ =	swait.ge [sflag:s29], $0x1  }
0xb4: {  	[sflag:s29] =	ssyncadd.s32 $0xFFFFFFFF  }
0xb5: {  	_ =	strace $0x9000004E  }
0xb6: {  	_ =	sfence  }
0xb7: {  	s30 =	sld [smem:$0x0];
	_ =	sdelay $0x2  }
0xb8: {  	s31 =	sshll.u32 s1, $0xD;
	s1 =	sshrl.u32 s1, $0x2  }
0xb9: {  	s3 =	sand.u32 $0x4000, s31;
	s1 =	sadd.s32 s1, s30  }
0xba: {  	s0 =	sor.u32 s3, s0;
	s1 =	sshll.u32 s1, $0x11  }
0xbb: {  	s0 =	sor.u32 s1, s0  }
0xbc: {  	s0 =	sadd.s32 $0x8F2B, s0  }
0xbd: {  	[sflag:s0] =	ssyncadd.remote.s32 $0x1  }
0xbe: {  	_ =	sfence.sel $0xFFFF  }
0xbf: {  	[dreg:$0x0] =	wrdreg $0xFFFFFFFF;
	(pc) =	sbr.abs _section_cstart, $3  }
0xc0: {  	[dreg:$0x1] =	wrdreg $0xFFFFFFFF  }
0xc1: {  	_ =	task.clear_ibuf [dreg:s6], $0x2FFFF;
	_ =	strace $0x9FFFFFFF  }
0xc2: {  	(tm) =	ssettm $0x7FFFFFFF  }
0xc3: {  	_ =	shalt  }
tec
execute0_lowered:
.L_overlay_start_1:
0x0: {  	(tag) =	ssettag $0x1  }
0x1: {  	s0 =	srdreg.scid  }
0x2: {  	s10 =	stileid.u32;
	s4 =	rddreg [dreg:$0x0]  }
0x3: {  	s2 =	rddreg [dreg:$0x1];
	s6 =	simm.s32 $0x0;
	s16 =	simm.s32 $0x36B0  }
0x4: {  	s11 =	simm.s32 $0x3E80;
	s15 =	simm.s32 $0x1F40;
	s28 =	simm.s32 $0x1  }
0x5: {  	s17 =	simm.s32 $0x4E20;
	s12 =	simm.s32 $0xCB20;
	s18 =	simm.s32 $0x2  }
0x6: {  	p0 =	por $0x0, $0x0;
	s14 =	simm.s32 $0x5;
	s13 =	simm.s32 $0x6  }
0x7: {  	s0 =	sand.u32 $0x1, s0;
	[smem:$0x7FF] =	sst s6;
	s3 =	sadd.s32 $0x17400, s4  }
0x8: {  	s5 =	smul.u32 $0x2710, s10;
	s25 =	sshll.u32 s10, $0x6;
	s1 =	sshll.u32 s0, $0x4  }
0x9: {  	_ =	strace $0x8000004D;
	[dreg:$0x3] =	wrdreg s3;
	s7 =	smul.u32 $0x27100, s0  }
0xa: {  	s3 =	sadd.s32 $0x17A00, s4;
	s0 =	ssub.s32 $0x2, s0;
	s1 =	sor.u32 s10, s1  }
0xb: {  	s9 =	sshrl.u32 s0, $0x1;
	s26 =	sadd.s32 s5, s2;
	s1 =	smul.u32 $0x2710, s1  }
0xc: {  	s10 =	simm.s32 $0x4650;
	s7 =	sadd.s32 s5, s7;
	s0 =	ssub.s32 s0, s9  }
0xd: {  	s9 =	simm.s32 $0x7D0;
	s7 =	sshrl.u32 s7, $0x3;
	s1 =	sshrl.u32 s1, $0x3  }
0xe: {  	s0 =	smax.u32 s0, $0x1;
	s7 =	sadd.s32 s7, s4;
	s1 =	sadd.s32 s1, s4  }
0xf: {  	p1 =	sne.s32 s0, $0x1;
	s4 =	sor.u32 $0x1C08, s25;
	s19 =	sadd.s32 $0x2A00, s1  }
0x10: {  	s5 =	sadd.s32 $0x1CA00, s7;
	s8 =	sadd.s32 $0xC640, s1;
	[dreg:$0x4] =	wrdreg s19  }
0x11: {  	s7 =	simm.s32 $0x8;
	s20 =	sadd.s32 $0x2AFA, s1;
	[dreg:$0x5] =	wrdreg s8  }
0x12: {  	s25 =	simm.s32 $0x14820;
	s21 =	sadd.s32 $0xC73A, s1;
	[dreg:$0x6] =	wrdreg s20  }
0x13: {  	s22 =	sadd.s32 $0x2BF4, s1;
	s23 =	sadd.s32 $0xC834, s1;
	[dreg:$0x7] =	wrdreg s21  }
0x14: {  	s24 =	sadd.s32 $0x2CEE, s1;
	s29 =	sadd.s32 $0xC92E, s1;
	[dreg:$0x8] =	wrdreg s22  }
.Ltmp0:
0x15: {  	s30 =	sadd.s32 $0x2DE8, s1;
	[dreg:$0x9] =	wrdreg s23;
	(pc) =	sbr.rel @!p1 .LBB2_3-.Ltmp0, $4  }
0x16: {  	s31 =	sadd.s32 $0xCA28, s1;
	s1 =	sadd.s32 $0xFFFFFFFF, s0;
	[dreg:$0xa] =	wrdreg s24  }
0x17: {  	s23 =	simm.s32 $0x2710;
	s22 =	simm.s32 $0x2EE0;
	s24 =	simm.s32 $0xFA0  }
0x18: {  	s21 =	simm.s32 $0x1770;
	s8 =	sshrl.u32 s26, $0x3;
	s19 =	simm.s32 $0x3  }
0x19: {  	s26 =	simm.s32 $0x4;
	s20 =	simm.s32 $0x7;
	s0 =	rddreg [dreg:$0x4]  }
0x1a: {  	[dreg:$0xb] =	wrdreg s1  }
0x1b: {  	[tilespmem:s6], [sflag:$0x1] =	stream.linear.gather [hbm4b:s0+s6], $0x7D0, $0x38;
	[tilespmem:$0x1EC30] =	vst v63  }
0x1c: {  	s1 =	rddreg [dreg:$0x5]  }
0x1d: {  	[tilespmem:s23], [sflag:$0x1] =	stream.linear.gather [hbm4b:s1+s6], $0x7D0, $0x38;
	[tilespmem:$0x1EC30] =	vst v63  }
0x1e: {  	s0 =	rddreg [dreg:$0x6]  }
0x1f: {  	[tilespmem:s9], [sflag:$0x1] =	stream.linear.gather [hbm4b:s0+s6], $0x7D0, $0x38;
	[tilespmem:$0x1EC30] =	vst v63  }
0x20: {  	s1 =	rddreg [dreg:$0x7]  }
0x21: {  	[tilespmem:s22], [sflag:$0x1] =	stream.linear.gather [hbm4b:s1+s6], $0x7D0, $0x38;
	[tilespmem:$0x1EC30] =	vst v63  }
0x22: {  	s0 =	rddreg [dreg:$0x8]  }
0x23: {  	[tilespmem:s24], [sflag:$0x1] =	stream.linear.gather [hbm4b:s0+s6], $0x7D0, $0x38;
	[tilespmem:$0x1EC30] =	vst v63  }
0x24: {  	s1 =	rddreg [dreg:$0x9]  }
0x25: {  	[tilespmem:s16], [sflag:$0x1] =	stream.linear.gather [hbm4b:s1+s6], $0x7D0, $0x38;
	[tilespmem:$0x1EC30] =	vst v63  }
0x26: {  	s0 =	rddreg [dreg:$0xa]  }
0x27: {  	[tilespmem:s21], [sflag:$0x1] =	stream.linear.gather [hbm4b:s0+s6], $0x7D0, $0x38;
	[tilespmem:$0x1EC30] =	vst v63  }
0x28: {  	_ = 	snop  }
0x29: {  	[tilespmem:s11], [sflag:$0x1] =	stream.linear.gather [hbm4b:s29+s6], $0x7D0, $0x38;
	[tilespmem:$0x1EC30] =	vst v63  }
0x2a: {  	_ = 	snop  }
0x2b: {  	[tilespmem:s15], [sflag:$0x1] =	stream.linear.gather [hbm4b:s30+s6], $0x7D0, $0x38;
	[tilespmem:$0x1EC30] =	vst v63  }
0x2c: {  	s1 =	rddreg [dreg:$0x3]  }
0x2d: {  	[tilespmem:s10], [sflag:$0x1] =	stream.linear.gather [hbm4b:s31+s6], $0x7D0, $0x38;
	[tilespmem:$0x1EC30] =	vst v63  }
0x2e: {  	[spmem:s8], [sflag:s4] =	dma.local [hbm:s1], $0x4E2  }
0x2f: {  	_ =	swait.ge [sflag:s7], $0x4E2  }
0x30: {  	[sflag:s7] =	ssyncset.done $0x0  }
0x31: {  	[sflag:s7] =	ssyncadd.s32 $0xFFFFFB1E  }
0x32: {  	_ =	swait.ge [sflag:s28], $0x7D0  }
0x33: {  	[sflag:s28] =	ssyncset.done $0x0  }
0x34: {  	[sflag:s28] =	ssyncadd.s32 $0xFFFFF830  }
0x35: {  	_ =	swait.ge [sflag:s28], $0x7D0  }
0x36: {  	[sflag:s28] =	ssyncset.done $0x0  }
0x37: {  	[sflag:s28] =	ssyncadd.s32 $0xFFFFF830  }
0x38: {  	_ =	swait.ge [sflag:s28], $0x7D0  }
0x39: {  	[sflag:s28] =	ssyncset.done $0x0  }
0x3a: {  	[sflag:s28] =	ssyncadd.s32 $0xFFFFF830  }
0x3b: {  	_ =	swait.ge [sflag:s28], $0x7D0  }
0x3c: {  	[sflag:s28] =	ssyncset.done $0x0  }
0x3d: {  	[sflag:s28] =	ssyncadd.s32 $0xFFFFF830  }
0x3e: {  	_ =	swait.ge [sflag:s28], $0x7D0  }
0x3f: {  	[sflag:s28] =	ssyncset.done $0x0  }
0x40: {  	[sflag:s28] =	ssyncadd.s32 $0xFFFFF830  }
0x41: {  	_ =	swait.ge [sflag:s28], $0x7D0  }
0x42: {  	[sflag:s28] =	ssyncset.done $0x0  }
0x43: {  	[sflag:s28] =	ssyncadd.s32 $0xFFFFF830  }
0x44: {  	_ =	swait.ge [sflag:s28], $0x7D0  }
0x45: {  	[sflag:s28] =	ssyncset.done $0x0  }
0x46: {  	[sflag:s28] =	ssyncadd.s32 $0xFFFFF830  }
0x47: {  	_ =	swait.ge [sflag:s28], $0x7D0  }
0x48: {  	[sflag:s28] =	ssyncset.done $0x0  }
0x49: {  	[sflag:s28] =	ssyncadd.s32 $0xFFFFF830  }
0x4a: {  	_ =	swait.ge [sflag:s28], $0x7D0  }
0x4b: {  	[sflag:s28] =	ssyncset.done $0x0  }
0x4c: {  	[sflag:s28] =	ssyncadd.s32 $0xFFFFF830  }
0x4d: {  	_ =	swait.ge [sflag:s28], $0x7D0  }
0x4e: {  	[sflag:s28] =	ssyncset.done $0x0  }
0x4f: {  	[sflag:s28] =	ssyncadd.s32 $0xFFFFF830  }
0x50: {  	[bflag:$0x0] =	sbarrier.arrive $0xFFFF  }
0x51: {  	[tilespmem:s17], [sflag:$0x2] =	stream.indirect.gather [hbm4b:s3+s9], $0x10, s6, s9, $0xb8;
	[tilespmem:$0x1EC30] =	vst v63  }
0x52: {  	_ = 	snop  }
0x53: {  	[tilespmem:s12], [sflag:$0x3] =	stream.indirect.gather [hbm4b:s3+s9], $0x10, s9, s9, $0xb8;
	[tilespmem:$0x1EC30] =	vst v63  }
0x54: {  	_ =	swait.ge [sflag:s18], $0x7D00  }
0x55: {  	[sflag:s18] =	ssyncset.done $0x0  }
0x56: {  	[sflag:s18] =	ssyncadd.s32 $0xFFFF8300  }
0x57: {  	[spmem:s2] =	stream.indirect.scatter.add.f32 [tilespmem:s17], [sflag:$0x5], $0x10, s23, s9, $0xb8;
	[tilespmem:$0x1EC30] =	vst v63  }
0x58: {  	_ = 	snop  }
0x59: {  	[tilespmem:s25], [sflag:$0x4] =	stream.indirect.gather [hbm4b:s3+s9], $0x10, s24, s9, $0xb8;
	[tilespmem:$0x1EC30] =	vst v63  }
0x5a: {  	_ =	swait.ge [sflag:s19], $0x7D00  }
0x5b: {  	[sflag:s19] =	ssyncset.done $0x0  }
0x5c: {  	[sflag:s19] =	ssyncadd.s32 $0xFFFF8300  }
0x5d: {  	[spmem:s2] =	stream.indirect.scatter.add.f32 [tilespmem:s12], [sflag:$0x6], $0x10, s22, s9, $0xb8;
	[tilespmem:$0x1EC30] =	vst v63  }
0x5e: {  	_ =	swait.ge [sflag:s14], $0x7D00  }
0x5f: {  	[sflag:s14] =	ssyncset.done $0x0  }
0x60: {  	[sflag:s14] =	ssyncadd.s32 $0xFFFF8300  }
0x61: {  	[tilespmem:s17], [sflag:$0x2] =	stream.indirect.gather [hbm4b:s3+s9], $0x10, s21, s9, $0xb8;
	[tilespmem:$0x1EC30] =	vst v63  }
0x62: {  	_ =	swait.ge [sflag:s26], $0x7D00  }
0x63: {  	[sflag:s26] =	ssyncset.done $0x0  }
0x64: {  	[sflag:s26] =	ssyncadd.s32 $0xFFFF8300  }
0x65: {  	[spmem:s2] =	stream.indirect.scatter.add.f32 [tilespmem:s25], [sflag:$0x7], $0x10, s16, s9, $0xb8;
	[tilespmem:$0x1EC30] =	vst v63  }
0x66: {  	_ =	swait.ge [sflag:s13], $0x7D00  }
0x67: {  	[sflag:s13] =	ssyncset.done $0x0  }
0x68: {  	[sflag:s13] =	ssyncadd.s32 $0xFFFF8300  }
0x69: {  	[tilespmem:s12], [sflag:$0x3] =	stream.indirect.gather [hbm4b:s3+s9], $0x10, s15, s9, $0xb8;
	[tilespmem:$0x1EC30] =	vst v63  }
0x6a: {  	_ =	swait.ge [sflag:s18], $0x7D00  }
0x6b: {  	[sflag:s18] =	ssyncset.done $0x0  }
0x6c: {  	[sflag:s18] =	ssyncadd.s32 $0xFFFF8300  }
0x6d: {  	[spmem:s2] =	stream.indirect.scatter.add.f32 [tilespmem:s17], [sflag:$0x5], $0x10, s11, s9, $0xb8;
	[tilespmem:$0x1EC30] =	vst v63  }
0x6e: {  	_ =	swait.ge [sflag:s19], $0x7D00  }
0x6f: {  	[sflag:s19] =	ssyncset.done $0x0  }
0x70: {  	[sflag:s19] =	ssyncadd.s32 $0xFFFF8300  }
0x71: {  	[spmem:s2] =	stream.indirect.scatter.add.f32 [tilespmem:s12], [sflag:$0x6], $0x10, s10, s9, $0xb8;
	[tilespmem:$0x1EC30] =	vst v63  }
0x72: {  	_ =	swait.ge [sflag:s20], $0x7D00  }
0x73: {  	[sflag:s20] =	ssyncset.done $0x0  }
0x74: {  	[sflag:s20] =	ssyncadd.s32 $0xFFFF8300  }
0x75: {  	_ =	swait.ge [sflag:s14], $0x7D00  }
0x76: {  	[sflag:s14] =	ssyncset.done $0x0  }
0x77: {  	[sflag:s14] =	ssyncadd.s32 $0xFFFF8300  }
0x78: {  	_ =	swait.ge [sflag:s13], $0x7D00  }
0x79: {  	[sflag:s13] =	ssyncset.done $0x0  }
0x7a: {  	[sflag:s13] =	ssyncadd.s32 $0xFFFF8300  }
0x7b: {  	[bflag:$0x0] =	sbarrier.arrive $0xFFFF  }
0x7c: {  	[hbm:s5], [sflag:s4] =	dma.local [spmem:s8], $0x4E2  }
0x7d: {  	s1 =	rddreg [dreg:$0xb]  }
0x7e: {  	p1 =	sne.s32 s1, $0x1  }
.Ltmp1:
0x7f: {  	_ = 	snop;
	(pc) =	sbr.rel @!p1 .LBB2_3-.Ltmp1, $3  }
0x80: {  	_ =	sdelay $0x1  }
0x81: {  	p0 =	por $0x1, $0x1;
	_ =	swait.ge [sflag:s7], $0x4E2  }
0x82: {  	s1 =	sadd.s32 $0xFFFFFFFF, s1;
	s0 =	rddreg [dreg:$0x4];
	[sflag:s7] =	ssyncset.done $0x0  }
.LBB2_2:
0x83: {  	[sflag:s7] =	ssyncadd.s32 $0xFFFFFB1E  }
0x84: {  	[tilespmem:s6], [sflag:$0x1] =	stream.linear.gather [hbm4b:s0+s6], $0x7D0, $0x38;
	[tilespmem:$0x1EC30] =	vst v63  }
0x85: {  	s10 =	smov.u32 s5;
	s5 =	rddreg [dreg:$0x5]  }
0x86: {  	[tilespmem:s23], [sflag:$0x1] =	stream.linear.gather [hbm4b:s5+s6], $0x7D0, $0x38;
	[tilespmem:$0x1EC30] =	vst v63  }
0x87: {  	s0 =	rddreg [dreg:$0x6]  }
0x88: {  	[tilespmem:s9], [sflag:$0x1] =	stream.linear.gather [hbm4b:s0+s6], $0x7D0, $0x38;
	[tilespmem:$0x1EC30] =	vst v63  }
0x89: {  	s5 =	rddreg [dreg:$0x7]  }
0x8a: {  	[tilespmem:s22], [sflag:$0x1] =	stream.linear.gather [hbm4b:s5+s6], $0x7D0, $0x38;
	[tilespmem:$0x1EC30] =	vst v63  }
0x8b: {  	s0 =	rddreg [dreg:$0x8]  }
0x8c: {  	[tilespmem:s24], [sflag:$0x1] =	stream.linear.gather [hbm4b:s0+s6], $0x7D0, $0x38;
	[tilespmem:$0x1EC30] =	vst v63  }
0x8d: {  	s5 =	rddreg [dreg:$0x9]  }
0x8e: {  	[tilespmem:s16], [sflag:$0x1] =	stream.linear.gather [hbm4b:s5+s6], $0x7D0, $0x38;
	[tilespmem:$0x1EC30] =	vst v63  }
0x8f: {  	s0 =	rddreg [dreg:$0xa]  }
0x90: {  	[tilespmem:s21], [sflag:$0x1] =	stream.linear.gather [hbm4b:s0+s6], $0x7D0, $0x38;
	[tilespmem:$0x1EC30] =	vst v63  }
0x91: {  	_ = 	snop  }
0x92: {  	[tilespmem:s11], [sflag:$0x1] =	stream.linear.gather [hbm4b:s29+s6], $0x7D0, $0x38;
	[tilespmem:$0x1EC30] =	vst v63  }
0x93: {  	_ = 	snop  }
0x94: {  	[tilespmem:s15], [sflag:$0x1] =	stream.linear.gather [hbm4b:s30+s6], $0x7D0, $0x38;
	[tilespmem:$0x1EC30] =	vst v63  }
0x95: {  	s5 =	smov.u32 s10;
	s10 =	simm.s32 $0x4650;
	s0 =	rddreg [dreg:$0x3]  }
0x96: {  	[tilespmem:s10], [sflag:$0x1] =	stream.linear.gather [hbm4b:s31+s6], $0x7D0, $0x38;
	[tilespmem:$0x1EC30] =	vst v63  }
0x97: {  	[spmem:s8], [sflag:s4] =	dma.local [hbm:s0], $0x4E2  }
0x98: {  	_ =	swait.ge [sflag:s7], $0x4E2  }
0x99: {  	[sflag:s7] =	ssyncset.done $0x0  }
0x9a: {  	[sflag:s7] =	ssyncadd.s32 $0xFFFFFB1E  }
0x9b: {  	_ =	swait.ge [sflag:s28], $0x7D0  }
0x9c: {  	[sflag:s28] =	ssyncset.done $0x0  }
0x9d: {  	[sflag:s28] =	ssyncadd.s32 $0xFFFFF830  }
0x9e: {  	_ =	swait.ge [sflag:s28], $0x7D0  }
0x9f: {  	[sflag:s28] =	ssyncset.done $0x0  }
0xa0: {  	[sflag:s28] =	ssyncadd.s32 $0xFFFFF830  }
0xa1: {  	_ =	swait.ge [sflag:s28], $0x7D0  }
0xa2: {  	[sflag:s28] =	ssyncset.done $0x0  }
0xa3: {  	[sflag:s28] =	ssyncadd.s32 $0xFFFFF830  }
0xa4: {  	_ =	swait.ge [sflag:s28], $0x7D0  }
0xa5: {  	[sflag:s28] =	ssyncset.done $0x0  }
0xa6: {  	[sflag:s28] =	ssyncadd.s32 $0xFFFFF830  }
0xa7: {  	_ =	swait.ge [sflag:s28], $0x7D0  }
0xa8: {  	[sflag:s28] =	ssyncset.done $0x0  }
0xa9: {  	[sflag:s28] =	ssyncadd.s32 $0xFFFFF830  }
0xaa: {  	_ =	swait.ge [sflag:s28], $0x7D0  }
0xab: {  	[sflag:s28] =	ssyncset.done $0x0  }
0xac: {  	[sflag:s28] =	ssyncadd.s32 $0xFFFFF830  }
0xad: {  	_ =	swait.ge [sflag:s28], $0x7D0  }
0xae: {  	[sflag:s28] =	ssyncset.done $0x0  }
0xaf: {  	[sflag:s28] =	ssyncadd.s32 $0xFFFFF830  }
0xb0: {  	_ =	swait.ge [sflag:s28], $0x7D0  }
0xb1: {  	[sflag:s28] =	ssyncset.done $0x0  }
0xb2: {  	[sflag:s28] =	ssyncadd.s32 $0xFFFFF830  }
0xb3: {  	_ =	swait.ge [sflag:s28], $0x7D0  }
0xb4: {  	[sflag:s28] =	ssyncset.done $0x0  }
0xb5: {  	[sflag:s28] =	ssyncadd.s32 $0xFFFFF830  }
0xb6: {  	_ =	swait.ge [sflag:s28], $0x7D0  }
0xb7: {  	[sflag:s28] =	ssyncset.done $0x0  }
0xb8: {  	[sflag:s28] =	ssyncadd.s32 $0xFFFFF830  }
0xb9: {  	[bflag:$0x0] =	sbarrier.arrive $0xFFFF  }
0xba: {  	[tilespmem:s17], [sflag:$0x2] =	stream.indirect.gather [hbm4b:s3+s9], $0x10, s6, s9, $0xb8;
	[tilespmem:$0x1EC30] =	vst v63  }
0xbb: {  	_ = 	snop  }
0xbc: {  	[tilespmem:s12], [sflag:$0x3] =	stream.indirect.gather [hbm4b:s3+s9], $0x10, s9, s9, $0xb8;
	[tilespmem:$0x1EC30] =	vst v63  }
0xbd: {  	_ =	swait.ge [sflag:s18], $0x7D00  }
0xbe: {  	[sflag:s18] =	ssyncset.done $0x0  }
0xbf: {  	[sflag:s18] =	ssyncadd.s32 $0xFFFF8300  }
0xc0: {  	[spmem:s2] =	stream.indirect.scatter.add.f32 [tilespmem:s17], [sflag:$0x5], $0x10, s23, s9, $0xb8;
	[tilespmem:$0x1EC30] =	vst v63  }
0xc1: {  	_ = 	snop  }
0xc2: {  	[tilespmem:s25], [sflag:$0x4] =	stream.indirect.gather [hbm4b:s3+s9], $0x10, s24, s9, $0xb8;
	[tilespmem:$0x1EC30] =	vst v63  }
0xc3: {  	_ =	swait.ge [sflag:s19], $0x7D00  }
0xc4: {  	[sflag:s19] =	ssyncset.done $0x0  }
0xc5: {  	[sflag:s19] =	ssyncadd.s32 $0xFFFF8300  }
0xc6: {  	[spmem:s2] =	stream.indirect.scatter.add.f32 [tilespmem:s12], [sflag:$0x6], $0x10, s22, s9, $0xb8;
	[tilespmem:$0x1EC30] =	vst v63  }
0xc7: {  	_ =	swait.ge [sflag:s14], $0x7D00  }
0xc8: {  	[sflag:s14] =	ssyncset.done $0x0  }
0xc9: {  	[sflag:s14] =	ssyncadd.s32 $0xFFFF8300  }
0xca: {  	[tilespmem:s17], [sflag:$0x2] =	stream.indirect.gather [hbm4b:s3+s9], $0x10, s21, s9, $0xb8;
	[tilespmem:$0x1EC30] =	vst v63  }
0xcb: {  	_ =	swait.ge [sflag:s26], $0x7D00  }
0xcc: {  	[sflag:s26] =	ssyncset.done $0x0  }
0xcd: {  	[sflag:s26] =	ssyncadd.s32 $0xFFFF8300  }
0xce: {  	[spmem:s2] =	stream.indirect.scatter.add.f32 [tilespmem:s25], [sflag:$0x7], $0x10, s16, s9, $0xb8;
	[tilespmem:$0x1EC30] =	vst v63  }
0xcf: {  	_ =	swait.ge [sflag:s13], $0x7D00  }
0xd0: {  	[sflag:s13] =	ssyncset.done $0x0  }
0xd1: {  	[sflag:s13] =	ssyncadd.s32 $0xFFFF8300  }
0xd2: {  	[tilespmem:s12], [sflag:$0x3] =	stream.indirect.gather [hbm4b:s3+s9], $0x10, s15, s9, $0xb8;
	[tilespmem:$0x1EC30] =	vst v63  }
0xd3: {  	_ =	swait.ge [sflag:s18], $0x7D00  }
0xd4: {  	[sflag:s18] =	ssyncset.done $0x0  }
0xd5: {  	[sflag:s18] =	ssyncadd.s32 $0xFFFF8300  }
0xd6: {  	[spmem:s2] =	stream.indirect.scatter.add.f32 [tilespmem:s17], [sflag:$0x5], $0x10, s11, s9, $0xb8;
	[tilespmem:$0x1EC30] =	vst v63  }
0xd7: {  	_ =	swait.ge [sflag:s19], $0x7D00  }
0xd8: {  	[sflag:s19] =	ssyncset.done $0x0  }
0xd9: {  	[sflag:s19] =	ssyncadd.s32 $0xFFFF8300  }
0xda: {  	[spmem:s2] =	stream.indirect.scatter.add.f32 [tilespmem:s12], [sflag:$0x6], $0x10, s10, s9, $0xb8;
	[tilespmem:$0x1EC30] =	vst v63  }
0xdb: {  	_ =	swait.ge [sflag:s20], $0x7D00  }
0xdc: {  	[sflag:s20] =	ssyncset.done $0x0  }
0xdd: {  	[sflag:s20] =	ssyncadd.s32 $0xFFFF8300  }
0xde: {  	_ =	swait.ge [sflag:s14], $0x7D00  }
0xdf: {  	[sflag:s14] =	ssyncset.done $0x0  }
0xe0: {  	[sflag:s14] =	ssyncadd.s32 $0xFFFF8300  }
0xe1: {  	_ =	swait.ge [sflag:s13], $0x7D00  }
0xe2: {  	p1 =	sne.s32 s1, $0x1;
	[sflag:s13] =	ssyncset.done $0x0  }
.Ltmp2:
0xe3: {  	[sflag:s13] =	ssyncadd.s32 $0xFFFF8300;
	(pc) =	sbr.rel @p1 .LBB2_2-.Ltmp2, $4  }
0xe4: {  	[bflag:$0x0] =	sbarrier.arrive $0xFFFF  }
0xe5: {  	[hbm:s5], [sflag:s4] =	dma.local [spmem:s8], $0x4E2  }
0xe6: {  	_ =	swait.ge [sflag:s7], $0x4E2  }
0xe7: {  	s1 =	sadd.s32 $0xFFFFFFFF, s1;
	s0 =	rddreg [dreg:$0x4];
	[sflag:s7] =	ssyncset.done $0x0  }
.LBB2_3:
0xe8: {  	[sflag:s7] =	ssyncadd.s32 @p0 $0xFFFFFB1E  }
0xe9: {  	[tilespmem:s6], [sflag:$0x1] =	stream.linear.gather [hbm4b:s0+s6], $0x7D0, $0x38;
	[tilespmem:$0x1EC30] =	vst v63  }
0xea: {  	s1 =	rddreg [dreg:$0x5]  }
0xeb: {  	[tilespmem:s23], [sflag:$0x1] =	stream.linear.gather [hbm4b:s1+s6], $0x7D0, $0x38;
	[tilespmem:$0x1EC30] =	vst v63  }
0xec: {  	s0 =	rddreg [dreg:$0x6]  }
0xed: {  	[tilespmem:s9], [sflag:$0x1] =	stream.linear.gather [hbm4b:s0+s6], $0x7D0, $0x38;
	[tilespmem:$0x1EC30] =	vst v63  }
0xee: {  	s1 =	rddreg [dreg:$0x7]  }
0xef: {  	[tilespmem:s22], [sflag:$0x1] =	stream.linear.gather [hbm4b:s1+s6], $0x7D0, $0x38;
	[tilespmem:$0x1EC30] =	vst v63  }
0xf0: {  	s0 =	rddreg [dreg:$0x8]  }
0xf1: {  	[tilespmem:s24], [sflag:$0x1] =	stream.linear.gather [hbm4b:s0+s6], $0x7D0, $0x38;
	[tilespmem:$0x1EC30] =	vst v63  }
0xf2: {  	s1 =	rddreg [dreg:$0x9]  }
0xf3: {  	[tilespmem:s16], [sflag:$0x1] =	stream.linear.gather [hbm4b:s1+s6], $0x7D0, $0x38;
	[tilespmem:$0x1EC30] =	vst v63  }
0xf4: {  	s0 =	rddreg [dreg:$0xa]  }
0xf5: {  	[tilespmem:s21], [sflag:$0x1] =	stream.linear.gather [hbm4b:s0+s6], $0x7D0, $0x38;
	[tilespmem:$0x1EC30] =	vst v63  }
0xf6: {  	_ = 	snop  }
0xf7: {  	[tilespmem:s11], [sflag:$0x1] =	stream.linear.gather [hbm4b:s29+s6], $0x7D0, $0x38;
	[tilespmem:$0x1EC30] =	vst v63  }
0xf8: {  	_ = 	snop  }
0xf9: {  	[tilespmem:s15], [sflag:$0x1] =	stream.linear.gather [hbm4b:s30+s6], $0x7D0, $0x38;
	[tilespmem:$0x1EC30] =	vst v63  }
0xfa: {  	s30 =	rddreg [dreg:$0x3]  }
0xfb: {  	[tilespmem:s10], [sflag:$0x1] =	stream.linear.gather [hbm4b:s31+s6], $0x7D0, $0x38;
	[tilespmem:$0x1EC30] =	vst v63  }
0xfc: {  	[spmem:s8], [sflag:s4] =	dma.local [hbm:s30], $0x4E2  }
0xfd: {  	_ =	swait.ge [sflag:s7], $0x4E2  }
0xfe: {  	[sflag:s7] =	ssyncset.done $0x0  }
0xff: {  	[sflag:s7] =	ssyncadd.s32 $0xFFFFFB1E  }
0x100: {  	_ =	swait.ge [sflag:s28], $0x7D0  }
0x101: {  	[sflag:s28] =	ssyncset.done $0x0  }
0x102: {  	[sflag:s28] =	ssyncadd.s32 $0xFFFFF830  }
0x103: {  	_ =	swait.ge [sflag:s28], $0x7D0  }
0x104: {  	[sflag:s28] =	ssyncset.done $0x0  }
0x105: {  	[sflag:s28] =	ssyncadd.s32 $0xFFFFF830  }
0x106: {  	_ =	swait.ge [sflag:s28], $0x7D0  }
0x107: {  	[sflag:s28] =	ssyncset.done $0x0  }
0x108: {  	[sflag:s28] =	ssyncadd.s32 $0xFFFFF830  }
0x109: {  	_ =	swait.ge [sflag:s28], $0x7D0  }
0x10a: {  	[sflag:s28] =	ssyncset.done $0x0  }
0x10b: {  	[sflag:s28] =	ssyncadd.s32 $0xFFFFF830  }
0x10c: {  	_ =	swait.ge [sflag:s28], $0x7D0  }
0x10d: {  	[sflag:s28] =	ssyncset.done $0x0  }
0x10e: {  	[sflag:s28] =	ssyncadd.s32 $0xFFFFF830  }
0x10f: {  	_ =	swait.ge [sflag:s28], $0x7D0  }
0x110: {  	[sflag:s28] =	ssyncset.done $0x0  }
0x111: {  	[sflag:s28] =	ssyncadd.s32 $0xFFFFF830  }
0x112: {  	_ =	swait.ge [sflag:s28], $0x7D0  }
0x113: {  	[sflag:s28] =	ssyncset.done $0x0  }
0x114: {  	[sflag:s28] =	ssyncadd.s32 $0xFFFFF830  }
0x115: {  	_ =	swait.ge [sflag:s28], $0x7D0  }
0x116: {  	[sflag:s28] =	ssyncset.done $0x0  }
0x117: {  	[sflag:s28] =	ssyncadd.s32 $0xFFFFF830  }
0x118: {  	_ =	swait.ge [sflag:s28], $0x7D0  }
0x119: {  	[sflag:s28] =	ssyncset.done $0x0  }
0x11a: {  	[sflag:s28] =	ssyncadd.s32 $0xFFFFF830  }
0x11b: {  	_ =	swait.ge [sflag:s28], $0x7D0  }
0x11c: {  	[sflag:s28] =	ssyncset.done $0x0  }
0x11d: {  	[sflag:s28] =	ssyncadd.s32 $0xFFFFF830  }
0x11e: {  	[bflag:$0x0] =	sbarrier.arrive $0xFFFF  }
0x11f: {  	[tilespmem:s17], [sflag:$0x2] =	stream.indirect.gather [hbm4b:s3+s9], $0x10, s6, s9, $0xb8;
	[tilespmem:$0x1EC30] =	vst v63  }
0x120: {  	_ = 	snop  }
0x121: {  	[tilespmem:s12], [sflag:$0x3] =	stream.indirect.gather [hbm4b:s3+s9], $0x10, s9, s9, $0xb8;
	[tilespmem:$0x1EC30] =	vst v63  }
0x122: {  	_ =	swait.ge [sflag:s18], $0x7D00  }
0x123: {  	[sflag:s18] =	ssyncset.done $0x0  }
0x124: {  	[sflag:s18] =	ssyncadd.s32 $0xFFFF8300  }
0x125: {  	[spmem:s2] =	stream.indirect.scatter.add.f32 [tilespmem:s17], [sflag:$0x5], $0x10, s23, s9, $0xb8;
	[tilespmem:$0x1EC30] =	vst v63  }
0x126: {  	_ = 	snop  }
0x127: {  	[tilespmem:s25], [sflag:$0x4] =	stream.indirect.gather [hbm4b:s3+s9], $0x10, s24, s9, $0xb8;
	[tilespmem:$0x1EC30] =	vst v63  }
0x128: {  	_ =	swait.ge [sflag:s19], $0x7D00  }
0x129: {  	[sflag:s19] =	ssyncset.done $0x0  }
0x12a: {  	[sflag:s19] =	ssyncadd.s32 $0xFFFF8300  }
0x12b: {  	[spmem:s2] =	stream.indirect.scatter.add.f32 [tilespmem:s12], [sflag:$0x6], $0x10, s22, s9, $0xb8;
	[tilespmem:$0x1EC30] =	vst v63  }
0x12c: {  	_ =	swait.ge [sflag:s14], $0x7D00  }
0x12d: {  	[sflag:s14] =	ssyncset.done $0x0  }
0x12e: {  	[sflag:s14] =	ssyncadd.s32 $0xFFFF8300  }
0x12f: {  	[tilespmem:s17], [sflag:$0x2] =	stream.indirect.gather [hbm4b:s3+s9], $0x10, s21, s9, $0xb8;
	[tilespmem:$0x1EC30] =	vst v63  }
0x130: {  	_ =	swait.ge [sflag:s26], $0x7D00  }
0x131: {  	[sflag:s26] =	ssyncset.done $0x0  }
0x132: {  	[sflag:s26] =	ssyncadd.s32 $0xFFFF8300  }
0x133: {  	[spmem:s2] =	stream.indirect.scatter.add.f32 [tilespmem:s25], [sflag:$0x7], $0x10, s16, s9, $0xb8;
	[tilespmem:$0x1EC30] =	vst v63  }
0x134: {  	_ =	swait.ge [sflag:s13], $0x7D00  }
0x135: {  	[sflag:s13] =	ssyncset.done $0x0  }
0x136: {  	[sflag:s13] =	ssyncadd.s32 $0xFFFF8300  }
0x137: {  	[tilespmem:s12], [sflag:$0x3] =	stream.indirect.gather [hbm4b:s3+s9], $0x10, s15, s9, $0xb8;
	[tilespmem:$0x1EC30] =	vst v63  }
0x138: {  	_ =	swait.ge [sflag:s18], $0x7D00  }
0x139: {  	[sflag:s18] =	ssyncset.done $0x0  }
0x13a: {  	[sflag:s18] =	ssyncadd.s32 $0xFFFF8300  }
0x13b: {  	[spmem:s2] =	stream.indirect.scatter.add.f32 [tilespmem:s17], [sflag:$0x5], $0x10, s11, s9, $0xb8;
	[tilespmem:$0x1EC30] =	vst v63  }
0x13c: {  	_ =	swait.ge [sflag:s19], $0x7D00  }
0x13d: {  	[sflag:s19] =	ssyncset.done $0x0  }
0x13e: {  	[sflag:s19] =	ssyncadd.s32 $0xFFFF8300  }
0x13f: {  	[spmem:s2] =	stream.indirect.scatter.add.f32 [tilespmem:s12], [sflag:$0x6], $0x10, s10, s9, $0xb8;
	[tilespmem:$0x1EC30] =	vst v63  }
0x140: {  	_ =	swait.ge [sflag:s20], $0x7D00  }
0x141: {  	[sflag:s20] =	ssyncset.done $0x0  }
0x142: {  	[sflag:s20] =	ssyncadd.s32 $0xFFFF8300  }
0x143: {  	_ =	swait.ge [sflag:s14], $0x7D00  }
0x144: {  	[sflag:s14] =	ssyncset.done $0x0  }
0x145: {  	[sflag:s14] =	ssyncadd.s32 $0xFFFF8300  }
0x146: {  	_ =	swait.ge [sflag:s13], $0x7D00  }
0x147: {  	[sflag:s13] =	ssyncset.done $0x0  }
0x148: {  	[sflag:s13] =	ssyncadd.s32 $0xFFFF8300  }
0x149: {  	[bflag:$0x0] =	sbarrier.arrive $0xFFFF  }
0x14a: {  	[hbm:s5], [sflag:s4] =	dma.local [spmem:s8], $0x4E2  }
0x14b: {  	_ =	swait.ge [sflag:s7], $0x4E2  }
0x14c: {  	[sflag:s7] =	ssyncset.done $0x0  }
0x14d: {  	[sflag:s7] =	ssyncadd.s32 $0xFFFFFB1E  }
0x14e: {  	_ =	sfence.sel $0x180000  }
0x14f: {  	[bflag:$0x0] =	sbarrier.arrive $0xFFFF  }
0x150: {  	_ =	strace $0x9000004D  }
0x151: {  	s31 =	stileid.u32;
	[bflag:$0x2] =	sbarrier.arrive $0xFFFF  }
0x152: {  	p0 =	sne.s32 s31, $0x0;
	s0 =	rddreg [dreg:$0x2]  }
0x153: {  	s0 =	sadd.s32 @!p0 $0x100000, s0  }
0x154: {  	[sflag:s0] =	ssyncadd.tile.s32 @!p0 $0x1;
	_ =	shalt  }
.Lfunc_end2:
_tile_overlayer_lowered:
.L_overlay_start_2:
0x155: {  	(tag) =	ssettag $0x2  }
0x156: {  	s0 =	rddreg [dreg:$0x0];
	s2 =	stileid.u32  }
0x157: {  	s1 =	rddreg [dreg:$0x1];
	p0 =	sne.s32 s2, $0x0  }
0x158: {  	s3 =	rddreg [dreg:$0x2];
	[bflag:$0x3] =	sbarrier.arrive $0xFFFF;
	s2 =	simm.s32 @!p0 $0x1C08  }
0x159: {  	[timem:s3], [sflag:s2] =	dma.local @!p0 [hbm:s0], s1  }
0x15a: {  	s0 =	simm.s32 @!p0 $0x8  }
0x15b: {  	_ =	swait.ge @!p0 [sflag:s0], s1  }
0x15c: {  	s1 =	ssub.s32 @!p0 $0x0, s1;
	[sflag:s0] =	ssyncset.done @!p0 $0x0  }
0x15d: {  	[sflag:s0] =	ssyncadd.s32 @!p0 s1  }
0x15e: {  	[bflag:$0x3] =	sbarrier.arrive $0xFFFF  }
0x15f: {  	_ =	shalt  }

// kernel: kernel.9.cloned.1.call-start
scs
__scs_entry_jumppad:
0x0: {  	(pc) =	sbr.rel $0x88, $3  }
0x1: {  	(tag) =	ssettag $0x0;
	lr =	simm.s32 $0x1  }
0x2: {  	[smem:$0x3F99] =	sst lr;
	_ =	strace $0xD0000000  }
0x3: {  	_ = 	snop  }
0x4: {  	_ = 	snop  }
0x5: {  	_ = 	snop  }
0x6: {  	_ = 	snop  }
0x7: {  	_ = 	snop  }
__scs_overlays_trampoline_lowered:
0x8: {  	[smem:$0x3FA8] =	sst s0  }
0x9: {  	[smem:$0x3FA9] =	sst s1  }
0xa: {  	[smem:$0x3FAA] =	sst s2  }
0xb: {  	[smem:$0x3FAB] =	sst s3  }
0xc: {  	[smem:$0x3FAC] =	sst s4  }
0xd: {  	[smem:$0x3FAD] =	sst s5  }
0xe: {  	[smem:$0x3FAE] =	sst s6  }
0xf: {  	[smem:$0x3FAF] =	sst s7  }
0x10: {  	[smem:$0x3FB0] =	sst s8  }
0x11: {  	[smem:$0x3FB1] =	sst s9;
	s0 =	simm.s32 @!p0 $0x0  }
0x12: {  	s1 =	sld [smem:$0x3F97];
	s0 =	simm.s32 @p0 $0x1  }
0x13: {  	[smem:$0x3FB2] =	sst s0;
	s0 =	simm.s32 @!p1 $0x0  }
0x14: {  	s2 =	sld [smem:$0x3F96];
	s0 =	simm.s32 @p1 $0x1  }
0x15: {  	[smem:$0x3FB3] =	sst s0;
	s0 =	simm.s32 @!p2 $0x0  }
0x16: {  	s3 =	sld [smem:$0x3FDB];
	s0 =	simm.s32 @p2 $0x1  }
0x17: {  	s4 =	simm.s32 $0x1BF5;
	[smem:$0x3FB5] =	sst s0  }
0x18: {  	s0 =	sld [smem:$0x3F98];
	_ =	swait.ge [sflag:s4], $0x0  }
0x19: {  	s7 =	sld [smem:$0x3F99]  }
0x1a: {  	s8 =	sadd.s32 $0xFFFFE003, lr  }
0x1b: {  	s9 =	sadd.s32 $0xFFFFFEF7, lr;
	s5 =	simm.s32 $0xFFFFFFFF;
	p2 =	slt.u32 s8, $0xFFFFF086  }
0x1c: {  	p1 =	slt.u32 s9, $0xF7A;
	s5 =	simm.s32 @!p2 $0x0  }
0x1d: {  	s5 =	simm.s32 @p1 $0x1;
	p0 =	seq.s32 s7, s2  }
0x1e: {  	s7 =	smul.u32 @!p0 $0xF7A, s2;
	p2 =	seq.s32 @!p0 s5, $0x0  }
0x1f: {  	s9 =	smul.u32 $0xF7A, s1;
	s8 =	simm.s32 @!p0 $0x1BF5;
	p2 =	por !p2, p0  }
0x20: {  	[sflag:s8] =	ssyncset.s32 @!p0 $0xFFFFF086;
	s6 =	sadd.s32 @!p0 s3, s7;
	s7 =	simm.s32 @!p0 $0x108  }
0x21: {  	s3 =	sadd.s32 s3, s9;
	s6 =	sadd.s32 @!p0 $0x88, s6;
	s7 =	simm.s32 @p2 $0x1082  }
0x22: {  	[simem:s7], [sflag:s8] =	dma.local @!p0 [hbm:s6], $0xF7A  }
0x23: {  	s9 =	sor.u32 $0xD0000000, s2;
	s6 =	simm.s32 $0x108;
	_ =	swait.ge @!p0 [sflag:s8], $0x0  }
0x24: {  	s3 =	sadd.s32 $0x88, s3;
	s6 =	simm.s32 @!p1 $0x1082;
	[sflag:s4] =	ssyncset.s32 $0xFFFFF086  }
0x25: {  	[simem:s6], [sflag:s4] =	dma.local [hbm:s3], $0xF7A  }
0x26: {  	[smem:$0x3F99] =	sst s1;
	(tag) =	ssettag s2;
	_ =	strace s9  }
0x27: {  	s1 =	sld [smem:$0x3FA9]  }
0x28: {  	s2 =	sld [smem:$0x3FAA]  }
0x29: {  	s4 =	sld [smem:$0x3FAC]  }
0x2a: {  	p0 =	seq.s32 s5, $0x0;
	s5 =	sld [smem:$0x3FAD]  }
0x2b: {  	s6 =	sld [smem:$0x3FAE]  }
0x2c: {  	s7 =	sld [smem:$0x3FAF]  }
0x2d: {  	s3 =	simm.s32 $0x108;
	s8 =	sld [smem:$0x3FB0]  }
0x2e: {  	s3 =	simm.s32 @!p0 $0x1082;
	s9 =	sld [smem:$0x3FB1]  }
0x2f: {  	lr =	sadd.s32 s0, s3;
	s0 =	sld [smem:$0x3FA8]  }
0x30: {  	s3 =	sld [smem:$0x3FAB]  }
0x31: {  	[smem:$0x3FB4] =	sst s10  }
0x32: {  	s10 =	sld [smem:$0x3FB2];
	_ =	sdelay $0x3  }
0x33: {  	p0 =	seq.s32 s10, $0x1;
	s10 =	sld [smem:$0x3FB4];
	_ =	sdelay $0x3  }
0x34: {  	[smem:$0x3FB4] =	sst s10  }
0x35: {  	s10 =	sld [smem:$0x3FB3];
	_ =	sdelay $0x3  }
0x36: {  	p1 =	seq.s32 s10, $0x1;
	s10 =	sld [smem:$0x3FB4];
	_ =	sdelay $0x3  }
0x37: {  	[smem:$0x3FB4] =	sst s10  }
0x38: {  	s10 =	sld [smem:$0x3FB5]  }
0x39: {  	_ = 	snop;
	(pc) =	sbr.ind lr, $3  }
0x3a: {  	_ = 	snop  }
0x3b: {  	_ = 	snop  }
0x3c: {  	p2 =	seq.s32 s10, $0x1;
	s10 =	sld [smem:$0x3FB4]  }
0x3d: {  	_ =	shalt  }
0x3e: {  	_ =	shalt  }
0x3f: {  	_ =	shalt  }
0x40: {  	_ =	shalt  }
0x41: {  	_ =	shalt  }
0x42: {  	_ =	shalt  }
0x43: {  	_ =	shalt  }
0x44: {  	_ =	shalt  }
0x45: {  	_ =	shalt  }
0x46: {  	_ =	shalt  }
0x47: {  	_ =	shalt  }
0x48: {  	_ =	shalt  }
0x49: {  	_ =	shalt  }
0x4a: {  	_ =	shalt  }
0x4b: {  	_ =	shalt  }
0x4c: {  	_ =	shalt  }
0x4d: {  	_ =	shalt  }
0x4e: {  	_ =	shalt  }
0x4f: {  	_ =	shalt  }
0x50: {  	_ =	shalt  }
0x51: {  	_ =	shalt  }
0x52: {  	_ =	shalt  }
0x53: {  	_ =	shalt  }
0x54: {  	_ =	shalt  }
0x55: {  	_ =	shalt  }
0x56: {  	_ =	shalt  }
0x57: {  	_ =	shalt  }
0x58: {  	_ =	shalt  }
0x59: {  	_ =	shalt  }
0x5a: {  	_ =	shalt  }
0x5b: {  	_ =	shalt  }
0x5c: {  	_ =	shalt  }
0x5d: {  	_ =	shalt  }
0x5e: {  	_ =	shalt  }
0x5f: {  	_ =	shalt  }
0x60: {  	_ =	shalt  }
0x61: {  	_ =	shalt  }
0x62: {  	_ =	shalt  }
0x63: {  	_ =	shalt  }
0x64: {  	_ =	shalt  }
0x65: {  	_ =	shalt  }
0x66: {  	_ =	shalt  }
0x67: {  	_ =	shalt  }
0x68: {  	_ =	shalt  }
0x69: {  	_ =	shalt  }
0x6a: {  	_ =	shalt  }
0x6b: {  	_ =	shalt  }
0x6c: {  	_ =	shalt  }
0x6d: {  	_ =	shalt  }
0x6e: {  	_ =	shalt  }
0x6f: {  	_ =	shalt  }
0x70: {  	_ =	shalt  }
0x71: {  	_ =	shalt  }
0x72: {  	_ =	shalt  }
0x73: {  	_ =	shalt  }
0x74: {  	_ =	shalt  }
0x75: {  	_ =	shalt  }
0x76: {  	_ =	shalt  }
0x77: {  	_ =	shalt  }
0x78: {  	_ =	shalt  }
0x79: {  	_ =	shalt  }
0x7a: {  	_ =	shalt  }
0x7b: {  	_ =	shalt  }
0x7c: {  	_ =	shalt  }
0x7d: {  	_ =	shalt  }
0x7e: {  	_ =	shalt  }
0x7f: {  	_ =	shalt  }
0x80: {  	_ =	shalt  }
0x81: {  	_ =	shalt  }
0x82: {  	_ =	shalt  }
0x83: {  	_ =	shalt  }
0x84: {  	_ =	shalt  }
0x85: {  	_ =	shalt  }
0x86: {  	_ =	shalt  }
0x87: {  	_ =	shalt  }
.Lfunc_end0:
.L_simem_size_0:
called_computation_lowered:
.L_overlay_start_0:
0x88: {  	s2 =	sld [smem:$0x3FD9]  }
0x89: {  	s3 =	sld [smem:$0x3FFE];
	_ =	sdelay $0x1  }
0x8a: {  	s1 =	srdreg.scid  }
0x8b: {  	s0 =	sand.u32 $0x1, s1  }
0x8c: {  	s16 =	sshll.u32 s0, $0xA;
	s2 =	sadd.s32 s3, s2  }
0x8d: {  	s2 =	sadd.s32 s2, s16  }
0x8e: {  	[smem:$0x3FC0] =	sst s2  }
0x8f: {  	_ = 	snop  }
0x90: {  	(tm) =	ssettm $0x1  }
0x91: {  	s17 =	sld [smem:$0x3FFB];
	_ =	sdelay $0x3  }
0x92: {  	_ =	strace s17  }
0x93: {  	s2 =	sld [smem:$0x3FFC];
	_ =	sdelay $0x3  }
0x94: {  	_ =	strace s2  }
0x95: {  	s2 =	sld [smem:$0x3FFD];
	_ =	sdelay $0x3  }
0x96: {  	_ =	strace s2  }
0x97: {  	_ =	strace $0x8FFFFFFF  }
0x98: {  	s18 =	sld [smem:$0x3FDB];
	_ =	sdelay $0x1  }
0x99: {  	s19 =	simm.s32 $_scs_section_size  }
0x9a: {  	s4 =	simm.s32 $_size__tile_overlayer_lowered;
	s5 =	simm.s32 $_tile_overlayer_lowered  }
0x9b: {  	s22 =	simm.s32 $0x1BFF;
	s21 =	sshll.u32 s5, $0x1;
	s2 =	sadd.s32 s19, s18  }
0x9c: {  	s6 =	simm.s32 $0x0;
	s20 =	sshll.u32 s4, $0x1;
	s4 =	sadd.s32 s21, s2  }
0x9d: {  	[timem:s6], [sflag:s22] =	dma.local [hbm:s4], s20  }
0x9e: {  	_ =	swait.ge [sflag:s22], s20  }
0x9f: {  	s3 =	ssub.s32 $0x0, s20;
	[sflag:s22] =	ssyncset.done $0x0  }
0xa0: {  	[sflag:s22] =	ssyncadd.s32 s3;
	_ =	sdelay $0x1  }
0xa1: {  	s23 =	simm.s32 $0x1B8B  }
0xa2: {  	_ =	swait.ge [sflag:s23], $0x1  }
0xa3: {  	[sflag:s23] =	ssyncset.done $0x0  }
0xa4: {  	s25 =	simm.s32 $0x1B8E;
	s24 =	sld [smem:$0x3FFE];
	[sflag:s23] =	ssyncadd.s32 $0xFFFFFFFF  }
0xa5: {  	s26 =	simm.s32 $execute0_lowered;
	[smem:$0x3FD2] =	sst s25  }
0xa6: {  	s4 =	sshll.u32 s26, $0x1;
	_ =	strace $0x80000046;
	[dreg:$0x1] =	wrdreg $0xFFFFFFFF  }
0xa7: {  	s28 =	simm.s32 $_size_execute0_lowered;
	s2 =	sadd.s32 s2, s4;
	[dreg:$0x0] =	wrdreg $0x0  }
0xa8: {  	s4 =	sshll.u32 s28, $0x1;
	[dreg:$0x2] =	wrdreg s2  }
0xa9: {  	[dreg:$0x3] =	wrdreg s4  }
0xaa: {  	[dreg:$0x4] =	wrdreg $0xC0  }
0xab: {  	_ =	task [dreg:s6], $0x5FFFF  }
0xac: {  	[dreg:$0x1] =	wrdreg $0xFFFFFFFF  }
0xad: {  	[dreg:$0x0] =	wrdreg $0x60  }
0xae: {  	[dreg:$0x2] =	wrdreg s24  }
0xaf: {  	[dreg:$0x3] =	wrdreg $0xA4100  }
0xb0: {  	[dreg:$0x4] =	wrdreg $0x9  }
0xb1: {  	_ =	task.clear_ibuf [dreg:s6], $0x5FFFF;
	_ =	strace $0x90000046  }
0xb2: {  	s29 =	simm.s32 $0x9;
	_ =	strace $0x80000048  }
0xb3: {  	_ =	swait.ge [sflag:s29], $0x1  }
0xb4: {  	[sflag:s29] =	ssyncadd.s32 $0xFFFFFFFF  }
0xb5: {  	_ =	strace $0x90000048  }
0xb6: {  	_ =	sfence  }
0xb7: {  	s30 =	sld [smem:$0x0];
	_ =	sdelay $0x2  }
0xb8: {  	s31 =	sshll.u32 s1, $0xD;
	s1 =	sshrl.u32 s1, $0x2  }
0xb9: {  	s3 =	sand.u32 $0x4000, s31;
	s1 =	sadd.s32 s1, s30  }
0xba: {  	s0 =	sor.u32 s3, s0;
	s1 =	sshll.u32 s1, $0x11  }
0xbb: {  	s0 =	sor.u32 s1, s0  }
0xbc: {  	s0 =	sadd.s32 $0x8F2B, s0  }
0xbd: {  	[sflag:s0] =	ssyncadd.remote.s32 $0x1  }
0xbe: {  	_ =	sfence.sel $0xFFFF  }
0xbf: {  	[dreg:$0x0] =	wrdreg $0xFFFFFFFF;
	(pc) =	sbr.abs _section_cstart, $3  }
0xc0: {  	[dreg:$0x1] =	wrdreg $0xFFFFFFFF  }
0xc1: {  	_ =	task.clear_ibuf [dreg:s6], $0x2FFFF;
	_ =	strace $0x9FFFFFFF  }
0xc2: {  	(tm) =	ssettm $0x7FFFFFFF  }
0xc3: {  	_ =	shalt  }
tec
execute0_lowered:
.L_overlay_start_1:
0x0: {  	(tag) =	ssettag $0x1  }
0x1: {  	s0 =	srdreg.scid  }
0x2: {  	s22 =	sand.u32 $0x1, s0  }
0x3: {  	s0 =	stileid.u32;
	s1 =	sshll.u32 s22, $0x4  }
0x4: {  	s1 =	sor.u32 s0, s1  }
0x5: {  	s4 =	smul.u32 $0x2710, s1  }
0x6: {  	s21 =	rddreg [dreg:$0x0]  }
0x7: {  	s2 =	rddreg [dreg:$0x1];
	s3 =	simm.s32 $0x0;
	s4 =	sshrl.u32 s4, $0x3  }
0x8: {  	[smem:$0x7FF] =	sst s3;
	s12 =	sadd.s32 s4, s21  }
0x9: {  	s1 =	rddreg [dreg:$0x2];
	_ =	strace $0x80000047;
	s4 =	sadd.s32 $0xC640, s12  }
0xa: {  	[tilespmem:s3], [sflag:$0x1] =	stream.linear.gather [hbm4b:s4+s3], $0x7D0, $0x38;
	[tilespmem:$0xCB20] =	vst v63  }
0xb: {  	s6 =	simm.s32 $0x7D0;
	s5 =	sadd.s32 $0xC73A, s12  }
0xc: {  	[tilespmem:s6], [sflag:$0x1] =	stream.linear.gather [hbm4b:s5+s3], $0x7D0, $0x38;
	[tilespmem:$0xCB20] =	vst v63  }
0xd: {  	s8 =	simm.s32 $0xFA0;
	s7 =	sadd.s32 $0xC834, s12  }
0xe: {  	[tilespmem:s8], [sflag:$0x1] =	stream.linear.gather [hbm4b:s7+s3], $0x7D0, $0x38;
	[tilespmem:$0xCB20] =	vst v63  }
0xf: {  	s10 =	simm.s32 $0x1770;
	s9 =	sadd.s32 $0xC92E, s12  }
0x10: {  	[tilespmem:s10], [sflag:$0x1] =	stream.linear.gather [hbm4b:s9+s3], $0x7D0, $0x38;
	[tilespmem:$0xCB20] =	vst v63  }
0x11: {  	s13 =	simm.s32 $0x1F40;
	s15 =	simm.s32 $0x2710;
	s12 =	sadd.s32 $0xCA28, s12  }
0x12: {  	[tilespmem:s13], [sflag:$0x1] =	stream.linear.gather [hbm4b:s12+s3], $0x7D0, $0x38;
	[tilespmem:$0xCB20] =	vst v63  }
0x13: {  	s14 =	simm.s32 $0x3;
	s11 =	sadd.s32 $0x16400, s21;
	s23 =	smul.u32 $0x2710, s0  }
0x14: {  	[tilespmem:s15], [sflag:$0x3] =	stream.linear.gather [hbm4b:s11+s3], $0x7D00, $0x38;
	[tilespmem:$0xCB20] =	vst v63  }
0x15: {  	s16 =	sadd.s32 $0x17400, s21;
	_ =	swait.ge [sflag:s14], $0x7D00  }
0x16: {  	s17 =	sshll.u32 s0, $0x6;
	s18 =	sadd.s32 s23, s2;
	[sflag:s14] =	ssyncset.done $0x0  }
0x17: {  	s17 =	sor.u32 $0x1C03, s17;
	s18 =	sshrl.u32 s18, $0x3;
	[sflag:s14] =	ssyncadd.s32 $0xFFFF8300  }
0x18: {  	[spmem:s18], [sflag:s17] =	dma.local [hbm:s16], $0x4E2  }
0x19: {  	_ =	swait.ge [sflag:s14], $0x4E2  }
0x1a: {  	[sflag:s14] =	ssyncset.done $0x0  }
0x1b: {  	s19 =	simm.s32 $0x1;
	[sflag:s14] =	ssyncadd.s32 $0xFFFFFB1E  }
0x1c: {  	_ =	swait.ge [sflag:s19], $0x7D0  }
0x1d: {  	[sflag:s19] =	ssyncset.done $0x0  }
0x1e: {  	[sflag:s19] =	ssyncadd.s32 $0xFFFFF830  }
0x1f: {  	_ =	swait.ge [sflag:s19], $0x7D0  }
0x20: {  	[sflag:s19] =	ssyncset.done $0x0  }
0x21: {  	[sflag:s19] =	ssyncadd.s32 $0xFFFFF830  }
0x22: {  	_ =	swait.ge [sflag:s19], $0x7D0  }
0x23: {  	[sflag:s19] =	ssyncset.done $0x0  }
0x24: {  	[sflag:s19] =	ssyncadd.s32 $0xFFFFF830  }
0x25: {  	_ =	swait.ge [sflag:s19], $0x7D0  }
0x26: {  	[sflag:s19] =	ssyncset.done $0x0  }
0x27: {  	[sflag:s19] =	ssyncadd.s32 $0xFFFFF830  }
0x28: {  	_ =	swait.ge [sflag:s19], $0x7D0  }
0x29: {  	[sflag:s19] =	ssyncset.done $0x0  }
0x2a: {  	[sflag:s19] =	ssyncadd.s32 $0xFFFFF830  }
0x2b: {  	[bflag:$0x0] =	sbarrier.arrive $0xFFFF  }
0x2c: {  	[spmem:s2] =	stream.indirect.scatter.add.f32 [tilespmem:s15], [sflag:$0x2], $0x10, s3, s6, $0xb8;
	[tilespmem:$0xCB20] =	vst v63  }
0x2d: {  	_ = 	snop  }
0x2e: {  	[spmem:s2] =	stream.indirect.scatter.add.f32 [tilespmem:s15], [sflag:$0x2], $0x10, s6, s6, $0xb8;
	[tilespmem:$0xCB20] =	vst v63  }
0x2f: {  	_ = 	snop  }
0x30: {  	[spmem:s2] =	stream.indirect.scatter.add.f32 [tilespmem:s15], [sflag:$0x2], $0x10, s8, s6, $0xb8;
	[tilespmem:$0xCB20] =	vst v63  }
0x31: {  	_ = 	snop  }
0x32: {  	[spmem:s2] =	stream.indirect.scatter.add.f32 [tilespmem:s15], [sflag:$0x2], $0x10, s10, s6, $0xb8;
	[tilespmem:$0xCB20] =	vst v63  }
0x33: {  	s20 =	simm.s32 $0x2  }
0x34: {  	[spmem:s2] =	stream.indirect.scatter.add.f32 [tilespmem:s15], [sflag:$0x2], $0x10, s13, s6, $0xb8;
	[tilespmem:$0xCB20] =	vst v63  }
0x35: {  	_ =	swait.ge [sflag:s20], $0x7D00  }
0x36: {  	[sflag:s20] =	ssyncset.done $0x0  }
0x37: {  	[sflag:s20] =	ssyncadd.s32 $0xFFFF8300  }
0x38: {  	_ =	swait.ge [sflag:s20], $0x7D00  }
0x39: {  	[sflag:s20] =	ssyncset.done $0x0  }
0x3a: {  	[sflag:s20] =	ssyncadd.s32 $0xFFFF8300  }
0x3b: {  	_ =	swait.ge [sflag:s20], $0x7D00  }
0x3c: {  	[sflag:s20] =	ssyncset.done $0x0  }
0x3d: {  	[sflag:s20] =	ssyncadd.s32 $0xFFFF8300  }
0x3e: {  	s24 =	smul.u32 $0x27100, s22;
	s22 =	ssub.s32 $0x2, s22;
	_ =	swait.ge [sflag:s20], $0x7D00  }
0x3f: {  	s31 =	sshrl.u32 s22, $0x1;
	[sflag:s20] =	ssyncset.done $0x0  }
0x40: {  	s22 =	ssub.s32 s22, s31;
	[sflag:s20] =	ssyncadd.s32 $0xFFFF8300  }
0x41: {  	s23 =	sadd.s32 s23, s24;
	s22 =	smax.u32 s22, $0x1;
	_ =	swait.ge [sflag:s20], $0x7D00  }
0x42: {  	s23 =	sshrl.u32 s23, $0x3;
	p0 =	sne.s32 s22, $0x1;
	[sflag:s20] =	ssyncset.done $0x0  }
.Ltmp0:
0x43: {  	s21 =	sadd.s32 s23, s21;
	[sflag:s20] =	ssyncadd.s32 $0xFFFF8300;
	(pc) =	sbr.rel @!p0 .LBB2_2-.Ltmp0, $4  }
0x44: {  	s21 =	sadd.s32 $0x17A00, s21;
	[bflag:$0x0] =	sbarrier.arrive $0xFFFF  }
0x45: {  	[hbm:s21], [sflag:s17] =	dma.local [spmem:s18], $0x4E2  }
0x46: {  	_ =	swait.ge [sflag:s14], $0x4E2  }
0x47: {  	s22 =	sadd.s32 $0xFFFFFFFF, s22;
	[sflag:s14] =	ssyncset.done $0x0  }
.LBB2_1:
0x48: {  	p0 =	sne.s32 s22, $0x1;
	s22 =	sadd.s32 $0xFFFFFFFF, s22;
	[sflag:s14] =	ssyncadd.s32 $0xFFFFFB1E  }
0x49: {  	[tilespmem:s3], [sflag:$0x1] =	stream.linear.gather [hbm4b:s4+s3], $0x7D0, $0x38;
	[tilespmem:$0xCB20] =	vst v63  }
0x4a: {  	_ = 	snop  }
0x4b: {  	[tilespmem:s6], [sflag:$0x1] =	stream.linear.gather [hbm4b:s5+s3], $0x7D0, $0x38;
	[tilespmem:$0xCB20] =	vst v63  }
0x4c: {  	_ = 	snop  }
0x4d: {  	[tilespmem:s8], [sflag:$0x1] =	stream.linear.gather [hbm4b:s7+s3], $0x7D0, $0x38;
	[tilespmem:$0xCB20] =	vst v63  }
0x4e: {  	_ = 	snop  }
0x4f: {  	[tilespmem:s10], [sflag:$0x1] =	stream.linear.gather [hbm4b:s9+s3], $0x7D0, $0x38;
	[tilespmem:$0xCB20] =	vst v63  }
0x50: {  	_ = 	snop  }
0x51: {  	[tilespmem:s13], [sflag:$0x1] =	stream.linear.gather [hbm4b:s12+s3], $0x7D0, $0x38;
	[tilespmem:$0xCB20] =	vst v63  }
0x52: {  	_ = 	snop  }
0x53: {  	[tilespmem:s15], [sflag:$0x3] =	stream.linear.gather [hbm4b:s11+s3], $0x7D00, $0x38;
	[tilespmem:$0xCB20] =	vst v63  }
0x54: {  	_ =	swait.ge [sflag:s14], $0x7D00  }
0x55: {  	[sflag:s14] =	ssyncset.done $0x0  }
0x56: {  	[sflag:s14] =	ssyncadd.s32 $0xFFFF8300  }
0x57: {  	[spmem:s18], [sflag:s17] =	dma.local [hbm:s16], $0x4E2  }
0x58: {  	_ =	swait.ge [sflag:s14], $0x4E2  }
0x59: {  	[sflag:s14] =	ssyncset.done $0x0  }
0x5a: {  	[sflag:s14] =	ssyncadd.s32 $0xFFFFFB1E  }
0x5b: {  	_ =	swait.ge [sflag:s19], $0x7D0  }
0x5c: {  	[sflag:s19] =	ssyncset.done $0x0  }
0x5d: {  	[sflag:s19] =	ssyncadd.s32 $0xFFFFF830  }
0x5e: {  	_ =	swait.ge [sflag:s19], $0x7D0  }
0x5f: {  	[sflag:s19] =	ssyncset.done $0x0  }
0x60: {  	[sflag:s19] =	ssyncadd.s32 $0xFFFFF830  }
0x61: {  	_ =	swait.ge [sflag:s19], $0x7D0  }
0x62: {  	[sflag:s19] =	ssyncset.done $0x0  }
0x63: {  	[sflag:s19] =	ssyncadd.s32 $0xFFFFF830  }
0x64: {  	_ =	swait.ge [sflag:s19], $0x7D0  }
0x65: {  	[sflag:s19] =	ssyncset.done $0x0  }
0x66: {  	[sflag:s19] =	ssyncadd.s32 $0xFFFFF830  }
0x67: {  	_ =	swait.ge [sflag:s19], $0x7D0  }
0x68: {  	[sflag:s19] =	ssyncset.done $0x0  }
0x69: {  	[sflag:s19] =	ssyncadd.s32 $0xFFFFF830  }
0x6a: {  	[bflag:$0x0] =	sbarrier.arrive $0xFFFF  }
0x6b: {  	[spmem:s2] =	stream.indirect.scatter.add.f32 [tilespmem:s15], [sflag:$0x2], $0x10, s3, s6, $0xb8;
	[tilespmem:$0xCB20] =	vst v63  }
0x6c: {  	_ = 	snop  }
0x6d: {  	[spmem:s2] =	stream.indirect.scatter.add.f32 [tilespmem:s15], [sflag:$0x2], $0x10, s6, s6, $0xb8;
	[tilespmem:$0xCB20] =	vst v63  }
0x6e: {  	_ = 	snop  }
0x6f: {  	[spmem:s2] =	stream.indirect.scatter.add.f32 [tilespmem:s15], [sflag:$0x2], $0x10, s8, s6, $0xb8;
	[tilespmem:$0xCB20] =	vst v63  }
0x70: {  	_ = 	snop  }
0x71: {  	[spmem:s2] =	stream.indirect.scatter.add.f32 [tilespmem:s15], [sflag:$0x2], $0x10, s10, s6, $0xb8;
	[tilespmem:$0xCB20] =	vst v63  }
0x72: {  	_ = 	snop  }
0x73: {  	[spmem:s2] =	stream.indirect.scatter.add.f32 [tilespmem:s15], [sflag:$0x2], $0x10, s13, s6, $0xb8;
	[tilespmem:$0xCB20] =	vst v63  }
0x74: {  	_ =	swait.ge [sflag:s20], $0x7D00  }
0x75: {  	[sflag:s20] =	ssyncset.done $0x0  }
0x76: {  	[sflag:s20] =	ssyncadd.s32 $0xFFFF8300  }
0x77: {  	_ =	swait.ge [sflag:s20], $0x7D00  }
0x78: {  	[sflag:s20] =	ssyncset.done $0x0  }
0x79: {  	[sflag:s20] =	ssyncadd.s32 $0xFFFF8300  }
0x7a: {  	_ =	swait.ge [sflag:s20], $0x7D00  }
0x7b: {  	[sflag:s20] =	ssyncset.done $0x0  }
0x7c: {  	[sflag:s20] =	ssyncadd.s32 $0xFFFF8300  }
0x7d: {  	_ =	swait.ge [sflag:s20], $0x7D00  }
0x7e: {  	[sflag:s20] =	ssyncset.done $0x0  }
0x7f: {  	[sflag:s20] =	ssyncadd.s32 $0xFFFF8300  }
0x80: {  	_ =	swait.ge [sflag:s20], $0x7D00  }
0x81: {  	[sflag:s20] =	ssyncset.done $0x0  }
.Ltmp1:
0x82: {  	[sflag:s20] =	ssyncadd.s32 $0xFFFF8300;
	(pc) =	sbr.rel @p0 .LBB2_1-.Ltmp1, $4  }
0x83: {  	[bflag:$0x0] =	sbarrier.arrive $0xFFFF  }
0x84: {  	[hbm:s21], [sflag:s17] =	dma.local [spmem:s18], $0x4E2  }
0x85: {  	_ =	swait.ge [sflag:s14], $0x4E2  }
0x86: {  	[sflag:s14] =	ssyncset.done $0x0  }
.LBB2_2:
0x87: {  	[sflag:s14] =	ssyncadd.s32 $0xFFFFFB1E  }
0x88: {  	_ =	sfence.sel $0x180000  }
0x89: {  	[bflag:$0x0] =	sbarrier.arrive $0xFFFF  }
0x8a: {  	p0 =	sne.s32 s0, $0x0;
	_ =	strace $0x90000047  }
0x8b: {  	s0 =	sadd.s32 @!p0 $0x100000, s1;
	[bflag:$0x2] =	sbarrier.arrive $0xFFFF  }
0x8c: {  	[sflag:s0] =	ssyncadd.tile.s32 @!p0 $0x1;
	_ =	shalt  }
.Lfunc_end2:
_tile_overlayer_lowered:
.L_overlay_start_2:
0x8d: {  	(tag) =	ssettag $0x2  }
0x8e: {  	s0 =	rddreg [dreg:$0x0];
	s2 =	stileid.u32  }
0x8f: {  	s1 =	rddreg [dreg:$0x1];
	p0 =	sne.s32 s2, $0x0  }
0x90: {  	s3 =	rddreg [dreg:$0x2];
	[bflag:$0x3] =	sbarrier.arrive $0xFFFF;
	s2 =	simm.s32 @!p0 $0x1C03  }
0x91: {  	[timem:s3], [sflag:s2] =	dma.local @!p0 [hbm:s0], s1  }
0x92: {  	s0 =	simm.s32 @!p0 $0x3  }
0x93: {  	_ =	swait.ge @!p0 [sflag:s0], s1  }
0x94: {  	s1 =	ssub.s32 @!p0 $0x0, s1;
	[sflag:s0] =	ssyncset.done @!p0 $0x0  }
0x95: {  	[sflag:s0] =	ssyncadd.s32 @!p0 s1  }
0x96: {  	[bflag:$0x3] =	sbarrier.arrive $0xFFFF  }
0x97: {  	_ =	shalt  }

</sc_bundles>
